<compile_context>
chip_gen: v7x
topology: tpu7x:2x2x1
jax: 0.10.2.dev20260603
libtpu: 0.0.44.dev20260713+nightly
codegen_flags: <defaults>
</compile_context>

<pallas_src>
import functools

import jax
import jax.numpy as jnp
from jax import lax
from jax.experimental import pallas as pl
from jax.experimental.pallas import tpu as pltpu
from jax.experimental.pallas import tpu_sc as plsc

_BATCH = 2
_NSLC = 5
_NCOILS = 1
_K = 6
_GX = 512
_GY = 512
_M = 36000
_NNZ_PER_ROW = 48
_C = _BATCH * _NSLC * _NCOILS
_CP = 16
_NGRID = _K * _GX * _GY

_NC = 2
_NS = 16
_NW = _NC * _NS
_MPAD = 36864
_ROWS_PER_W = _MPAD // _NW
_RCHUNK = 16
_STEPS = _ROWS_PER_W // _RCHUNK
_ECHUNK = _RCHUNK * _NNZ_PER_ROW
_NNZ_PAD = _MPAD * _NNZ_PER_ROW
_PPR = 4

_MB = 1024


def _sc_spmm(table, rowidx, lanebase, vals_r, vals_i):
    mesh = plsc.VectorSubcoreMesh(core_axis_name="c", subcore_axis_name="s")

    @functools.partial(
        pl.kernel,
        mesh=mesh,
        compiler_params=pltpu.CompilerParams(needs_layout_passes=False),
        out_type=[
            jax.ShapeDtypeStruct((_MPAD, _CP), jnp.float32),
            jax.ShapeDtypeStruct((_MPAD, _CP), jnp.float32),
        ],
        scratch_types=[
            pltpu.VMEM((_ECHUNK,), jnp.int32),
            pltpu.VMEM((_ECHUNK,), jnp.int32),
            pltpu.VMEM((_ECHUNK,), jnp.float32),
            pltpu.VMEM((_ECHUNK,), jnp.float32),
            pltpu.VMEM((_ECHUNK, 128), jnp.float32),
            pltpu.VMEM((_RCHUNK, _CP), jnp.float32),
            pltpu.VMEM((_RCHUNK, _CP), jnp.float32),
            pltpu.SemaphoreType.DMA,
        ],
    )
    def k(tbl_hbm, ridx_hbm, lb_hbm, vr_hbm, vi_hbm, outr_hbm, outi_hbm,
          idx_v, lb_v, valr_v, vali_v, rows_v, accr_v, acci_v, sem):
        wid = lax.axis_index("s") * _NC + lax.axis_index("c")
        lanes = lax.iota(jnp.int32, 16)

        def step(t, carry):
            rbase = wid * _ROWS_PER_W + t * _RCHUNK
            ebase = rbase * _NNZ_PER_ROW
            pltpu.sync_copy(ridx_hbm.at[pl.ds(ebase, _ECHUNK)], idx_v)
            pltpu.sync_copy(lb_hbm.at[pl.ds(ebase, _ECHUNK)], lb_v)
            pltpu.sync_copy(vr_hbm.at[pl.ds(ebase, _ECHUNK)], valr_v)
            pltpu.sync_copy(vi_hbm.at[pl.ds(ebase, _ECHUNK)], vali_v)
            pltpu.async_copy(tbl_hbm.at[idx_v], rows_v, sem).wait()

            def row(r, carry2):
                accr = jnp.zeros((16,), jnp.float32)
                acci = jnp.zeros((16,), jnp.float32)
                for j in range(_NNZ_PER_ROW):
                    e = r * _NNZ_PER_ROW + j
                    es = jnp.full((16,), e, jnp.int32)
                    vr = plsc.load_gather(valr_v, [es])
                    vi = plsc.load_gather(vali_v, [es])
                    lb = plsc.load_gather(lb_v, [es]) + lanes
                    ar = plsc.load_gather(rows_v, [es, lb])
                    ai = plsc.load_gather(rows_v, [es, lb + 16])
                    accr = accr + vr * ar - vi * ai
                    acci = acci + vr * ai + vi * ar
                rs = jnp.full((16,), r, jnp.int32)
                plsc.store_scatter(accr_v, [rs, lanes], accr)
                plsc.store_scatter(acci_v, [rs, lanes], acci)
                return carry2

            lax.fori_loop(0, _RCHUNK, row, 0)
            pltpu.sync_copy(accr_v, outr_hbm.at[pl.ds(rbase, _RCHUNK)])
            pltpu.sync_copy(acci_v, outi_hbm.at[pl.ds(rbase, _RCHUNK)])
            return carry

        lax.fori_loop(0, _STEPS, step, 0)

    return k(table, rowidx, lanebase, vals_r, vals_i)


def _mix_body(gr_ref, gi_ref, pr_ref, pi_ref, w_ref, yr_ref, yi_ref):
    w = w_ref[0, :]
    for b in range(_BATCH):
        pr_acc = jnp.zeros_like(w)
        pi_acc = jnp.zeros_like(w)
        grs = []
        gis = []
        for s in range(_NSLC):
            gr = gr_ref[b * _NSLC + s, :]
            gi = gi_ref[b * _NSLC + s, :]
            fr = pr_ref[s, :]
            fi = pi_ref[s, :]
            pr_acc = pr_acc + gr * fr - gi * fi
            pi_acc = pi_acc + gr * fi + gi * fr
            grs.append(gr)
            gis.append(gi)
        for r in range(_NSLC):
            fr = pr_ref[r, :]
            fi = pi_ref[r, :]
            mag = 1.0 - (fr * fr + fi * fi)
            yr = grs[r] * mag + pr_acc * fr + pi_acc * fi
            yi = gis[r] * mag + pi_acc * fr - pr_acc * fi
            yr_ref[b * _NSLC + r, :] = yr * w
            yi_ref[b * _NSLC + r, :] = yi * w


def _mix(gr_t, gi_t, phi_r, phi_i, w):
    grid = _MPAD // _MB
    spec_g = pl.BlockSpec((_C, _MB), lambda i: (0, i))
    spec_p = pl.BlockSpec((_NSLC, _MB), lambda i: (0, i))
    spec_w = pl.BlockSpec((1, _MB), lambda i: (0, i))
    return pl.pallas_call(
        _mix_body,
        grid=(grid,),
        in_specs=[spec_g, spec_g, spec_p, spec_p, spec_w],
        out_specs=[spec_g, spec_g],
        out_shape=[
            jax.ShapeDtypeStruct((_C, _MPAD), jnp.float32),
            jax.ShapeDtypeStruct((_C, _MPAD), jnp.float32),
        ],
    )(gr_t, gi_t, phi_r, phi_i, w)


def kernel(x_real, x_imag, apod_real, apod_imag, gu_vals_real, gu_vals_imag,
           phi_real, phi_imag, rdcf, gu_rows, gu_cols):
    x = lax.complex(x_real, x_imag)
    apod = lax.complex(apod_real, apod_imag)[None, None, None, None, :, :]
    f = jnp.fft.fft2(apod * x, s=(_GX, _GY), axes=(-2, -1)).astype(jnp.complex64)
    fl = f.reshape(_C, _NGRID)
    zpad = jnp.zeros((_CP - _C, _NGRID), jnp.float32)
    packed = jnp.concatenate(
        [jnp.real(fl), zpad, jnp.imag(fl), zpad], axis=0)
    table = packed.T.reshape(_NGRID // _PPR, _PPR * 32)

    pad_e = _NNZ_PAD - _M * _NNZ_PER_ROW
    cols_p = jnp.pad(gu_cols, (0, pad_e))
    rowidx = cols_p // _PPR
    lanebase = (cols_p % _PPR) * 32
    vr_p = jnp.pad(gu_vals_real, (0, pad_e))
    vi_p = jnp.pad(gu_vals_imag, (0, pad_e))
    g_r, g_i = _sc_spmm(table, rowidx, lanebase, vr_p, vi_p)

    pad_m = _MPAD - _M
    gr_t = g_r[:, :_C].T
    gi_t = g_i[:, :_C].T
    phi_r = jnp.pad(phi_real, ((0, 0), (0, pad_m)))
    phi_i = jnp.pad(phi_imag, ((0, 0), (0, pad_m)))
    w = jnp.pad(rdcf, (0, pad_m))[None, :]

    yr, yi = _mix(gr_t, gi_t, phi_r, phi_i, w)
    y = lax.complex(yr[:, :_M], yi[:, :_M])
    return y.reshape(_BATCH, _NSLC, _M, _NCOILS)

# --- scband reference (transcript-rebuilt; emitter-appended) ---
"""Pipeline reference for scband-low-rank-nufft-operator-1906965480023 (READ-ONLY COPY).

The authoritative reference and input builder live on the scoring server;
editing this copy changes nothing except your own understanding.
"""

import jax, jax.numpy as jnp
import numpy as np

BATCH = 2
NSLC = 5
NCOILS = 1
K = 6
NX = 256
GX = 512
GY = 512
M = 36000
NNZ_PER_ROW = 48
NNZ = M * NNZ_PER_ROW
NGRID = K * GX * GY


def setup_inputs(seed: int = 0):
    key = jax.random.key(seed)
    ks = jax.random.split(key, 12)
    x_real = jax.random.normal(ks[0], (BATCH, NSLC, NCOILS, K, NX, NX), dtype=jnp.float32)
    x_imag = jax.random.normal(ks[1], (BATCH, NSLC, NCOILS, K, NX, NX), dtype=jnp.float32)
    apod_real = 1.0 + 0.1 * jax.random.normal(ks[2], (NX, NX), dtype=jnp.float32)
    apod_imag = 0.01 * jax.random.normal(ks[3], (NX, NX), dtype=jnp.float32)
    gu_rows = jnp.repeat(jnp.arange(M, dtype=jnp.int32), NNZ_PER_ROW)
    gu_cols = jax.random.randint(ks[4], (NNZ,), 0, NGRID, dtype=jnp.int32)
    gu_vals_real = 0.1 * jax.random.normal(ks[5], (NNZ,), dtype=jnp.float32)
    gu_vals_imag = 0.1 * jax.random.normal(ks[6], (NNZ,), dtype=jnp.float32)
    phi_real = 0.5 * jax.random.normal(ks[7], (NSLC, M), dtype=jnp.float32)
    phi_imag = 0.5 * jax.random.normal(ks[8], (NSLC, M), dtype=jnp.float32)
    rdcf = 0.1 + jax.random.uniform(ks[9], (M,), dtype=jnp.float32)
    return {"x_real": x_real, "x_imag": x_imag, "apod_real": apod_real, "apod_imag": apod_imag, "gu_vals_real": gu_vals_real, "gu_vals_imag": gu_vals_imag, "phi_real": phi_real, "phi_imag": phi_imag, "rdcf": rdcf, "gu_rows": gu_rows, "gu_cols": gu_cols}


def _spmm(rows, cols, vals, X):
    g = jnp.take(X, cols, axis=0) * vals[:, None]
    return jax.ops.segment_sum(g, rows, num_segments=M)


def reference(x_real, x_imag, apod_real, apod_imag, gu_vals_real, gu_vals_imag, phi_real, phi_imag, rdcf, gu_rows, gu_cols):
    x = jax.lax.complex(x_real, x_imag)
    apod = jax.lax.complex(apod_real, apod_imag)[None, None, None, None, :, :]
    Ax = apod * x
    Ax = jnp.fft.fft2(Ax, s=(GX, GY), axes=(-2, -1)).astype(jnp.complex64)
    C = BATCH * NSLC * NCOILS
    Ax = Ax.reshape(C, -1).T
    Ar = jnp.real(Ax)
    Ai = jnp.imag(Ax)
    GUAxr = _spmm(gu_rows, gu_cols, gu_vals_real, Ar) - _spmm(gu_rows, gu_cols, gu_vals_imag, Ai)
    GUAxi = _spmm(gu_rows, gu_cols, gu_vals_real, Ai) + _spmm(gu_rows, gu_cols, gu_vals_imag, Ar)
    Axs = jax.lax.complex(GUAxr, GUAxi).reshape(M, BATCH, NSLC, NCOILS)
    phi = jax.lax.complex(phi_real, phi_imag)
    cols_out = []
    for r in range(NSLC):
        acc = Axs[:, :, r, :]
        pr_conj = jnp.conj(phi[r, :])[:, None, None]
        for s in range(NSLC):
            if s != r:
                acc = acc + Axs[:, :, s, :] * phi[s, :][:, None, None] * pr_conj
        cols_out.append(acc)
    y = jnp.stack(cols_out, axis=2)
    y = y * rdcf.astype(jnp.complex64)[:, None, None, None]
    return jnp.transpose(y, (1, 2, 0, 3))

if __name__ == "__main__":
    import jax
    _d = setup_inputs()
    print(jax.jit(kernel)(*tuple(_d.values())))

</pallas_src>

<mosaic_0001>
#map = affine_map<(d0, d1) -> (0, 0)>
#map1 = affine_map<(d0, d1) -> (0)>
module attributes {stable_mosaic.version = 14 : i64} {
  func.func @k(%arg0: i32, %arg1: i32, %arg2: memref<393216x128xf32, #tpu.memory_space<hbm>>, %arg3: memref<1769472xi32, #tpu.memory_space<hbm>>, %arg4: memref<1769472xi32, #tpu.memory_space<hbm>>, %arg5: memref<1769472xf32, #tpu.memory_space<hbm>>, %arg6: memref<1769472xf32, #tpu.memory_space<hbm>>, %arg7: memref<36864x16xf32, #tpu.memory_space<hbm>>, %arg8: memref<36864x16xf32, #tpu.memory_space<hbm>>, %arg9: memref<768xi32, #tpu.memory_space<vmem>>, %arg10: memref<768xi32, #tpu.memory_space<vmem>>, %arg11: memref<768xf32, #tpu.memory_space<vmem>>, %arg12: memref<768xf32, #tpu.memory_space<vmem>>, %arg13: memref<768x128xf32, #tpu.memory_space<vmem>>, %arg14: memref<16x16xf32, #tpu.memory_space<vmem>>, %arg15: memref<16x16xf32, #tpu.memory_space<vmem>>, %arg16: memref<!tpu.dma_semaphore, #tpu.memory_space<semaphore_mem>>) attributes {dimension_semantics = [#tpu.dimension_semantics<core_parallel>, #tpu.dimension_semantics<subcore_parallel>], iteration_bounds = array<i64: 2, 16>, scalar_prefetch = 0 : i64, scratch_operands = 8 : i64, tpu.core_type = #tpu.core_type<sc_vector_subcore>, window_params = [{transform_indices = #map}, {transform_indices = #map1}, {transform_indices = #map1}, {transform_indices = #map1}, {transform_indices = #map1}, {transform_indices = #map}, {transform_indices = #map}]} {
    %mul3A = arith.constant 2 : i32
    %mul3A_0 = arith.muli %arg1, %mul3A : i32
    %add3A = arith.addi %mul3A_0, %arg0 : i32
    %iota3A = tpu.iota {dimensions = array<i32: 0>} : vector<16xi32>
    %scan3A = arith.constant 0 : i32
    %scan3A_1 = arith.constant 0 : i32
    %scan3A_2 = arith.constant 72 : i32
    %scan3A_3 = arith.addi %scan3A_1, %scan3A_2 : i32
    %scan3A_4 = arith.constant 1 : i32
    scf.for %scan3A_6 = %scan3A_1 to %scan3A_3 step %scan3A_4  : i32 {
      %mul3A_7 = arith.constant 1152 : i32
      %mul3A_8 = arith.muli %add3A, %mul3A_7 : i32
      %mul3A_9 = arith.constant 16 : i32
      %mul3A_10 = arith.muli %scan3A_6, %mul3A_9 : i32
      %add3A_11 = arith.addi %mul3A_8, %mul3A_10 : i32
      %mul3A_12 = arith.constant 48 : i32
      %mul3A_13 = arith.muli %add3A_11, %mul3A_12 : i32
      "tpu.region"() ({
        %run_scoped3A = tpu.sem_alloc : memref<!tpu.dma_semaphore, #tpu.memory_space<semaphore_mem>>
        %dma_start3A_24 = tpu.memref_slice %arg3[%mul3A_13] : memref<1769472xi32, #tpu.memory_space<hbm>> -> memref<768xi32, #tpu.memory_space<hbm>>
        %dma_start3A_25 = tpu.memref_slice %arg3[%mul3A_13] : memref<1769472xi32, #tpu.memory_space<hbm>> -> memref<768xi32, #tpu.memory_space<hbm>>
        tpu.enqueue_dma source(%dma_start3A_25 : memref<768xi32, #tpu.memory_space<hbm>>) target(%arg9 : memref<768xi32, #tpu.memory_space<vmem>>) target_semaphore(%run_scoped3A : memref<!tpu.dma_semaphore, #tpu.memory_space<semaphore_mem>>)
        %dma_wait3A_26 = tpu.memref_slice %arg3[%mul3A_13] : memref<1769472xi32, #tpu.memory_space<hbm>> -> memref<768xi32, #tpu.memory_space<hbm>>
        %dma_wait3A_27 = tpu.memref_slice %arg3[%mul3A_13] : memref<1769472xi32, #tpu.memory_space<hbm>> -> memref<768xi32, #tpu.memory_space<hbm>>
        tpu.wait_dma2 semaphore(%run_scoped3A : memref<!tpu.dma_semaphore, #tpu.memory_space<semaphore_mem>>) src(%dma_wait3A_27 : memref<768xi32, #tpu.memory_space<hbm>>) dst(%arg9 : memref<768xi32, #tpu.memory_space<vmem>>)
        tpu.yield
      }) : () -> ()
      "tpu.region"() ({
        %run_scoped3A = tpu.sem_alloc : memref<!tpu.dma_semaphore, #tpu.memory_space<semaphore_mem>>
        %dma_start3A_24 = tpu.memref_slice %arg4[%mul3A_13] : memref<1769472xi32, #tpu.memory_space<hbm>> -> memref<768xi32, #tpu.memory_space<hbm>>
        %dma_start3A_25 = tpu.memref_slice %arg4[%mul3A_13] : memref<1769472xi32, #tpu.memory_space<hbm>> -> memref<768xi32, #tpu.memory_space<hbm>>
        tpu.enqueue_dma source(%dma_start3A_25 : memref<768xi32, #tpu.memory_space<hbm>>) target(%arg10 : memref<768xi32, #tpu.memory_space<vmem>>) target_semaphore(%run_scoped3A : memref<!tpu.dma_semaphore, #tpu.memory_space<semaphore_mem>>)
        %dma_wait3A_26 = tpu.memref_slice %arg4[%mul3A_13] : memref<1769472xi32, #tpu.memory_space<hbm>> -> memref<768xi32, #tpu.memory_space<hbm>>
        %dma_wait3A_27 = tpu.memref_slice %arg4[%mul3A_13] : memref<1769472xi32, #tpu.memory_space<hbm>> -> memref<768xi32, #tpu.memory_space<hbm>>
        tpu.wait_dma2 semaphore(%run_scoped3A : memref<!tpu.dma_semaphore, #tpu.memory_space<semaphore_mem>>) src(%dma_wait3A_27 : memref<768xi32, #tpu.memory_space<hbm>>) dst(%arg10 : memref<768xi32, #tpu.memory_space<vmem>>)
        tpu.yield
      }) : () -> ()
      "tpu.region"() ({
        %run_scoped3A = tpu.sem_alloc : memref<!tpu.dma_semaphore, #tpu.memory_space<semaphore_mem>>
        %dma_start3A_24 = tpu.memref_slice %arg5[%mul3A_13] : memref<1769472xf32, #tpu.memory_space<hbm>> -> memref<768xf32, #tpu.memory_space<hbm>>
        %dma_start3A_25 = tpu.memref_slice %arg5[%mul3A_13] : memref<1769472xf32, #tpu.memory_space<hbm>> -> memref<768xf32, #tpu.memory_space<hbm>>
        tpu.enqueue_dma source(%dma_start3A_25 : memref<768xf32, #tpu.memory_space<hbm>>) target(%arg11 : memref<768xf32, #tpu.memory_space<vmem>>) target_semaphore(%run_scoped3A : memref<!tpu.dma_semaphore, #tpu.memory_space<semaphore_mem>>)
        %dma_wait3A_26 = tpu.memref_slice %arg5[%mul3A_13] : memref<1769472xf32, #tpu.memory_space<hbm>> -> memref<768xf32, #tpu.memory_space<hbm>>
        %dma_wait3A_27 = tpu.memref_slice %arg5[%mul3A_13] : memref<1769472xf32, #tpu.memory_space<hbm>> -> memref<768xf32, #tpu.memory_space<hbm>>
        tpu.wait_dma2 semaphore(%run_scoped3A : memref<!tpu.dma_semaphore, #tpu.memory_space<semaphore_mem>>) src(%dma_wait3A_27 : memref<768xf32, #tpu.memory_space<hbm>>) dst(%arg11 : memref<768xf32, #tpu.memory_space<vmem>>)
        tpu.yield
      }) : () -> ()
      "tpu.region"() ({
        %run_scoped3A = tpu.sem_alloc : memref<!tpu.dma_semaphore, #tpu.memory_space<semaphore_mem>>
        %dma_start3A_24 = tpu.memref_slice %arg6[%mul3A_13] : memref<1769472xf32, #tpu.memory_space<hbm>> -> memref<768xf32, #tpu.memory_space<hbm>>
        %dma_start3A_25 = tpu.memref_slice %arg6[%mul3A_13] : memref<1769472xf32, #tpu.memory_space<hbm>> -> memref<768xf32, #tpu.memory_space<hbm>>
        tpu.enqueue_dma source(%dma_start3A_25 : memref<768xf32, #tpu.memory_space<hbm>>) target(%arg12 : memref<768xf32, #tpu.memory_space<vmem>>) target_semaphore(%run_scoped3A : memref<!tpu.dma_semaphore, #tpu.memory_space<semaphore_mem>>)
        %dma_wait3A_26 = tpu.memref_slice %arg6[%mul3A_13] : memref<1769472xf32, #tpu.memory_space<hbm>> -> memref<768xf32, #tpu.memory_space<hbm>>
        %dma_wait3A_27 = tpu.memref_slice %arg6[%mul3A_13] : memref<1769472xf32, #tpu.memory_space<hbm>> -> memref<768xf32, #tpu.memory_space<hbm>>
        tpu.wait_dma2 semaphore(%run_scoped3A : memref<!tpu.dma_semaphore, #tpu.memory_space<semaphore_mem>>) src(%dma_wait3A_27 : memref<768xf32, #tpu.memory_space<hbm>>) dst(%arg12 : memref<768xf32, #tpu.memory_space<vmem>>)
        tpu.yield
      }) : () -> ()
      %dma_start3A = arith.constant 0 : i32
      %dma_start3A_14 = arith.constant 0 : i32
      %dma_start3A_15 = tpu.memref_slice %arg2[%dma_start3A, %dma_start3A_14] : memref<393216x128xf32, #tpu.memory_space<hbm>> -> memref<393216x128xf32, #tpu.memory_space<hbm>>
      tpu.enqueue_indirect_dma source(%dma_start3A_15 : memref<393216x128xf32, #tpu.memory_space<hbm>>) target(%arg13 : memref<768x128xf32, #tpu.memory_space<vmem>>) offsets(%arg9 : memref<768xi32, #tpu.memory_space<vmem>>) semaphore(%arg16 : memref<!tpu.dma_semaphore, #tpu.memory_space<semaphore_mem>>)
      %dma_wait3A = arith.constant 0 : i32
      %dma_wait3A_16 = arith.constant 0 : i32
      %dma_wait3A_17 = tpu.memref_slice %arg2[%dma_wait3A, %dma_wait3A_16] : memref<393216x128xf32, #tpu.memory_space<hbm>> -> memref<393216x128xf32, #tpu.memory_space<hbm>>
      tpu.wait_indirect_dma semaphore(%arg16 : memref<!tpu.dma_semaphore, #tpu.memory_space<semaphore_mem>>) src(%dma_wait3A_17 : memref<393216x128xf32, #tpu.memory_space<hbm>>) dst(%arg13 : memref<768x128xf32, #tpu.memory_space<vmem>>)
      %scan3A_18 = arith.constant 0 : i32
      %scan3A_19 = arith.constant 0 : i32
      %scan3A_20 = arith.constant 16 : i32
      %scan3A_21 = arith.addi %scan3A_19, %scan3A_20 : i32
      %scan3A_22 = arith.constant 1 : i32
      scf.for %scan3A_24 = %scan3A_19 to %scan3A_21 step %scan3A_22  : i32 {
        %broadcast_in_dim3A = arith.constant 0.000000e+00 : f32
        %broadcast_in_dim3A_25 = vector.broadcast %broadcast_in_dim3A : f32 to vector<16xf32>
        %broadcast_in_dim3A_26 = arith.constant 0.000000e+00 : f32
        %broadcast_in_dim3A_27 = vector.broadcast %broadcast_in_dim3A_26 : f32 to vector<16xf32>
        %mul3A_28 = arith.constant 48 : i32
        %mul3A_29 = arith.muli %scan3A_24, %mul3A_28 : i32
        %add3A_30 = arith.constant 0 : i32
        %add3A_31 = arith.addi %mul3A_29, %add3A_30 : i32
        %broadcast_in_dim3A_32 = vector.broadcast %add3A_31 : i32 to vector<16xi32>
        %gather3A = tpu.vector_load_idx %arg11[%broadcast_in_dim3A_32] : memref<768xf32, #tpu.memory_space<vmem>>[vector<16xi32>], vector<16xf32>,
        %gather3A_33 = tpu.vector_load_idx %arg12[%broadcast_in_dim3A_32] : memref<768xf32, #tpu.memory_space<vmem>>[vector<16xi32>], vector<16xf32>,
        %gather3A_34 = tpu.vector_load_idx %arg10[%broadcast_in_dim3A_32] : memref<768xi32, #tpu.memory_space<vmem>>[vector<16xi32>], vector<16xi32>,
        %add3A_35 = arith.addi %gather3A_34, %iota3A : vector<16xi32>
        %gather3A_36 = tpu.vector_load_idx %arg13[%broadcast_in_dim3A_32, %add3A_35] : memref<768x128xf32, #tpu.memory_space<vmem>>[vector<16xi32>, vector<16xi32>], vector<16xf32>,
        %add3A_37 = arith.constant 16 : i32
        %add3A_38 = vector.broadcast %add3A_37 : i32 to vector<16xi32>
        %add3A_39 = arith.addi %add3A_35, %add3A_38 : vector<16xi32>
        %gather3A_40 = tpu.vector_load_idx %arg13[%broadcast_in_dim3A_32, %add3A_39] : memref<768x128xf32, #tpu.memory_space<vmem>>[vector<16xi32>, vector<16xi32>], vector<16xf32>,
        %mul3A_41 = arith.mulf %gather3A, %gather3A_36 : vector<16xf32>
        %add3A_42 = arith.addf %broadcast_in_dim3A_25, %mul3A_41 : vector<16xf32>
        %mul3A_43 = arith.mulf %gather3A_33, %gather3A_40 : vector<16xf32>
        %sub3A = arith.subf %add3A_42, %mul3A_43 : vector<16xf32>
        %mul3A_44 = arith.mulf %gather3A, %gather3A_40 : vector<16xf32>
        %add3A_45 = arith.addf %broadcast_in_dim3A_27, %mul3A_44 : vector<16xf32>
        %mul3A_46 = arith.mulf %gather3A_33, %gather3A_36 : vector<16xf32>
        %add3A_47 = arith.addf %add3A_45, %mul3A_46 : vector<16xf32>
        %mul3A_48 = arith.constant 48 : i32
        %mul3A_49 = arith.muli %scan3A_24, %mul3A_48 : i32
        %add3A_50 = arith.constant 1 : i32
        %add3A_51 = arith.addi %mul3A_49, %add3A_50 : i32
        %broadcast_in_dim3A_52 = vector.broadcast %add3A_51 : i32 to vector<16xi32>
        %gather3A_53 = tpu.vector_load_idx %arg11[%broadcast_in_dim3A_52] : memref<768xf32, #tpu.memory_space<vmem>>[vector<16xi32>], vector<16xf32>,
        %gather3A_54 = tpu.vector_load_idx %arg12[%broadcast_in_dim3A_52] : memref<768xf32, #tpu.memory_space<vmem>>[vector<16xi32>], vector<16xf32>,
        %gather3A_55 = tpu.vector_load_idx %arg10[%broadcast_in_dim3A_52] : memref<768xi32, #tpu.memory_space<vmem>>[vector<16xi32>], vector<16xi32>,
        %add3A_56 = arith.addi %gather3A_55, %iota3A : vector<16xi32>
        %gather3A_57 = tpu.vector_load_idx %arg13[%broadcast_in_dim3A_52, %add3A_56] : memref<768x128xf32, #tpu.memory_space<vmem>>[vector<16xi32>, vector<16xi32>], vector<16xf32>,
        %add3A_58 = arith.constant 16 : i32
        %add3A_59 = vector.broadcast %add3A_58 : i32 to vector<16xi32>
        %add3A_60 = arith.addi %add3A_56, %add3A_59 : vector<16xi32>
        %gather3A_61 = tpu.vector_load_idx %arg13[%broadcast_in_dim3A_52, %add3A_60] : memref<768x128xf32, #tpu.memory_space<vmem>>[vector<16xi32>, vector<16xi32>], vector<16xf32>,
        %mul3A_62 = arith.mulf %gather3A_53, %gather3A_57 : vector<16xf32>
        %add3A_63 = arith.addf %sub3A, %mul3A_62 : vector<16xf32>
        %mul3A_64 = arith.mulf %gather3A_54, %gather3A_61 : vector<16xf32>
        %sub3A_65 = arith.subf %add3A_63, %mul3A_64 : vector<16xf32>
        %mul3A_66 = arith.mulf %gather3A_53, %gather3A_61 : vector<16xf32>
        %add3A_67 = arith.addf %add3A_47, %mul3A_66 : vector<16xf32>
        %mul3A_68 = arith.mulf %gather3A_54, %gather3A_57 : vector<16xf32>
        %add3A_69 = arith.addf %add3A_67, %mul3A_68 : vector<16xf32>
        %mul3A_70 = arith.constant 48 : i32
        %mul3A_71 = arith.muli %scan3A_24, %mul3A_70 : i32
        %add3A_72 = arith.constant 2 : i32
        %add3A_73 = arith.addi %mul3A_71, %add3A_72 : i32
        %broadcast_in_dim3A_74 = vector.broadcast %add3A_73 : i32 to vector<16xi32>
        %gather3A_75 = tpu.vector_load_idx %arg11[%broadcast_in_dim3A_74] : memref<768xf32, #tpu.memory_space<vmem>>[vector<16xi32>], vector<16xf32>,
        %gather3A_76 = tpu.vector_load_idx %arg12[%broadcast_in_dim3A_74] : memref<768xf32, #tpu.memory_space<vmem>>[vector<16xi32>], vector<16xf32>,
        %gather3A_77 = tpu.vector_load_idx %arg10[%broadcast_in_dim3A_74] : memref<768xi32, #tpu.memory_space<vmem>>[vector<16xi32>], vector<16xi32>,
        %add3A_78 = arith.addi %gather3A_77, %iota3A : vector<16xi32>
        %gather3A_79 = tpu.vector_load_idx %arg13[%broadcast_in_dim3A_74, %add3A_78] : memref<768x128xf32, #tpu.memory_space<vmem>>[vector<16xi32>, vector<16xi32>], vector<16xf32>,
        %add3A_80 = arith.constant 16 : i32
        %add3A_81 = vector.broadcast %add3A_80 : i32 to vector<16xi32>
        %add3A_82 = arith.addi %add3A_78, %add3A_81 : vector<16xi32>
        %gather3A_83 = tpu.vector_load_idx %arg13[%broadcast_in_dim3A_74, %add3A_82] : memref<768x128xf32, #tpu.memory_space<vmem>>[vector<16xi32>, vector<16xi32>], vector<16xf32>,
        %mul3A_84 = arith.mulf %gather3A_75, %gather3A_79 : vector<16xf32>
        %add3A_85 = arith.addf %sub3A_65, %mul3A_84 : vector<16xf32>
        %mul3A_86 = arith.mulf %gather3A_76, %gather3A_83 : vector<16xf32>
        %sub3A_87 = arith.subf %add3A_85, %mul3A_86 : vector<16xf32>
        %mul3A_88 = arith.mulf %gather3A_75, %gather3A_83 : vector<16xf32>
        %add3A_89 = arith.addf %add3A_69, %mul3A_88 : vector<16xf32>
        %mul3A_90 = arith.mulf %gather3A_76, %gather3A_79 : vector<16xf32>
        %add3A_91 = arith.addf %add3A_89, %mul3A_90 : vector<16xf32>
        %mul3A_92 = arith.constant 48 : i32
        %mul3A_93 = arith.muli %scan3A_24, %mul3A_92 : i32
        %add3A_94 = arith.constant 3 : i32
        %add3A_95 = arith.addi %mul3A_93, %add3A_94 : i32
        %broadcast_in_dim3A_96 = vector.broadcast %add3A_95 : i32 to vector<16xi32>
        %gather3A_97 = tpu.vector_load_idx %arg11[%broadcast_in_dim3A_96] : memref<768xf32, #tpu.memory_space<vmem>>[vector<16xi32>], vector<16xf32>,
        %gather3A_98 = tpu.vector_load_idx %arg12[%broadcast_in_dim3A_96] : memref<768xf32, #tpu.memory_space<vmem>>[vector<16xi32>], vector<16xf32>,
        %gather3A_99 = tpu.vector_load_idx %arg10[%broadcast_in_dim3A_96] : memref<768xi32, #tpu.memory_space<vmem>>[vector<16xi32>], vector<16xi32>,
        %add3A_100 = arith.addi %gather3A_99, %iota3A : vector<16xi32>
        %gather3A_101 = tpu.vector_load_idx %arg13[%broadcast_in_dim3A_96, %add3A_100] : memref<768x128xf32, #tpu.memory_space<vmem>>[vector<16xi32>, vector<16xi32>], vector<16xf32>,
        %add3A_102 = arith.constant 16 : i32
        %add3A_103 = vector.broadcast %add3A_102 : i32 to vector<16xi32>
        %add3A_104 = arith.addi %add3A_100, %add3A_103 : vector<16xi32>
        %gather3A_105 = tpu.vector_load_idx %arg13[%broadcast_in_dim3A_96, %add3A_104] : memref<768x128xf32, #tpu.memory_space<vmem>>[vector<16xi32>, vector<16xi32>], vector<16xf32>,
        %mul3A_106 = arith.mulf %gather3A_97, %gather3A_101 : vector<16xf32>
        %add3A_107 = arith.addf %sub3A_87, %mul3A_106 : vector<16xf32>
        %mul3A_108 = arith.mulf %gather3A_98, %gather3A_105 : vector<16xf32>
        %sub3A_109 = arith.subf %add3A_107, %mul3A_108 : vector<16xf32>
        %mul3A_110 = arith.mulf %gather3A_97, %gather3A_105 : vector<16xf32>
        %add3A_111 = arith.addf %add3A_91, %mul3A_110 : vector<16xf32>
        %mul3A_112 = arith.mulf %gather3A_98, %gather3A_101 : vector<16xf32>
        %add3A_113 = arith.addf %add3A_111, %mul3A_112 : vector<16xf32>
        %mul3A_114 = arith.constant 48 : i32
        %mul3A_115 = arith.muli %scan3A_24, %mul3A_114 : i32
        %add3A_116 = arith.constant 4 : i32
        %add3A_117 = arith.addi %mul3A_115, %add3A_116 : i32
        %broadcast_in_dim3A_118 = vector.broadcast %add3A_117 : i32 to vector<16xi32>
        %gather3A_119 = tpu.vector_load_idx %arg11[%broadcast_in_dim3A_118] : memref<768xf32, #tpu.memory_space<vmem>>[vector<16xi32>], vector<16xf32>,
        %gather3A_120 = tpu.vector_load_idx %arg12[%broadcast_in_dim3A_118] : memref<768xf32, #tpu.memory_space<vmem>>[vector<16xi32>], vector<16xf32>,
        %gather3A_121 = tpu.vector_load_idx %arg10[%broadcast_in_dim3A_118] : memref<768xi32, #tpu.memory_space<vmem>>[vector<16xi32>], vector<16xi32>,
        %add3A_122 = arith.addi %gather3A_121, %iota3A : vector<16xi32>
        %gather3A_123 = tpu.vector_load_idx %arg13[%broadcast_in_dim3A_118, %add3A_122] : memref<768x128xf32, #tpu.memory_space<vmem>>[vector<16xi32>, vector<16xi32>], vector<16xf32>,
        %add3A_124 = arith.constant 16 : i32
        %add3A_125 = vector.broadcast %add3A_124 : i32 to vector<16xi32>
        %add3A_126 = arith.addi %add3A_122, %add3A_125 : vector<16xi32>
        %gather3A_127 = tpu.vector_load_idx %arg13[%broadcast_in_dim3A_118, %add3A_126] : memref<768x128xf32, #tpu.memory_space<vmem>>[vector<16xi32>, vector<16xi32>], vector<16xf32>,
        %mul3A_128 = arith.mulf %gather3A_119, %gather3A_123 : vector<16xf32>
        %add3A_129 = arith.addf %sub3A_109, %mul3A_128 : vector<16xf32>
        %mul3A_130 = arith.mulf %gather3A_120, %gather3A_127 : vector<16xf32>
        %sub3A_131 = arith.subf %add3A_129, %mul3A_130 : vector<16xf32>
        %mul3A_132 = arith.mulf %gather3A_119, %gather3A_127 : vector<16xf32>
        %add3A_133 = arith.addf %add3A_113, %mul3A_132 : vector<16xf32>
        %mul3A_134 = arith.mulf %gather3A_120, %gather3A_123 : vector<16xf32>
        %add3A_135 = arith.addf %add3A_133, %mul3A_134 : vector<16xf32>
        %mul3A_136 = arith.constant 48 : i32
        %mul3A_137 = arith.muli %scan3A_24, %mul3A_136 : i32
        %add3A_138 = arith.constant 5 : i32
        %add3A_139 = arith.addi %mul3A_137, %add3A_138 : i32
        %broadcast_in_dim3A_140 = vector.broadcast %add3A_139 : i32 to vector<16xi32>
        %gather3A_141 = tpu.vector_load_idx %arg11[%broadcast_in_dim3A_140] : memref<768xf32, #tpu.memory_space<vmem>>[vector<16xi32>], vector<16xf32>,
        %gather3A_142 = tpu.vector_load_idx %arg12[%broadcast_in_dim3A_140] : memref<768xf32, #tpu.memory_space<vmem>>[vector<16xi32>], vector<16xf32>,
        %gather3A_143 = tpu.vector_load_idx %arg10[%broadcast_in_dim3A_140] : memref<768xi32, #tpu.memory_space<vmem>>[vector<16xi32>], vector<16xi32>,
        %add3A_144 = arith.addi %gather3A_143, %iota3A : vector<16xi32>
        %gather3A_145 = tpu.vector_load_idx %arg13[%broadcast_in_dim3A_140, %add3A_144] : memref<768x128xf32, #tpu.memory_space<vmem>>[vector<16xi32>, vector<16xi32>], vector<16xf32>,
        %add3A_146 = arith.constant 16 : i32
        %add3A_147 = vector.broadcast %add3A_146 : i32 to vector<16xi32>
        %add3A_148 = arith.addi %add3A_144, %add3A_147 : vector<16xi32>
        %gather3A_149 = tpu.vector_load_idx %arg13[%broadcast_in_dim3A_140, %add3A_148] : memref<768x128xf32, #tpu.memory_space<vmem>>[vector<16xi32>, vector<16xi32>], vector<16xf32>,
        %mul3A_150 = arith.mulf %gather3A_141, %gather3A_145 : vector<16xf32>
        %add3A_151 = arith.addf %sub3A_131, %mul3A_150 : vector<16xf32>
        %mul3A_152 = arith.mulf %gather3A_142, %gather3A_149 : vector<16xf32>
        %sub3A_153 = arith.subf %add3A_151, %mul3A_152 : vector<16xf32>
        %mul3A_154 = arith.mulf %gather3A_141, %gather3A_149 : vector<16xf32>
        %add3A_155 = arith.addf %add3A_135, %mul3A_154 : vector<16xf32>
        %mul3A_156 = arith.mulf %gather3A_142, %gather3A_145 : vector<16xf32>
        %add3A_157 = arith.addf %add3A_155, %mul3A_156 : vector<16xf32>
        %mul3A_158 = arith.constant 48 : i32
        %mul3A_159 = arith.muli %scan3A_24, %mul3A_158 : i32
        %add3A_160 = arith.constant 6 : i32
        %add3A_161 = arith.addi %mul3A_159, %add3A_160 : i32
        %broadcast_in_dim3A_162 = vector.broadcast %add3A_161 : i32 to vector<16xi32>
        %gather3A_163 = tpu.vector_load_idx %arg11[%broadcast_in_dim3A_162] : memref<768xf32, #tpu.memory_space<vmem>>[vector<16xi32>], vector<16xf32>,
        %gather3A_164 = tpu.vector_load_idx %arg12[%broadcast_in_dim3A_162] : memref<768xf32, #tpu.memory_space<vmem>>[vector<16xi32>], vector<16xf32>,
        %gather3A_165 = tpu.vector_load_idx %arg10[%broadcast_in_dim3A_162] : memref<768xi32, #tpu.memory_space<vmem>>[vector<16xi32>], vector<16xi32>,
        %add3A_166 = arith.addi %gather3A_165, %iota3A : vector<16xi32>
        %gather3A_167 = tpu.vector_load_idx %arg13[%broadcast_in_dim3A_162, %add3A_166] : memref<768x128xf32, #tpu.memory_space<vmem>>[vector<16xi32>, vector<16xi32>], vector<16xf32>,
        %add3A_168 = arith.constant 16 : i32
        %add3A_169 = vector.broadcast %add3A_168 : i32 to vector<16xi32>
        %add3A_170 = arith.addi %add3A_166, %add3A_169 : vector<16xi32>
        %gather3A_171 = tpu.vector_load_idx %arg13[%broadcast_in_dim3A_162, %add3A_170] : memref<768x128xf32, #tpu.memory_space<vmem>>[vector<16xi32>, vector<16xi32>], vector<16xf32>,
        %mul3A_172 = arith.mulf %gather3A_163, %gather3A_167 : vector<16xf32>
        %add3A_173 = arith.addf %sub3A_153, %mul3A_172 : vector<16xf32>
        %mul3A_174 = arith.mulf %gather3A_164, %gather3A_171 : vector<16xf32>
        %sub3A_175 = arith.subf %add3A_173, %mul3A_174 : vector<16xf32>
        %mul3A_176 = arith.mulf %gather3A_163, %gather3A_171 : vector<16xf32>
        %add3A_177 = arith.addf %add3A_157, %mul3A_176 : vector<16xf32>
        %mul3A_178 = arith.mulf %gather3A_164, %gather3A_167 : vector<16xf32>
        %add3A_179 = arith.addf %add3A_177, %mul3A_178 : vector<16xf32>
        %mul3A_180 = arith.constant 48 : i32
        %mul3A_181 = arith.muli %scan3A_24, %mul3A_180 : i32
        %add3A_182 = arith.constant 7 : i32
        %add3A_183 = arith.addi %mul3A_181, %add3A_182 : i32
        %broadcast_in_dim3A_184 = vector.broadcast %add3A_183 : i32 to vector<16xi32>
        %gather3A_185 = tpu.vector_load_idx %arg11[%broadcast_in_dim3A_184] : memref<768xf32, #tpu.memory_space<vmem>>[vector<16xi32>], vector<16xf32>,
        %gather3A_186 = tpu.vector_load_idx %arg12[%broadcast_in_dim3A_184] : memref<768xf32, #tpu.memory_space<vmem>>[vector<16xi32>], vector<16xf32>,
        %gather3A_187 = tpu.vector_load_idx %arg10[%broadcast_in_dim3A_184] : memref<768xi32, #tpu.memory_space<vmem>>[vector<16xi32>], vector<16xi32>,
        %add3A_188 = arith.addi %gather3A_187, %iota3A : vector<16xi32>
        %gather3A_189 = tpu.vector_load_idx %arg13[%broadcast_in_dim3A_184, %add3A_188] : memref<768x128xf32, #tpu.memory_space<vmem>>[vector<16xi32>, vector<16xi32>], vector<16xf32>,
        %add3A_190 = arith.constant 16 : i32
        %add3A_191 = vector.broadcast %add3A_190 : i32 to vector<16xi32>
        %add3A_192 = arith.addi %add3A_188, %add3A_191 : vector<16xi32>
        %gather3A_193 = tpu.vector_load_idx %arg13[%broadcast_in_dim3A_184, %add3A_192] : memref<768x128xf32, #tpu.memory_space<vmem>>[vector<16xi32>, vector<16xi32>], vector<16xf32>,
        %mul3A_194 = arith.mulf %gather3A_185, %gather3A_189 : vector<16xf32>
        %add3A_195 = arith.addf %sub3A_175, %mul3A_194 : vector<16xf32>
        %mul3A_196 = arith.mulf %gather3A_186, %gather3A_193 : vector<16xf32>
        %sub3A_197 = arith.subf %add3A_195, %mul3A_196 : vector<16xf32>
        %mul3A_198 = arith.mulf %gather3A_185, %gather3A_193 : vector<16xf32>
        %add3A_199 = arith.addf %add3A_179, %mul3A_198 : vector<16xf32>
        %mul3A_200 = arith.mulf %gather3A_186, %gather3A_189 : vector<16xf32>
        %add3A_201 = arith.addf %add3A_199, %mul3A_200 : vector<16xf32>
        %mul3A_202 = arith.constant 48 : i32
        %mul3A_203 = arith.muli %scan3A_24, %mul3A_202 : i32
        %add3A_204 = arith.constant 8 : i32
        %add3A_205 = arith.addi %mul3A_203, %add3A_204 : i32
        %broadcast_in_dim3A_206 = vector.broadcast %add3A_205 : i32 to vector<16xi32>
        %gather3A_207 = tpu.vector_load_idx %arg11[%broadcast_in_dim3A_206] : memref<768xf32, #tpu.memory_space<vmem>>[vector<16xi32>], vector<16xf32>,
        %gather3A_208 = tpu.vector_load_idx %arg12[%broadcast_in_dim3A_206] : memref<768xf32, #tpu.memory_space<vmem>>[vector<16xi32>], vector<16xf32>,
        %gather3A_209 = tpu.vector_load_idx %arg10[%broadcast_in_dim3A_206] : memref<768xi32, #tpu.memory_space<vmem>>[vector<16xi32>], vector<16xi32>,
        %add3A_210 = arith.addi %gather3A_209, %iota3A : vector<16xi32>
        %gather3A_211 = tpu.vector_load_idx %arg13[%broadcast_in_dim3A_206, %add3A_210] : memref<768x128xf32, #tpu.memory_space<vmem>>[vector<16xi32>, vector<16xi32>], vector<16xf32>,
        %add3A_212 = arith.constant 16 : i32
        %add3A_213 = vector.broadcast %add3A_212 : i32 to vector<16xi32>
        %add3A_214 = arith.addi %add3A_210, %add3A_213 : vector<16xi32>
        %gather3A_215 = tpu.vector_load_idx %arg13[%broadcast_in_dim3A_206, %add3A_214] : memref<768x128xf32, #tpu.memory_space<vmem>>[vector<16xi32>, vector<16xi32>], vector<16xf32>,
        %mul3A_216 = arith.mulf %gather3A_207, %gather3A_211 : vector<16xf32>
        %add3A_217 = arith.addf %sub3A_197, %mul3A_216 : vector<16xf32>
        %mul3A_218 = arith.mulf %gather3A_208, %gather3A_215 : vector<16xf32>
        %sub3A_219 = arith.subf %add3A_217, %mul3A_218 : vector<16xf32>
        %mul3A_220 = arith.mulf %gather3A_207, %gather3A_215 : vector<16xf32>
        %add3A_221 = arith.addf %add3A_201, %mul3A_220 : vector<16xf32>
        %mul3A_222 = arith.mulf %gather3A_208, %gather3A_211 : vector<16xf32>
        %add3A_223 = arith.addf %add3A_221, %mul3A_222 : vector<16xf32>
        %mul3A_224 = arith.constant 48 : i32
        %mul3A_225 = arith.muli %scan3A_24, %mul3A_224 : i32
        %add3A_226 = arith.constant 9 : i32
        %add3A_227 = arith.addi %mul3A_225, %add3A_226 : i32
        %broadcast_in_dim3A_228 = vector.broadcast %add3A_227 : i32 to vector<16xi32>
        %gather3A_229 = tpu.vector_load_idx %arg11[%broadcast_in_dim3A_228] : memref<768xf32, #tpu.memory_space<vmem>>[vector<16xi32>], vector<16xf32>,
        %gather3A_230 = tpu.vector_load_idx %arg12[%broadcast_in_dim3A_228] : memref<768xf32, #tpu.memory_space<vmem>>[vector<16xi32>], vector<16xf32>,
        %gather3A_231 = tpu.vector_load_idx %arg10[%broadcast_in_dim3A_228] : memref<768xi32, #tpu.memory_space<vmem>>[vector<16xi32>], vector<16xi32>,
        %add3A_232 = arith.addi %gather3A_231, %iota3A : vector<16xi32>
        %gather3A_233 = tpu.vector_load_idx %arg13[%broadcast_in_dim3A_228, %add3A_232] : memref<768x128xf32, #tpu.memory_space<vmem>>[vector<16xi32>, vector<16xi32>], vector<16xf32>,
        %add3A_234 = arith.constant 16 : i32
        %add3A_235 = vector.broadcast %add3A_234 : i32 to vector<16xi32>
        %add3A_236 = arith.addi %add3A_232, %add3A_235 : vector<16xi32>
        %gather3A_237 = tpu.vector_load_idx %arg13[%broadcast_in_dim3A_228, %add3A_236] : memref<768x128xf32, #tpu.memory_space<vmem>>[vector<16xi32>, vector<16xi32>], vector<16xf32>,
        %mul3A_238 = arith.mulf %gather3A_229, %gather3A_233 : vector<16xf32>
        %add3A_239 = arith.addf %sub3A_219, %mul3A_238 : vector<16xf32>
        %mul3A_240 = arith.mulf %gather3A_230, %gather3A_237 : vector<16xf32>
        %sub3A_241 = arith.subf %add3A_239, %mul3A_240 : vector<16xf32>
        %mul3A_242 = arith.mulf %gather3A_229, %gather3A_237 : vector<16xf32>
        %add3A_243 = arith.addf %add3A_223, %mul3A_242 : vector<16xf32>
        %mul3A_244 = arith.mulf %gather3A_230, %gather3A_233 : vector<16xf32>
        %add3A_245 = arith.addf %add3A_243, %mul3A_244 : vector<16xf32>
        %mul3A_246 = arith.constant 48 : i32
        %mul3A_247 = arith.muli %scan3A_24, %mul3A_246 : i32
        %add3A_248 = arith.constant 10 : i32
        %add3A_249 = arith.addi %mul3A_247, %add3A_248 : i32
        %broadcast_in_dim3A_250 = vector.broadcast %add3A_249 : i32 to vector<16xi32>
        %gather3A_251 = tpu.vector_load_idx %arg11[%broadcast_in_dim3A_250] : memref<768xf32, #tpu.memory_space<vmem>>[vector<16xi32>], vector<16xf32>,
        %gather3A_252 = tpu.vector_load_idx %arg12[%broadcast_in_dim3A_250] : memref<768xf32, #tpu.memory_space<vmem>>[vector<16xi32>], vector<16xf32>,
        %gather3A_253 = tpu.vector_load_idx %arg10[%broadcast_in_dim3A_250] : memref<768xi32, #tpu.memory_space<vmem>>[vector<16xi32>], vector<16xi32>,
        %add3A_254 = arith.addi %gather3A_253, %iota3A : vector<16xi32>
        %gather3A_255 = tpu.vector_load_idx %arg13[%broadcast_in_dim3A_250, %add3A_254] : memref<768x128xf32, #tpu.memory_space<vmem>>[vector<16xi32>, vector<16xi32>], vector<16xf32>,
        %add3A_256 = arith.constant 16 : i32
        %add3A_257 = vector.broadcast %add3A_256 : i32 to vector<16xi32>
        %add3A_258 = arith.addi %add3A_254, %add3A_257 : vector<16xi32>
        %gather3A_259 = tpu.vector_load_idx %arg13[%broadcast_in_dim3A_250, %add3A_258] : memref<768x128xf32, #tpu.memory_space<vmem>>[vector<16xi32>, vector<16xi32>], vector<16xf32>,
        %mul3A_260 = arith.mulf %gather3A_251, %gather3A_255 : vector<16xf32>
        %add3A_261 = arith.addf %sub3A_241, %mul3A_260 : vector<16xf32>
        %mul3A_262 = arith.mulf %gather3A_252, %gather3A_259 : vector<16xf32>
        %sub3A_263 = arith.subf %add3A_261, %mul3A_262 : vector<16xf32>
        %mul3A_264 = arith.mulf %gather3A_251, %gather3A_259 : vector<16xf32>
        %add3A_265 = arith.addf %add3A_245, %mul3A_264 : vector<16xf32>
        %mul3A_266 = arith.mulf %gather3A_252, %gather3A_255 : vector<16xf32>
        %add3A_267 = arith.addf %add3A_265, %mul3A_266 : vector<16xf32>
        %mul3A_268 = arith.constant 48 : i32
        %mul3A_269 = arith.muli %scan3A_24, %mul3A_268 : i32
        %add3A_270 = arith.constant 11 : i32
        %add3A_271 = arith.addi %mul3A_269, %add3A_270 : i32
        %broadcast_in_dim3A_272 = vector.broadcast %add3A_271 : i32 to vector<16xi32>
        %gather3A_273 = tpu.vector_load_idx %arg11[%broadcast_in_dim3A_272] : memref<768xf32, #tpu.memory_space<vmem>>[vector<16xi32>], vector<16xf32>,
        %gather3A_274 = tpu.vector_load_idx %arg12[%broadcast_in_dim3A_272] : memref<768xf32, #tpu.memory_space<vmem>>[vector<16xi32>], vector<16xf32>,
        %gather3A_275 = tpu.vector_load_idx %arg10[%broadcast_in_dim3A_272] : memref<768xi32, #tpu.memory_space<vmem>>[vector<16xi32>], vector<16xi32>,
        %add3A_276 = arith.addi %gather3A_275, %iota3A : vector<16xi32>
        %gather3A_277 = tpu.vector_load_idx %arg13[%broadcast_in_dim3A_272, %add3A_276] : memref<768x128xf32, #tpu.memory_space<vmem>>[vector<16xi32>, vector<16xi32>], vector<16xf32>,
        %add3A_278 = arith.constant 16 : i32
        %add3A_279 = vector.broadcast %add3A_278 : i32 to vector<16xi32>
        %add3A_280 = arith.addi %add3A_276, %add3A_279 : vector<16xi32>
        %gather3A_281 = tpu.vector_load_idx %arg13[%broadcast_in_dim3A_272, %add3A_280] : memref<768x128xf32, #tpu.memory_space<vmem>>[vector<16xi32>, vector<16xi32>], vector<16xf32>,
        %mul3A_282 = arith.mulf %gather3A_273, %gather3A_277 : vector<16xf32>
        %add3A_283 = arith.addf %sub3A_263, %mul3A_282 : vector<16xf32>
        %mul3A_284 = arith.mulf %gather3A_274, %gather3A_281 : vector<16xf32>
        %sub3A_285 = arith.subf %add3A_283, %mul3A_284 : vector<16xf32>
        %mul3A_286 = arith.mulf %gather3A_273, %gather3A_281 : vector<16xf32>
        %add3A_287 = arith.addf %add3A_267, %mul3A_286 : vector<16xf32>
        %mul3A_288 = arith.mulf %gather3A_274, %gather3A_277 : vector<16xf32>
        %add3A_289 = arith.addf %add3A_287, %mul3A_288 : vector<16xf32>
        %mul3A_290 = arith.constant 48 : i32
        %mul3A_291 = arith.muli %scan3A_24, %mul3A_290 : i32
        %add3A_292 = arith.constant 12 : i32
        %add3A_293 = arith.addi %mul3A_291, %add3A_292 : i32
        %broadcast_in_dim3A_294 = vector.broadcast %add3A_293 : i32 to vector<16xi32>
        %gather3A_295 = tpu.vector_load_idx %arg11[%broadcast_in_dim3A_294] : memref<768xf32, #tpu.memory_space<vmem>>[vector<16xi32>], vector<16xf32>,
        %gather3A_296 = tpu.vector_load_idx %arg12[%broadcast_in_dim3A_294] : memref<768xf32, #tpu.memory_space<vmem>>[vector<16xi32>], vector<16xf32>,
        %gather3A_297 = tpu.vector_load_idx %arg10[%broadcast_in_dim3A_294] : memref<768xi32, #tpu.memory_space<vmem>>[vector<16xi32>], vector<16xi32>,
        %add3A_298 = arith.addi %gather3A_297, %iota3A : vector<16xi32>
        %gather3A_299 = tpu.vector_load_idx %arg13[%broadcast_in_dim3A_294, %add3A_298] : memref<768x128xf32, #tpu.memory_space<vmem>>[vector<16xi32>, vector<16xi32>], vector<16xf32>,
        %add3A_300 = arith.constant 16 : i32
        %add3A_301 = vector.broadcast %add3A_300 : i32 to vector<16xi32>
        %add3A_302 = arith.addi %add3A_298, %add3A_301 : vector<16xi32>
        %gather3A_303 = tpu.vector_load_idx %arg13[%broadcast_in_dim3A_294, %add3A_302] : memref<768x128xf32, #tpu.memory_space<vmem>>[vector<16xi32>, vector<16xi32>], vector<16xf32>,
        %mul3A_304 = arith.mulf %gather3A_295, %gather3A_299 : vector<16xf32>
        %add3A_305 = arith.addf %sub3A_285, %mul3A_304 : vector<16xf32>
        %mul3A_306 = arith.mulf %gather3A_296, %gather3A_303 : vector<16xf32>
        %sub3A_307 = arith.subf %add3A_305, %mul3A_306 : vector<16xf32>
        %mul3A_308 = arith.mulf %gather3A_295, %gather3A_303 : vector<16xf32>
        %add3A_309 = arith.addf %add3A_289, %mul3A_308 : vector<16xf32>
        %mul3A_310 = arith.mulf %gather3A_296, %gather3A_299 : vector<16xf32>
        %add3A_311 = arith.addf %add3A_309, %mul3A_310 : vector<16xf32>
        %mul3A_312 = arith.constant 48 : i32
        %mul3A_313 = arith.muli %scan3A_24, %mul3A_312 : i32
        %add3A_314 = arith.constant 13 : i32
        %add3A_315 = arith.addi %mul3A_313, %add3A_314 : i32
        %broadcast_in_dim3A_316 = vector.broadcast %add3A_315 : i32 to vector<16xi32>
        %gather3A_317 = tpu.vector_load_idx %arg11[%broadcast_in_dim3A_316] : memref<768xf32, #tpu.memory_space<vmem>>[vector<16xi32>], vector<16xf32>,
        %gather3A_318 = tpu.vector_load_idx %arg12[%broadcast_in_dim3A_316] : memref<768xf32, #tpu.memory_space<vmem>>[vector<16xi32>], vector<16xf32>,
        %gather3A_319 = tpu.vector_load_idx %arg10[%broadcast_in_dim3A_316] : memref<768xi32, #tpu.memory_space<vmem>>[vector<16xi32>], vector<16xi32>,
        %add3A_320 = arith.addi %gather3A_319, %iota3A : vector<16xi32>
        %gather3A_321 = tpu.vector_load_idx %arg13[%broadcast_in_dim3A_316, %add3A_320] : memref<768x128xf32, #tpu.memory_space<vmem>>[vector<16xi32>, vector<16xi32>], vector<16xf32>,
        %add3A_322 = arith.constant 16 : i32
        %add3A_323 = vector.broadcast %add3A_322 : i32 to vector<16xi32>
        %add3A_324 = arith.addi %add3A_320, %add3A_323 : vector<16xi32>
        %gather3A_325 = tpu.vector_load_idx %arg13[%broadcast_in_dim3A_316, %add3A_324] : memref<768x128xf32, #tpu.memory_space<vmem>>[vector<16xi32>, vector<16xi32>], vector<16xf32>,
        %mul3A_326 = arith.mulf %gather3A_317, %gather3A_321 : vector<16xf32>
        %add3A_327 = arith.addf %sub3A_307, %mul3A_326 : vector<16xf32>
        %mul3A_328 = arith.mulf %gather3A_318, %gather3A_325 : vector<16xf32>
        %sub3A_329 = arith.subf %add3A_327, %mul3A_328 : vector<16xf32>
        %mul3A_330 = arith.mulf %gather3A_317, %gather3A_325 : vector<16xf32>
        %add3A_331 = arith.addf %add3A_311, %mul3A_330 : vector<16xf32>
        %mul3A_332 = arith.mulf %gather3A_318, %gather3A_321 : vector<16xf32>
        %add3A_333 = arith.addf %add3A_331, %mul3A_332 : vector<16xf32>
        %mul3A_334 = arith.constant 48 : i32
        %mul3A_335 = arith.muli %scan3A_24, %mul3A_334 : i32
        %add3A_336 = arith.constant 14 : i32
        %add3A_337 = arith.addi %mul3A_335, %add3A_336 : i32
        %broadcast_in_dim3A_338 = vector.broadcast %add3A_337 : i32 to vector<16xi32>
        %gather3A_339 = tpu.vector_load_idx %arg11[%broadcast_in_dim3A_338] : memref<768xf32, #tpu.memory_space<vmem>>[vector<16xi32>], vector<16xf32>,
        %gather3A_340 = tpu.vector_load_idx %arg12[%broadcast_in_dim3A_338] : memref<768xf32, #tpu.memory_space<vmem>>[vector<16xi32>], vector<16xf32>,
        %gather3A_341 = tpu.vector_load_idx %arg10[%broadcast_in_dim3A_338] : memref<768xi32, #tpu.memory_space<vmem>>[vector<16xi32>], vector<16xi32>,
        %add3A_342 = arith.addi %gather3A_341, %iota3A : vector<16xi32>
        %gather3A_343 = tpu.vector_load_idx %arg13[%broadcast_in_dim3A_338, %add3A_342] : memref<768x128xf32, #tpu.memory_space<vmem>>[vector<16xi32>, vector<16xi32>], vector<16xf32>,
        %add3A_344 = arith.constant 16 : i32
        %add3A_345 = vector.broadcast %add3A_344 : i32 to vector<16xi32>
        %add3A_346 = arith.addi %add3A_342, %add3A_345 : vector<16xi32>
        %gather3A_347 = tpu.vector_load_idx %arg13[%broadcast_in_dim3A_338, %add3A_346] : memref<768x128xf32, #tpu.memory_space<vmem>>[vector<16xi32>, vector<16xi32>], vector<16xf32>,
        %mul3A_348 = arith.mulf %gather3A_339, %gather3A_343 : vector<16xf32>
        %add3A_349 = arith.addf %sub3A_329, %mul3A_348 : vector<16xf32>
        %mul3A_350 = arith.mulf %gather3A_340, %gather3A_347 : vector<16xf32>
        %sub3A_351 = arith.subf %add3A_349, %mul3A_350 : vector<16xf32>
        %mul3A_352 = arith.mulf %gather3A_339, %gather3A_347 : vector<16xf32>
        %add3A_353 = arith.addf %add3A_333, %mul3A_352 : vector<16xf32>
        %mul3A_354 = arith.mulf %gather3A_340, %gather3A_343 : vector<16xf32>
        %add3A_355 = arith.addf %add3A_353, %mul3A_354 : vector<16xf32>
        %mul3A_356 = arith.constant 48 : i32
        %mul3A_357 = arith.muli %scan3A_24, %mul3A_356 : i32
        %add3A_358 = arith.constant 15 : i32
        %add3A_359 = arith.addi %mul3A_357, %add3A_358 : i32
        %broadcast_in_dim3A_360 = vector.broadcast %add3A_359 : i32 to vector<16xi32>
        %gather3A_361 = tpu.vector_load_idx %arg11[%broadcast_in_dim3A_360] : memref<768xf32, #tpu.memory_space<vmem>>[vector<16xi32>], vector<16xf32>,
        %gather3A_362 = tpu.vector_load_idx %arg12[%broadcast_in_dim3A_360] : memref<768xf32, #tpu.memory_space<vmem>>[vector<16xi32>], vector<16xf32>,
        %gather3A_363 = tpu.vector_load_idx %arg10[%broadcast_in_dim3A_360] : memref<768xi32, #tpu.memory_space<vmem>>[vector<16xi32>], vector<16xi32>,
        %add3A_364 = arith.addi %gather3A_363, %iota3A : vector<16xi32>
        %gather3A_365 = tpu.vector_load_idx %arg13[%broadcast_in_dim3A_360, %add3A_364] : memref<768x128xf32, #tpu.memory_space<vmem>>[vector<16xi32>, vector<16xi32>], vector<16xf32>,
        %add3A_366 = arith.constant 16 : i32
        %add3A_367 = vector.broadcast %add3A_366 : i32 to vector<16xi32>
        %add3A_368 = arith.addi %add3A_364, %add3A_367 : vector<16xi32>
        %gather3A_369 = tpu.vector_load_idx %arg13[%broadcast_in_dim3A_360, %add3A_368] : memref<768x128xf32, #tpu.memory_space<vmem>>[vector<16xi32>, vector<16xi32>], vector<16xf32>,
        %mul3A_370 = arith.mulf %gather3A_361, %gather3A_365 : vector<16xf32>
        %add3A_371 = arith.addf %sub3A_351, %mul3A_370 : vector<16xf32>
        %mul3A_372 = arith.mulf %gather3A_362, %gather3A_369 : vector<16xf32>
        %sub3A_373 = arith.subf %add3A_371, %mul3A_372 : vector<16xf32>
        %mul3A_374 = arith.mulf %gather3A_361, %gather3A_369 : vector<16xf32>
        %add3A_375 = arith.addf %add3A_355, %mul3A_374 : vector<16xf32>
        %mul3A_376 = arith.mulf %gather3A_362, %gather3A_365 : vector<16xf32>
        %add3A_377 = arith.addf %add3A_375, %mul3A_376 : vector<16xf32>
        %mul3A_378 = arith.constant 48 : i32
        %mul3A_379 = arith.muli %scan3A_24, %mul3A_378 : i32
        %add3A_380 = arith.constant 16 : i32
        %add3A_381 = arith.addi %mul3A_379, %add3A_380 : i32
        %broadcast_in_dim3A_382 = vector.broadcast %add3A_381 : i32 to vector<16xi32>
        %gather3A_383 = tpu.vector_load_idx %arg11[%broadcast_in_dim3A_382] : memref<768xf32, #tpu.memory_space<vmem>>[vector<16xi32>], vector<16xf32>,
        %gather3A_384 = tpu.vector_load_idx %arg12[%broadcast_in_dim3A_382] : memref<768xf32, #tpu.memory_space<vmem>>[vector<16xi32>], vector<16xf32>,
        %gather3A_385 = tpu.vector_load_idx %arg10[%broadcast_in_dim3A_382] : memref<768xi32, #tpu.memory_space<vmem>>[vector<16xi32>], vector<16xi32>,
        %add3A_386 = arith.addi %gather3A_385, %iota3A : vector<16xi32>
        %gather3A_387 = tpu.vector_load_idx %arg13[%broadcast_in_dim3A_382, %add3A_386] : memref<768x128xf32, #tpu.memory_space<vmem>>[vector<16xi32>, vector<16xi32>], vector<16xf32>,
        %add3A_388 = arith.constant 16 : i32
        %add3A_389 = vector.broadcast %add3A_388 : i32 to vector<16xi32>
        %add3A_390 = arith.addi %add3A_386, %add3A_389 : vector<16xi32>
        %gather3A_391 = tpu.vector_load_idx %arg13[%broadcast_in_dim3A_382, %add3A_390] : memref<768x128xf32, #tpu.memory_space<vmem>>[vector<16xi32>, vector<16xi32>], vector<16xf32>,
        %mul3A_392 = arith.mulf %gather3A_383, %gather3A_387 : vector<16xf32>
        %add3A_393 = arith.addf %sub3A_373, %mul3A_392 : vector<16xf32>
        %mul3A_394 = arith.mulf %gather3A_384, %gather3A_391 : vector<16xf32>
        %sub3A_395 = arith.subf %add3A_393, %mul3A_394 : vector<16xf32>
        %mul3A_396 = arith.mulf %gather3A_383, %gather3A_391 : vector<16xf32>
        %add3A_397 = arith.addf %add3A_377, %mul3A_396 : vector<16xf32>
        %mul3A_398 = arith.mulf %gather3A_384, %gather3A_387 : vector<16xf32>
        %add3A_399 = arith.addf %add3A_397, %mul3A_398 : vector<16xf32>
        %mul3A_400 = arith.constant 48 : i32
        %mul3A_401 = arith.muli %scan3A_24, %mul3A_400 : i32
        %add3A_402 = arith.constant 17 : i32
        %add3A_403 = arith.addi %mul3A_401, %add3A_402 : i32
        %broadcast_in_dim3A_404 = vector.broadcast %add3A_403 : i32 to vector<16xi32>
        %gather3A_405 = tpu.vector_load_idx %arg11[%broadcast_in_dim3A_404] : memref<768xf32, #tpu.memory_space<vmem>>[vector<16xi32>], vector<16xf32>,
        %gather3A_406 = tpu.vector_load_idx %arg12[%broadcast_in_dim3A_404] : memref<768xf32, #tpu.memory_space<vmem>>[vector<16xi32>], vector<16xf32>,
        %gather3A_407 = tpu.vector_load_idx %arg10[%broadcast_in_dim3A_404] : memref<768xi32, #tpu.memory_space<vmem>>[vector<16xi32>], vector<16xi32>,
        %add3A_408 = arith.addi %gather3A_407, %iota3A : vector<16xi32>
        %gather3A_409 = tpu.vector_load_idx %arg13[%broadcast_in_dim3A_404, %add3A_408] : memref<768x128xf32, #tpu.memory_space<vmem>>[vector<16xi32>, vector<16xi32>], vector<16xf32>,
        %add3A_410 = arith.constant 16 : i32
        %add3A_411 = vector.broadcast %add3A_410 : i32 to vector<16xi32>
        %add3A_412 = arith.addi %add3A_408, %add3A_411 : vector<16xi32>
        %gather3A_413 = tpu.vector_load_idx %arg13[%broadcast_in_dim3A_404, %add3A_412] : memref<768x128xf32, #tpu.memory_space<vmem>>[vector<16xi32>, vector<16xi32>], vector<16xf32>,
        %mul3A_414 = arith.mulf %gather3A_405, %gather3A_409 : vector<16xf32>
        %add3A_415 = arith.addf %sub3A_395, %mul3A_414 : vector<16xf32>
        %mul3A_416 = arith.mulf %gather3A_406, %gather3A_413 : vector<16xf32>
        %sub3A_417 = arith.subf %add3A_415, %mul3A_416 : vector<16xf32>
        %mul3A_418 = arith.mulf %gather3A_405, %gather3A_413 : vector<16xf32>
        %add3A_419 = arith.addf %add3A_399, %mul3A_418 : vector<16xf32>
        %mul3A_420 = arith.mulf %gather3A_406, %gather3A_409 : vector<16xf32>
        %add3A_421 = arith.addf %add3A_419, %mul3A_420 : vector<16xf32>
        %mul3A_422 = arith.constant 48 : i32
        %mul3A_423 = arith.muli %scan3A_24, %mul3A_422 : i32
        %add3A_424 = arith.constant 18 : i32
        %add3A_425 = arith.addi %mul3A_423, %add3A_424 : i32
        %broadcast_in_dim3A_426 = vector.broadcast %add3A_425 : i32 to vector<16xi32>
        %gather3A_427 = tpu.vector_load_idx %arg11[%broadcast_in_dim3A_426] : memref<768xf32, #tpu.memory_space<vmem>>[vector<16xi32>], vector<16xf32>,
        %gather3A_428 = tpu.vector_load_idx %arg12[%broadcast_in_dim3A_426] : memref<768xf32, #tpu.memory_space<vmem>>[vector<16xi32>], vector<16xf32>,
        %gather3A_429 = tpu.vector_load_idx %arg10[%broadcast_in_dim3A_426] : memref<768xi32, #tpu.memory_space<vmem>>[vector<16xi32>], vector<16xi32>,
        %add3A_430 = arith.addi %gather3A_429, %iota3A : vector<16xi32>
        %gather3A_431 = tpu.vector_load_idx %arg13[%broadcast_in_dim3A_426, %add3A_430] : memref<768x128xf32, #tpu.memory_space<vmem>>[vector<16xi32>, vector<16xi32>], vector<16xf32>,
        %add3A_432 = arith.constant 16 : i32
        %add3A_433 = vector.broadcast %add3A_432 : i32 to vector<16xi32>
        %add3A_434 = arith.addi %add3A_430, %add3A_433 : vector<16xi32>
        %gather3A_435 = tpu.vector_load_idx %arg13[%broadcast_in_dim3A_426, %add3A_434] : memref<768x128xf32, #tpu.memory_space<vmem>>[vector<16xi32>, vector<16xi32>], vector<16xf32>,
        %mul3A_436 = arith.mulf %gather3A_427, %gather3A_431 : vector<16xf32>
        %add3A_437 = arith.addf %sub3A_417, %mul3A_436 : vector<16xf32>
        %mul3A_438 = arith.mulf %gather3A_428, %gather3A_435 : vector<16xf32>
        %sub3A_439 = arith.subf %add3A_437, %mul3A_438 : vector<16xf32>
        %mul3A_440 = arith.mulf %gather3A_427, %gather3A_435 : vector<16xf32>
        %add3A_441 = arith.addf %add3A_421, %mul3A_440 : vector<16xf32>
        %mul3A_442 = arith.mulf %gather3A_428, %gather3A_431 : vector<16xf32>
        %add3A_443 = arith.addf %add3A_441, %mul3A_442 : vector<16xf32>
        %mul3A_444 = arith.constant 48 : i32
        %mul3A_445 = arith.muli %scan3A_24, %mul3A_444 : i32
        %add3A_446 = arith.constant 19 : i32
        %add3A_447 = arith.addi %mul3A_445, %add3A_446 : i32
        %broadcast_in_dim3A_448 = vector.broadcast %add3A_447 : i32 to vector<16xi32>
        %gather3A_449 = tpu.vector_load_idx %arg11[%broadcast_in_dim3A_448] : memref<768xf32, #tpu.memory_space<vmem>>[vector<16xi32>], vector<16xf32>,
        %gather3A_450 = tpu.vector_load_idx %arg12[%broadcast_in_dim3A_448] : memref<768xf32, #tpu.memory_space<vmem>>[vector<16xi32>], vector<16xf32>,
        %gather3A_451 = tpu.vector_load_idx %arg10[%broadcast_in_dim3A_448] : memref<768xi32, #tpu.memory_space<vmem>>[vector<16xi32>], vector<16xi32>,
        %add3A_452 = arith.addi %gather3A_451, %iota3A : vector<16xi32>
        %gather3A_453 = tpu.vector_load_idx %arg13[%broadcast_in_dim3A_448, %add3A_452] : memref<768x128xf32, #tpu.memory_space<vmem>>[vector<16xi32>, vector<16xi32>], vector<16xf32>,
        %add3A_454 = arith.constant 16 : i32
        %add3A_455 = vector.broadcast %add3A_454 : i32 to vector<16xi32>
        %add3A_456 = arith.addi %add3A_452, %add3A_455 : vector<16xi32>
        %gather3A_457 = tpu.vector_load_idx %arg13[%broadcast_in_dim3A_448, %add3A_456] : memref<768x128xf32, #tpu.memory_space<vmem>>[vector<16xi32>, vector<16xi32>], vector<16xf32>,
        %mul3A_458 = arith.mulf %gather3A_449, %gather3A_453 : vector<16xf32>
        %add3A_459 = arith.addf %sub3A_439, %mul3A_458 : vector<16xf32>
        %mul3A_460 = arith.mulf %gather3A_450, %gather3A_457 : vector<16xf32>
        %sub3A_461 = arith.subf %add3A_459, %mul3A_460 : vector<16xf32>
        %mul3A_462 = arith.mulf %gather3A_449, %gather3A_457 : vector<16xf32>
        %add3A_463 = arith.addf %add3A_443, %mul3A_462 : vector<16xf32>
        %mul3A_464 = arith.mulf %gather3A_450, %gather3A_453 : vector<16xf32>
        %add3A_465 = arith.addf %add3A_463, %mul3A_464 : vector<16xf32>
        %mul3A_466 = arith.constant 48 : i32
        %mul3A_467 = arith.muli %scan3A_24, %mul3A_466 : i32
        %add3A_468 = arith.constant 20 : i32
        %add3A_469 = arith.addi %mul3A_467, %add3A_468 : i32
        %broadcast_in_dim3A_470 = vector.broadcast %add3A_469 : i32 to vector<16xi32>
        %gather3A_471 = tpu.vector_load_idx %arg11[%broadcast_in_dim3A_470] : memref<768xf32, #tpu.memory_space<vmem>>[vector<16xi32>], vector<16xf32>,
        %gather3A_472 = tpu.vector_load_idx %arg12[%broadcast_in_dim3A_470] : memref<768xf32, #tpu.memory_space<vmem>>[vector<16xi32>], vector<16xf32>,
        %gather3A_473 = tpu.vector_load_idx %arg10[%broadcast_in_dim3A_470] : memref<768xi32, #tpu.memory_space<vmem>>[vector<16xi32>], vector<16xi32>,
        %add3A_474 = arith.addi %gather3A_473, %iota3A : vector<16xi32>
        %gather3A_475 = tpu.vector_load_idx %arg13[%broadcast_in_dim3A_470, %add3A_474] : memref<768x128xf32, #tpu.memory_space<vmem>>[vector<16xi32>, vector<16xi32>], vector<16xf32>,
        %add3A_476 = arith.constant 16 : i32
        %add3A_477 = vector.broadcast %add3A_476 : i32 to vector<16xi32>
        %add3A_478 = arith.addi %add3A_474, %add3A_477 : vector<16xi32>
        %gather3A_479 = tpu.vector_load_idx %arg13[%broadcast_in_dim3A_470, %add3A_478] : memref<768x128xf32, #tpu.memory_space<vmem>>[vector<16xi32>, vector<16xi32>], vector<16xf32>,
        %mul3A_480 = arith.mulf %gather3A_471, %gather3A_475 : vector<16xf32>
        %add3A_481 = arith.addf %sub3A_461, %mul3A_480 : vector<16xf32>
        %mul3A_482 = arith.mulf %gather3A_472, %gather3A_479 : vector<16xf32>
        %sub3A_483 = arith.subf %add3A_481, %mul3A_482 : vector<16xf32>
        %mul3A_484 = arith.mulf %gather3A_471, %gather3A_479 : vector<16xf32>
        %add3A_485 = arith.addf %add3A_465, %mul3A_484 : vector<16xf32>
        %mul3A_486 = arith.mulf %gather3A_472, %gather3A_475 : vector<16xf32>
        %add3A_487 = arith.addf %add3A_485, %mul3A_486 : vector<16xf32>
        %mul3A_488 = arith.constant 48 : i32
        %mul3A_489 = arith.muli %scan3A_24, %mul3A_488 : i32
        %add3A_490 = arith.constant 21 : i32
        %add3A_491 = arith.addi %mul3A_489, %add3A_490 : i32
        %broadcast_in_dim3A_492 = vector.broadcast %add3A_491 : i32 to vector<16xi32>
        %gather3A_493 = tpu.vector_load_idx %arg11[%broadcast_in_dim3A_492] : memref<768xf32, #tpu.memory_space<vmem>>[vector<16xi32>], vector<16xf32>,
        %gather3A_494 = tpu.vector_load_idx %arg12[%broadcast_in_dim3A_492] : memref<768xf32, #tpu.memory_space<vmem>>[vector<16xi32>], vector<16xf32>,
        %gather3A_495 = tpu.vector_load_idx %arg10[%broadcast_in_dim3A_492] : memref<768xi32, #tpu.memory_space<vmem>>[vector<16xi32>], vector<16xi32>,
        %add3A_496 = arith.addi %gather3A_495, %iota3A : vector<16xi32>
        %gather3A_497 = tpu.vector_load_idx %arg13[%broadcast_in_dim3A_492, %add3A_496] : memref<768x128xf32, #tpu.memory_space<vmem>>[vector<16xi32>, vector<16xi32>], vector<16xf32>,
        %add3A_498 = arith.constant 16 : i32
        %add3A_499 = vector.broadcast %add3A_498 : i32 to vector<16xi32>
        %add3A_500 = arith.addi %add3A_496, %add3A_499 : vector<16xi32>
        %gather3A_501 = tpu.vector_load_idx %arg13[%broadcast_in_dim3A_492, %add3A_500] : memref<768x128xf32, #tpu.memory_space<vmem>>[vector<16xi32>, vector<16xi32>], vector<16xf32>,
        %mul3A_502 = arith.mulf %gather3A_493, %gather3A_497 : vector<16xf32>
        %add3A_503 = arith.addf %sub3A_483, %mul3A_502 : vector<16xf32>
        %mul3A_504 = arith.mulf %gather3A_494, %gather3A_501 : vector<16xf32>
        %sub3A_505 = arith.subf %add3A_503, %mul3A_504 : vector<16xf32>
        %mul3A_506 = arith.mulf %gather3A_493, %gather3A_501 : vector<16xf32>
        %add3A_507 = arith.addf %add3A_487, %mul3A_506 : vector<16xf32>
        %mul3A_508 = arith.mulf %gather3A_494, %gather3A_497 : vector<16xf32>
        %add3A_509 = arith.addf %add3A_507, %mul3A_508 : vector<16xf32>
        %mul3A_510 = arith.constant 48 : i32
        %mul3A_511 = arith.muli %scan3A_24, %mul3A_510 : i32
        %add3A_512 = arith.constant 22 : i32
        %add3A_513 = arith.addi %mul3A_511, %add3A_512 : i32
        %broadcast_in_dim3A_514 = vector.broadcast %add3A_513 : i32 to vector<16xi32>
        %gather3A_515 = tpu.vector_load_idx %arg11[%broadcast_in_dim3A_514] : memref<768xf32, #tpu.memory_space<vmem>>[vector<16xi32>], vector<16xf32>,
        %gather3A_516 = tpu.vector_load_idx %arg12[%broadcast_in_dim3A_514] : memref<768xf32, #tpu.memory_space<vmem>>[vector<16xi32>], vector<16xf32>,
        %gather3A_517 = tpu.vector_load_idx %arg10[%broadcast_in_dim3A_514] : memref<768xi32, #tpu.memory_space<vmem>>[vector<16xi32>], vector<16xi32>,
        %add3A_518 = arith.addi %gather3A_517, %iota3A : vector<16xi32>
        %gather3A_519 = tpu.vector_load_idx %arg13[%broadcast_in_dim3A_514, %add3A_518] : memref<768x128xf32, #tpu.memory_space<vmem>>[vector<16xi32>, vector<16xi32>], vector<16xf32>,
        %add3A_520 = arith.constant 16 : i32
        %add3A_521 = vector.broadcast %add3A_520 : i32 to vector<16xi32>
        %add3A_522 = arith.addi %add3A_518, %add3A_521 : vector<16xi32>
        %gather3A_523 = tpu.vector_load_idx %arg13[%broadcast_in_dim3A_514, %add3A_522] : memref<768x128xf32, #tpu.memory_space<vmem>>[vector<16xi32>, vector<16xi32>], vector<16xf32>,
        %mul3A_524 = arith.mulf %gather3A_515, %gather3A_519 : vector<16xf32>
        %add3A_525 = arith.addf %sub3A_505, %mul3A_524 : vector<16xf32>
        %mul3A_526 = arith.mulf %gather3A_516, %gather3A_523 : vector<16xf32>
        %sub3A_527 = arith.subf %add3A_525, %mul3A_526 : vector<16xf32>
        %mul3A_528 = arith.mulf %gather3A_515, %gather3A_523 : vector<16xf32>
        %add3A_529 = arith.addf %add3A_509, %mul3A_528 : vector<16xf32>
        %mul3A_530 = arith.mulf %gather3A_516, %gather3A_519 : vector<16xf32>
        %add3A_531 = arith.addf %add3A_529, %mul3A_530 : vector<16xf32>
        %mul3A_532 = arith.constant 48 : i32
        %mul3A_533 = arith.muli %scan3A_24, %mul3A_532 : i32
        %add3A_534 = arith.constant 23 : i32
        %add3A_535 = arith.addi %mul3A_533, %add3A_534 : i32
        %broadcast_in_dim3A_536 = vector.broadcast %add3A_535 : i32 to vector<16xi32>
        %gather3A_537 = tpu.vector_load_idx %arg11[%broadcast_in_dim3A_536] : memref<768xf32, #tpu.memory_space<vmem>>[vector<16xi32>], vector<16xf32>,
        %gather3A_538 = tpu.vector_load_idx %arg12[%broadcast_in_dim3A_536] : memref<768xf32, #tpu.memory_space<vmem>>[vector<16xi32>], vector<16xf32>,
        %gather3A_539 = tpu.vector_load_idx %arg10[%broadcast_in_dim3A_536] : memref<768xi32, #tpu.memory_space<vmem>>[vector<16xi32>], vector<16xi32>,
        %add3A_540 = arith.addi %gather3A_539, %iota3A : vector<16xi32>
        %gather3A_541 = tpu.vector_load_idx %arg13[%broadcast_in_dim3A_536, %add3A_540] : memref<768x128xf32, #tpu.memory_space<vmem>>[vector<16xi32>, vector<16xi32>], vector<16xf32>,
        %add3A_542 = arith.constant 16 : i32
        %add3A_543 = vector.broadcast %add3A_542 : i32 to vector<16xi32>
        %add3A_544 = arith.addi %add3A_540, %add3A_543 : vector<16xi32>
        %gather3A_545 = tpu.vector_load_idx %arg13[%broadcast_in_dim3A_536, %add3A_544] : memref<768x128xf32, #tpu.memory_space<vmem>>[vector<16xi32>, vector<16xi32>], vector<16xf32>,
        %mul3A_546 = arith.mulf %gather3A_537, %gather3A_541 : vector<16xf32>
        %add3A_547 = arith.addf %sub3A_527, %mul3A_546 : vector<16xf32>
        %mul3A_548 = arith.mulf %gather3A_538, %gather3A_545 : vector<16xf32>
        %sub3A_549 = arith.subf %add3A_547, %mul3A_548 : vector<16xf32>
        %mul3A_550 = arith.mulf %gather3A_537, %gather3A_545 : vector<16xf32>
        %add3A_551 = arith.addf %add3A_531, %mul3A_550 : vector<16xf32>
        %mul3A_552 = arith.mulf %gather3A_538, %gather3A_541 : vector<16xf32>
        %add3A_553 = arith.addf %add3A_551, %mul3A_552 : vector<16xf32>
        %mul3A_554 = arith.constant 48 : i32
        %mul3A_555 = arith.muli %scan3A_24, %mul3A_554 : i32
        %add3A_556 = arith.constant 24 : i32
        %add3A_557 = arith.addi %mul3A_555, %add3A_556 : i32
        %broadcast_in_dim3A_558 = vector.broadcast %add3A_557 : i32 to vector<16xi32>
        %gather3A_559 = tpu.vector_load_idx %arg11[%broadcast_in_dim3A_558] : memref<768xf32, #tpu.memory_space<vmem>>[vector<16xi32>], vector<16xf32>,
        %gather3A_560 = tpu.vector_load_idx %arg12[%broadcast_in_dim3A_558] : memref<768xf32, #tpu.memory_space<vmem>>[vector<16xi32>], vector<16xf32>,
        %gather3A_561 = tpu.vector_load_idx %arg10[%broadcast_in_dim3A_558] : memref<768xi32, #tpu.memory_space<vmem>>[vector<16xi32>], vector<16xi32>,
        %add3A_562 = arith.addi %gather3A_561, %iota3A : vector<16xi32>
        %gather3A_563 = tpu.vector_load_idx %arg13[%broadcast_in_dim3A_558, %add3A_562] : memref<768x128xf32, #tpu.memory_space<vmem>>[vector<16xi32>, vector<16xi32>], vector<16xf32>,
        %add3A_564 = arith.constant 16 : i32
        %add3A_565 = vector.broadcast %add3A_564 : i32 to vector<16xi32>
        %add3A_566 = arith.addi %add3A_562, %add3A_565 : vector<16xi32>
        %gather3A_567 = tpu.vector_load_idx %arg13[%broadcast_in_dim3A_558, %add3A_566] : memref<768x128xf32, #tpu.memory_space<vmem>>[vector<16xi32>, vector<16xi32>], vector<16xf32>,
        %mul3A_568 = arith.mulf %gather3A_559, %gather3A_563 : vector<16xf32>
        %add3A_569 = arith.addf %sub3A_549, %mul3A_568 : vector<16xf32>
        %mul3A_570 = arith.mulf %gather3A_560, %gather3A_567 : vector<16xf32>
        %sub3A_571 = arith.subf %add3A_569, %mul3A_570 : vector<16xf32>
        %mul3A_572 = arith.mulf %gather3A_559, %gather3A_567 : vector<16xf32>
        %add3A_573 = arith.addf %add3A_553, %mul3A_572 : vector<16xf32>
        %mul3A_574 = arith.mulf %gather3A_560, %gather3A_563 : vector<16xf32>
        %add3A_575 = arith.addf %add3A_573, %mul3A_574 : vector<16xf32>
        %mul3A_576 = arith.constant 48 : i32
        %mul3A_577 = arith.muli %scan3A_24, %mul3A_576 : i32
        %add3A_578 = arith.constant 25 : i32
        %add3A_579 = arith.addi %mul3A_577, %add3A_578 : i32
        %broadcast_in_dim3A_580 = vector.broadcast %add3A_579 : i32 to vector<16xi32>
        %gather3A_581 = tpu.vector_load_idx %arg11[%broadcast_in_dim3A_580] : memref<768xf32, #tpu.memory_space<vmem>>[vector<16xi32>], vector<16xf32>,
        %gather3A_582 = tpu.vector_load_idx %arg12[%broadcast_in_dim3A_580] : memref<768xf32, #tpu.memory_space<vmem>>[vector<16xi32>], vector<16xf32>,
        %gather3A_583 = tpu.vector_load_idx %arg10[%broadcast_in_dim3A_580] : memref<768xi32, #tpu.memory_space<vmem>>[vector<16xi32>], vector<16xi32>,
        %add3A_584 = arith.addi %gather3A_583, %iota3A : vector<16xi32>
        %gather3A_585 = tpu.vector_load_idx %arg13[%broadcast_in_dim3A_580, %add3A_584] : memref<768x128xf32, #tpu.memory_space<vmem>>[vector<16xi32>, vector<16xi32>], vector<16xf32>,
        %add3A_586 = arith.constant 16 : i32
        %add3A_587 = vector.broadcast %add3A_586 : i32 to vector<16xi32>
        %add3A_588 = arith.addi %add3A_584, %add3A_587 : vector<16xi32>
        %gather3A_589 = tpu.vector_load_idx %arg13[%broadcast_in_dim3A_580, %add3A_588] : memref<768x128xf32, #tpu.memory_space<vmem>>[vector<16xi32>, vector<16xi32>], vector<16xf32>,
        %mul3A_590 = arith.mulf %gather3A_581, %gather3A_585 : vector<16xf32>
        %add3A_591 = arith.addf %sub3A_571, %mul3A_590 : vector<16xf32>
        %mul3A_592 = arith.mulf %gather3A_582, %gather3A_589 : vector<16xf32>
        %sub3A_593 = arith.subf %add3A_591, %mul3A_592 : vector<16xf32>
        %mul3A_594 = arith.mulf %gather3A_581, %gather3A_589 : vector<16xf32>
        %add3A_595 = arith.addf %add3A_575, %mul3A_594 : vector<16xf32>
        %mul3A_596 = arith.mulf %gather3A_582, %gather3A_585 : vector<16xf32>
        %add3A_597 = arith.addf %add3A_595, %mul3A_596 : vector<16xf32>
        %mul3A_598 = arith.constant 48 : i32
        %mul3A_599 = arith.muli %scan3A_24, %mul3A_598 : i32
        %add3A_600 = arith.constant 26 : i32
        %add3A_601 = arith.addi %mul3A_599, %add3A_600 : i32
        %broadcast_in_dim3A_602 = vector.broadcast %add3A_601 : i32 to vector<16xi32>
        %gather3A_603 = tpu.vector_load_idx %arg11[%broadcast_in_dim3A_602] : memref<768xf32, #tpu.memory_space<vmem>>[vector<16xi32>], vector<16xf32>,
        %gather3A_604 = tpu.vector_load_idx %arg12[%broadcast_in_dim3A_602] : memref<768xf32, #tpu.memory_space<vmem>>[vector<16xi32>], vector<16xf32>,
        %gather3A_605 = tpu.vector_load_idx %arg10[%broadcast_in_dim3A_602] : memref<768xi32, #tpu.memory_space<vmem>>[vector<16xi32>], vector<16xi32>,
        %add3A_606 = arith.addi %gather3A_605, %iota3A : vector<16xi32>
        %gather3A_607 = tpu.vector_load_idx %arg13[%broadcast_in_dim3A_602, %add3A_606] : memref<768x128xf32, #tpu.memory_space<vmem>>[vector<16xi32>, vector<16xi32>], vector<16xf32>,
        %add3A_608 = arith.constant 16 : i32
        %add3A_609 = vector.broadcast %add3A_608 : i32 to vector<16xi32>
        %add3A_610 = arith.addi %add3A_606, %add3A_609 : vector<16xi32>
        %gather3A_611 = tpu.vector_load_idx %arg13[%broadcast_in_dim3A_602, %add3A_610] : memref<768x128xf32, #tpu.memory_space<vmem>>[vector<16xi32>, vector<16xi32>], vector<16xf32>,
        %mul3A_612 = arith.mulf %gather3A_603, %gather3A_607 : vector<16xf32>
        %add3A_613 = arith.addf %sub3A_593, %mul3A_612 : vector<16xf32>
        %mul3A_614 = arith.mulf %gather3A_604, %gather3A_611 : vector<16xf32>
        %sub3A_615 = arith.subf %add3A_613, %mul3A_614 : vector<16xf32>
        %mul3A_616 = arith.mulf %gather3A_603, %gather3A_611 : vector<16xf32>
        %add3A_617 = arith.addf %add3A_597, %mul3A_616 : vector<16xf32>
        %mul3A_618 = arith.mulf %gather3A_604, %gather3A_607 : vector<16xf32>
        %add3A_619 = arith.addf %add3A_617, %mul3A_618 : vector<16xf32>
        %mul3A_620 = arith.constant 48 : i32
        %mul3A_621 = arith.muli %scan3A_24, %mul3A_620 : i32
        %add3A_622 = arith.constant 27 : i32
        %add3A_623 = arith.addi %mul3A_621, %add3A_622 : i32
        %broadcast_in_dim3A_624 = vector.broadcast %add3A_623 : i32 to vector<16xi32>
        %gather3A_625 = tpu.vector_load_idx %arg11[%broadcast_in_dim3A_624] : memref<768xf32, #tpu.memory_space<vmem>>[vector<16xi32>], vector<16xf32>,
        %gather3A_626 = tpu.vector_load_idx %arg12[%broadcast_in_dim3A_624] : memref<768xf32, #tpu.memory_space<vmem>>[vector<16xi32>], vector<16xf32>,
        %gather3A_627 = tpu.vector_load_idx %arg10[%broadcast_in_dim3A_624] : memref<768xi32, #tpu.memory_space<vmem>>[vector<16xi32>], vector<16xi32>,
        %add3A_628 = arith.addi %gather3A_627, %iota3A : vector<16xi32>
        %gather3A_629 = tpu.vector_load_idx %arg13[%broadcast_in_dim3A_624, %add3A_628] : memref<768x128xf32, #tpu.memory_space<vmem>>[vector<16xi32>, vector<16xi32>], vector<16xf32>,
        %add3A_630 = arith.constant 16 : i32
        %add3A_631 = vector.broadcast %add3A_630 : i32 to vector<16xi32>
        %add3A_632 = arith.addi %add3A_628, %add3A_631 : vector<16xi32>
        %gather3A_633 = tpu.vector_load_idx %arg13[%broadcast_in_dim3A_624, %add3A_632] : memref<768x128xf32, #tpu.memory_space<vmem>>[vector<16xi32>, vector<16xi32>], vector<16xf32>,
        %mul3A_634 = arith.mulf %gather3A_625, %gather3A_629 : vector<16xf32>
        %add3A_635 = arith.addf %sub3A_615, %mul3A_634 : vector<16xf32>
        %mul3A_636 = arith.mulf %gather3A_626, %gather3A_633 : vector<16xf32>
        %sub3A_637 = arith.subf %add3A_635, %mul3A_636 : vector<16xf32>
        %mul3A_638 = arith.mulf %gather3A_625, %gather3A_633 : vector<16xf32>
        %add3A_639 = arith.addf %add3A_619, %mul3A_638 : vector<16xf32>
        %mul3A_640 = arith.mulf %gather3A_626, %gather3A_629 : vector<16xf32>
        %add3A_641 = arith.addf %add3A_639, %mul3A_640 : vector<16xf32>
        %mul3A_642 = arith.constant 48 : i32
        %mul3A_643 = arith.muli %scan3A_24, %mul3A_642 : i32
        %add3A_644 = arith.constant 28 : i32
        %add3A_645 = arith.addi %mul3A_643, %add3A_644 : i32
        %broadcast_in_dim3A_646 = vector.broadcast %add3A_645 : i32 to vector<16xi32>
        %gather3A_647 = tpu.vector_load_idx %arg11[%broadcast_in_dim3A_646] : memref<768xf32, #tpu.memory_space<vmem>>[vector<16xi32>], vector<16xf32>,
        %gather3A_648 = tpu.vector_load_idx %arg12[%broadcast_in_dim3A_646] : memref<768xf32, #tpu.memory_space<vmem>>[vector<16xi32>], vector<16xf32>,
        %gather3A_649 = tpu.vector_load_idx %arg10[%broadcast_in_dim3A_646] : memref<768xi32, #tpu.memory_space<vmem>>[vector<16xi32>], vector<16xi32>,
        %add3A_650 = arith.addi %gather3A_649, %iota3A : vector<16xi32>
        %gather3A_651 = tpu.vector_load_idx %arg13[%broadcast_in_dim3A_646, %add3A_650] : memref<768x128xf32, #tpu.memory_space<vmem>>[vector<16xi32>, vector<16xi32>], vector<16xf32>,
        %add3A_652 = arith.constant 16 : i32
        %add3A_653 = vector.broadcast %add3A_652 : i32 to vector<16xi32>
        %add3A_654 = arith.addi %add3A_650, %add3A_653 : vector<16xi32>
        %gather3A_655 = tpu.vector_load_idx %arg13[%broadcast_in_dim3A_646, %add3A_654] : memref<768x128xf32, #tpu.memory_space<vmem>>[vector<16xi32>, vector<16xi32>], vector<16xf32>,
        %mul3A_656 = arith.mulf %gather3A_647, %gather3A_651 : vector<16xf32>
        %add3A_657 = arith.addf %sub3A_637, %mul3A_656 : vector<16xf32>
        %mul3A_658 = arith.mulf %gather3A_648, %gather3A_655 : vector<16xf32>
        %sub3A_659 = arith.subf %add3A_657, %mul3A_658 : vector<16xf32>
        %mul3A_660 = arith.mulf %gather3A_647, %gather3A_655 : vector<16xf32>
        %add3A_661 = arith.addf %add3A_641, %mul3A_660 : vector<16xf32>
        %mul3A_662 = arith.mulf %gather3A_648, %gather3A_651 : vector<16xf32>
        %add3A_663 = arith.addf %add3A_661, %mul3A_662 : vector<16xf32>
        %mul3A_664 = arith.constant 48 : i32
        %mul3A_665 = arith.muli %scan3A_24, %mul3A_664 : i32
        %add3A_666 = arith.constant 29 : i32
        %add3A_667 = arith.addi %mul3A_665, %add3A_666 : i32
        %broadcast_in_dim3A_668 = vector.broadcast %add3A_667 : i32 to vector<16xi32>
        %gather3A_669 = tpu.vector_load_idx %arg11[%broadcast_in_dim3A_668] : memref<768xf32, #tpu.memory_space<vmem>>[vector<16xi32>], vector<16xf32>,
        %gather3A_670 = tpu.vector_load_idx %arg12[%broadcast_in_dim3A_668] : memref<768xf32, #tpu.memory_space<vmem>>[vector<16xi32>], vector<16xf32>,
        %gather3A_671 = tpu.vector_load_idx %arg10[%broadcast_in_dim3A_668] : memref<768xi32, #tpu.memory_space<vmem>>[vector<16xi32>], vector<16xi32>,
        %add3A_672 = arith.addi %gather3A_671, %iota3A : vector<16xi32>
        %gather3A_673 = tpu.vector_load_idx %arg13[%broadcast_in_dim3A_668, %add3A_672] : memref<768x128xf32, #tpu.memory_space<vmem>>[vector<16xi32>, vector<16xi32>], vector<16xf32>,
        %add3A_674 = arith.constant 16 : i32
        %add3A_675 = vector.broadcast %add3A_674 : i32 to vector<16xi32>
        %add3A_676 = arith.addi %add3A_672, %add3A_675 : vector<16xi32>
        %gather3A_677 = tpu.vector_load_idx %arg13[%broadcast_in_dim3A_668, %add3A_676] : memref<768x128xf32, #tpu.memory_space<vmem>>[vector<16xi32>, vector<16xi32>], vector<16xf32>,
        %mul3A_678 = arith.mulf %gather3A_669, %gather3A_673 : vector<16xf32>
        %add3A_679 = arith.addf %sub3A_659, %mul3A_678 : vector<16xf32>
        %mul3A_680 = arith.mulf %gather3A_670, %gather3A_677 : vector<16xf32>
        %sub3A_681 = arith.subf %add3A_679, %mul3A_680 : vector<16xf32>
        %mul3A_682 = arith.mulf %gather3A_669, %gather3A_677 : vector<16xf32>
        %add3A_683 = arith.addf %add3A_663, %mul3A_682 : vector<16xf32>
        %mul3A_684 = arith.mulf %gather3A_670, %gather3A_673 : vector<16xf32>
        %add3A_685 = arith.addf %add3A_683, %mul3A_684 : vector<16xf32>
        %mul3A_686 = arith.constant 48 : i32
        %mul3A_687 = arith.muli %scan3A_24, %mul3A_686 : i32
        %add3A_688 = arith.constant 30 : i32
        %add3A_689 = arith.addi %mul3A_687, %add3A_688 : i32
        %broadcast_in_dim3A_690 = vector.broadcast %add3A_689 : i32 to vector<16xi32>
        %gather3A_691 = tpu.vector_load_idx %arg11[%broadcast_in_dim3A_690] : memref<768xf32, #tpu.memory_space<vmem>>[vector<16xi32>], vector<16xf32>,
        %gather3A_692 = tpu.vector_load_idx %arg12[%broadcast_in_dim3A_690] : memref<768xf32, #tpu.memory_space<vmem>>[vector<16xi32>], vector<16xf32>,
        %gather3A_693 = tpu.vector_load_idx %arg10[%broadcast_in_dim3A_690] : memref<768xi32, #tpu.memory_space<vmem>>[vector<16xi32>], vector<16xi32>,
        %add3A_694 = arith.addi %gather3A_693, %iota3A : vector<16xi32>
        %gather3A_695 = tpu.vector_load_idx %arg13[%broadcast_in_dim3A_690, %add3A_694] : memref<768x128xf32, #tpu.memory_space<vmem>>[vector<16xi32>, vector<16xi32>], vector<16xf32>,
        %add3A_696 = arith.constant 16 : i32
        %add3A_697 = vector.broadcast %add3A_696 : i32 to vector<16xi32>
        %add3A_698 = arith.addi %add3A_694, %add3A_697 : vector<16xi32>
        %gather3A_699 = tpu.vector_load_idx %arg13[%broadcast_in_dim3A_690, %add3A_698] : memref<768x128xf32, #tpu.memory_space<vmem>>[vector<16xi32>, vector<16xi32>], vector<16xf32>,
        %mul3A_700 = arith.mulf %gather3A_691, %gather3A_695 : vector<16xf32>
        %add3A_701 = arith.addf %sub3A_681, %mul3A_700 : vector<16xf32>
        %mul3A_702 = arith.mulf %gather3A_692, %gather3A_699 : vector<16xf32>
        %sub3A_703 = arith.subf %add3A_701, %mul3A_702 : vector<16xf32>
        %mul3A_704 = arith.mulf %gather3A_691, %gather3A_699 : vector<16xf32>
        %add3A_705 = arith.addf %add3A_685, %mul3A_704 : vector<16xf32>
        %mul3A_706 = arith.mulf %gather3A_692, %gather3A_695 : vector<16xf32>
        %add3A_707 = arith.addf %add3A_705, %mul3A_706 : vector<16xf32>
        %mul3A_708 = arith.constant 48 : i32
        %mul3A_709 = arith.muli %scan3A_24, %mul3A_708 : i32
        %add3A_710 = arith.constant 31 : i32
        %add3A_711 = arith.addi %mul3A_709, %add3A_710 : i32
        %broadcast_in_dim3A_712 = vector.broadcast %add3A_711 : i32 to vector<16xi32>
        %gather3A_713 = tpu.vector_load_idx %arg11[%broadcast_in_dim3A_712] : memref<768xf32, #tpu.memory_space<vmem>>[vector<16xi32>], vector<16xf32>,
        %gather3A_714 = tpu.vector_load_idx %arg12[%broadcast_in_dim3A_712] : memref<768xf32, #tpu.memory_space<vmem>>[vector<16xi32>], vector<16xf32>,
        %gather3A_715 = tpu.vector_load_idx %arg10[%broadcast_in_dim3A_712] : memref<768xi32, #tpu.memory_space<vmem>>[vector<16xi32>], vector<16xi32>,
        %add3A_716 = arith.addi %gather3A_715, %iota3A : vector<16xi32>
        %gather3A_717 = tpu.vector_load_idx %arg13[%broadcast_in_dim3A_712, %add3A_716] : memref<768x128xf32, #tpu.memory_space<vmem>>[vector<16xi32>, vector<16xi32>], vector<16xf32>,
        %add3A_718 = arith.constant 16 : i32
        %add3A_719 = vector.broadcast %add3A_718 : i32 to vector<16xi32>
        %add3A_720 = arith.addi %add3A_716, %add3A_719 : vector<16xi32>
        %gather3A_721 = tpu.vector_load_idx %arg13[%broadcast_in_dim3A_712, %add3A_720] : memref<768x128xf32, #tpu.memory_space<vmem>>[vector<16xi32>, vector<16xi32>], vector<16xf32>,
        %mul3A_722 = arith.mulf %gather3A_713, %gather3A_717 : vector<16xf32>
        %add3A_723 = arith.addf %sub3A_703, %mul3A_722 : vector<16xf32>
        %mul3A_724 = arith.mulf %gather3A_714, %gather3A_721 : vector<16xf32>
        %sub3A_725 = arith.subf %add3A_723, %mul3A_724 : vector<16xf32>
        %mul3A_726 = arith.mulf %gather3A_713, %gather3A_721 : vector<16xf32>
        %add3A_727 = arith.addf %add3A_707, %mul3A_726 : vector<16xf32>
        %mul3A_728 = arith.mulf %gather3A_714, %gather3A_717 : vector<16xf32>
        %add3A_729 = arith.addf %add3A_727, %mul3A_728 : vector<16xf32>
        %mul3A_730 = arith.constant 48 : i32
        %mul3A_731 = arith.muli %scan3A_24, %mul3A_730 : i32
        %add3A_732 = arith.constant 32 : i32
        %add3A_733 = arith.addi %mul3A_731, %add3A_732 : i32
        %broadcast_in_dim3A_734 = vector.broadcast %add3A_733 : i32 to vector<16xi32>
        %gather3A_735 = tpu.vector_load_idx %arg11[%broadcast_in_dim3A_734] : memref<768xf32, #tpu.memory_space<vmem>>[vector<16xi32>], vector<16xf32>,
        %gather3A_736 = tpu.vector_load_idx %arg12[%broadcast_in_dim3A_734] : memref<768xf32, #tpu.memory_space<vmem>>[vector<16xi32>], vector<16xf32>,
        %gather3A_737 = tpu.vector_load_idx %arg10[%broadcast_in_dim3A_734] : memref<768xi32, #tpu.memory_space<vmem>>[vector<16xi32>], vector<16xi32>,
        %add3A_738 = arith.addi %gather3A_737, %iota3A : vector<16xi32>
        %gather3A_739 = tpu.vector_load_idx %arg13[%broadcast_in_dim3A_734, %add3A_738] : memref<768x128xf32, #tpu.memory_space<vmem>>[vector<16xi32>, vector<16xi32>], vector<16xf32>,
        %add3A_740 = arith.constant 16 : i32
        %add3A_741 = vector.broadcast %add3A_740 : i32 to vector<16xi32>
        %add3A_742 = arith.addi %add3A_738, %add3A_741 : vector<16xi32>
        %gather3A_743 = tpu.vector_load_idx %arg13[%broadcast_in_dim3A_734, %add3A_742] : memref<768x128xf32, #tpu.memory_space<vmem>>[vector<16xi32>, vector<16xi32>], vector<16xf32>,
        %mul3A_744 = arith.mulf %gather3A_735, %gather3A_739 : vector<16xf32>
        %add3A_745 = arith.addf %sub3A_725, %mul3A_744 : vector<16xf32>
        %mul3A_746 = arith.mulf %gather3A_736, %gather3A_743 : vector<16xf32>
        %sub3A_747 = arith.subf %add3A_745, %mul3A_746 : vector<16xf32>
        %mul3A_748 = arith.mulf %gather3A_735, %gather3A_743 : vector<16xf32>
        %add3A_749 = arith.addf %add3A_729, %mul3A_748 : vector<16xf32>
        %mul3A_750 = arith.mulf %gather3A_736, %gather3A_739 : vector<16xf32>
        %add3A_751 = arith.addf %add3A_749, %mul3A_750 : vector<16xf32>
        %mul3A_752 = arith.constant 48 : i32
        %mul3A_753 = arith.muli %scan3A_24, %mul3A_752 : i32
        %add3A_754 = arith.constant 33 : i32
        %add3A_755 = arith.addi %mul3A_753, %add3A_754 : i32
        %broadcast_in_dim3A_756 = vector.broadcast %add3A_755 : i32 to vector<16xi32>
        %gather3A_757 = tpu.vector_load_idx %arg11[%broadcast_in_dim3A_756] : memref<768xf32, #tpu.memory_space<vmem>>[vector<16xi32>], vector<16xf32>,
        %gather3A_758 = tpu.vector_load_idx %arg12[%broadcast_in_dim3A_756] : memref<768xf32, #tpu.memory_space<vmem>>[vector<16xi32>], vector<16xf32>,
        %gather3A_759 = tpu.vector_load_idx %arg10[%broadcast_in_dim3A_756] : memref<768xi32, #tpu.memory_space<vmem>>[vector<16xi32>], vector<16xi32>,
        %add3A_760 = arith.addi %gather3A_759, %iota3A : vector<16xi32>
        %gather3A_761 = tpu.vector_load_idx %arg13[%broadcast_in_dim3A_756, %add3A_760] : memref<768x128xf32, #tpu.memory_space<vmem>>[vector<16xi32>, vector<16xi32>], vector<16xf32>,
        %add3A_762 = arith.constant 16 : i32
        %add3A_763 = vector.broadcast %add3A_762 : i32 to vector<16xi32>
        %add3A_764 = arith.addi %add3A_760, %add3A_763 : vector<16xi32>
        %gather3A_765 = tpu.vector_load_idx %arg13[%broadcast_in_dim3A_756, %add3A_764] : memref<768x128xf32, #tpu.memory_space<vmem>>[vector<16xi32>, vector<16xi32>], vector<16xf32>,
        %mul3A_766 = arith.mulf %gather3A_757, %gather3A_761 : vector<16xf32>
        %add3A_767 = arith.addf %sub3A_747, %mul3A_766 : vector<16xf32>
        %mul3A_768 = arith.mulf %gather3A_758, %gather3A_765 : vector<16xf32>
        %sub3A_769 = arith.subf %add3A_767, %mul3A_768 : vector<16xf32>
        %mul3A_770 = arith.mulf %gather3A_757, %gather3A_765 : vector<16xf32>
        %add3A_771 = arith.addf %add3A_751, %mul3A_770 : vector<16xf32>
        %mul3A_772 = arith.mulf %gather3A_758, %gather3A_761 : vector<16xf32>
        %add3A_773 = arith.addf %add3A_771, %mul3A_772 : vector<16xf32>
        %mul3A_774 = arith.constant 48 : i32
        %mul3A_775 = arith.muli %scan3A_24, %mul3A_774 : i32
        %add3A_776 = arith.constant 34 : i32
        %add3A_777 = arith.addi %mul3A_775, %add3A_776 : i32
        %broadcast_in_dim3A_778 = vector.broadcast %add3A_777 : i32 to vector<16xi32>
        %gather3A_779 = tpu.vector_load_idx %arg11[%broadcast_in_dim3A_778] : memref<768xf32, #tpu.memory_space<vmem>>[vector<16xi32>], vector<16xf32>,
        %gather3A_780 = tpu.vector_load_idx %arg12[%broadcast_in_dim3A_778] : memref<768xf32, #tpu.memory_space<vmem>>[vector<16xi32>], vector<16xf32>,
        %gather3A_781 = tpu.vector_load_idx %arg10[%broadcast_in_dim3A_778] : memref<768xi32, #tpu.memory_space<vmem>>[vector<16xi32>], vector<16xi32>,
        %add3A_782 = arith.addi %gather3A_781, %iota3A : vector<16xi32>
        %gather3A_783 = tpu.vector_load_idx %arg13[%broadcast_in_dim3A_778, %add3A_782] : memref<768x128xf32, #tpu.memory_space<vmem>>[vector<16xi32>, vector<16xi32>], vector<16xf32>,
        %add3A_784 = arith.constant 16 : i32
        %add3A_785 = vector.broadcast %add3A_784 : i32 to vector<16xi32>
        %add3A_786 = arith.addi %add3A_782, %add3A_785 : vector<16xi32>
        %gather3A_787 = tpu.vector_load_idx %arg13[%broadcast_in_dim3A_778, %add3A_786] : memref<768x128xf32, #tpu.memory_space<vmem>>[vector<16xi32>, vector<16xi32>], vector<16xf32>,
        %mul3A_788 = arith.mulf %gather3A_779, %gather3A_783 : vector<16xf32>
        %add3A_789 = arith.addf %sub3A_769, %mul3A_788 : vector<16xf32>
        %mul3A_790 = arith.mulf %gather3A_780, %gather3A_787 : vector<16xf32>
        %sub3A_791 = arith.subf %add3A_789, %mul3A_790 : vector<16xf32>
        %mul3A_792 = arith.mulf %gather3A_779, %gather3A_787 : vector<16xf32>
        %add3A_793 = arith.addf %add3A_773, %mul3A_792 : vector<16xf32>
        %mul3A_794 = arith.mulf %gather3A_780, %gather3A_783 : vector<16xf32>
        %add3A_795 = arith.addf %add3A_793, %mul3A_794 : vector<16xf32>
        %mul3A_796 = arith.constant 48 : i32
        %mul3A_797 = arith.muli %scan3A_24, %mul3A_796 : i32
        %add3A_798 = arith.constant 35 : i32
        %add3A_799 = arith.addi %mul3A_797, %add3A_798 : i32
        %broadcast_in_dim3A_800 = vector.broadcast %add3A_799 : i32 to vector<16xi32>
        %gather3A_801 = tpu.vector_load_idx %arg11[%broadcast_in_dim3A_800] : memref<768xf32, #tpu.memory_space<vmem>>[vector<16xi32>], vector<16xf32>,
        %gather3A_802 = tpu.vector_load_idx %arg12[%broadcast_in_dim3A_800] : memref<768xf32, #tpu.memory_space<vmem>>[vector<16xi32>], vector<16xf32>,
        %gather3A_803 = tpu.vector_load_idx %arg10[%broadcast_in_dim3A_800] : memref<768xi32, #tpu.memory_space<vmem>>[vector<16xi32>], vector<16xi32>,
        %add3A_804 = arith.addi %gather3A_803, %iota3A : vector<16xi32>
        %gather3A_805 = tpu.vector_load_idx %arg13[%broadcast_in_dim3A_800, %add3A_804] : memref<768x128xf32, #tpu.memory_space<vmem>>[vector<16xi32>, vector<16xi32>], vector<16xf32>,
        %add3A_806 = arith.constant 16 : i32
        %add3A_807 = vector.broadcast %add3A_806 : i32 to vector<16xi32>
        %add3A_808 = arith.addi %add3A_804, %add3A_807 : vector<16xi32>
        %gather3A_809 = tpu.vector_load_idx %arg13[%broadcast_in_dim3A_800, %add3A_808] : memref<768x128xf32, #tpu.memory_space<vmem>>[vector<16xi32>, vector<16xi32>], vector<16xf32>,
        %mul3A_810 = arith.mulf %gather3A_801, %gather3A_805 : vector<16xf32>
        %add3A_811 = arith.addf %sub3A_791, %mul3A_810 : vector<16xf32>
        %mul3A_812 = arith.mulf %gather3A_802, %gather3A_809 : vector<16xf32>
        %sub3A_813 = arith.subf %add3A_811, %mul3A_812 : vector<16xf32>
        %mul3A_814 = arith.mulf %gather3A_801, %gather3A_809 : vector<16xf32>
        %add3A_815 = arith.addf %add3A_795, %mul3A_814 : vector<16xf32>
        %mul3A_816 = arith.mulf %gather3A_802, %gather3A_805 : vector<16xf32>
        %add3A_817 = arith.addf %add3A_815, %mul3A_816 : vector<16xf32>
        %mul3A_818 = arith.constant 48 : i32
        %mul3A_819 = arith.muli %scan3A_24, %mul3A_818 : i32
        %add3A_820 = arith.constant 36 : i32
        %add3A_821 = arith.addi %mul3A_819, %add3A_820 : i32
        %broadcast_in_dim3A_822 = vector.broadcast %add3A_821 : i32 to vector<16xi32>
        %gather3A_823 = tpu.vector_load_idx %arg11[%broadcast_in_dim3A_822] : memref<768xf32, #tpu.memory_space<vmem>>[vector<16xi32>], vector<16xf32>,
        %gather3A_824 = tpu.vector_load_idx %arg12[%broadcast_in_dim3A_822] : memref<768xf32, #tpu.memory_space<vmem>>[vector<16xi32>], vector<16xf32>,
        %gather3A_825 = tpu.vector_load_idx %arg10[%broadcast_in_dim3A_822] : memref<768xi32, #tpu.memory_space<vmem>>[vector<16xi32>], vector<16xi32>,
        %add3A_826 = arith.addi %gather3A_825, %iota3A : vector<16xi32>
        %gather3A_827 = tpu.vector_load_idx %arg13[%broadcast_in_dim3A_822, %add3A_826] : memref<768x128xf32, #tpu.memory_space<vmem>>[vector<16xi32>, vector<16xi32>], vector<16xf32>,
        %add3A_828 = arith.constant 16 : i32
        %add3A_829 = vector.broadcast %add3A_828 : i32 to vector<16xi32>
        %add3A_830 = arith.addi %add3A_826, %add3A_829 : vector<16xi32>
        %gather3A_831 = tpu.vector_load_idx %arg13[%broadcast_in_dim3A_822, %add3A_830] : memref<768x128xf32, #tpu.memory_space<vmem>>[vector<16xi32>, vector<16xi32>], vector<16xf32>,
        %mul3A_832 = arith.mulf %gather3A_823, %gather3A_827 : vector<16xf32>
        %add3A_833 = arith.addf %sub3A_813, %mul3A_832 : vector<16xf32>
        %mul3A_834 = arith.mulf %gather3A_824, %gather3A_831 : vector<16xf32>
        %sub3A_835 = arith.subf %add3A_833, %mul3A_834 : vector<16xf32>
        %mul3A_836 = arith.mulf %gather3A_823, %gather3A_831 : vector<16xf32>
        %add3A_837 = arith.addf %add3A_817, %mul3A_836 : vector<16xf32>
        %mul3A_838 = arith.mulf %gather3A_824, %gather3A_827 : vector<16xf32>
        %add3A_839 = arith.addf %add3A_837, %mul3A_838 : vector<16xf32>
        %mul3A_840 = arith.constant 48 : i32
        %mul3A_841 = arith.muli %scan3A_24, %mul3A_840 : i32
        %add3A_842 = arith.constant 37 : i32
        %add3A_843 = arith.addi %mul3A_841, %add3A_842 : i32
        %broadcast_in_dim3A_844 = vector.broadcast %add3A_843 : i32 to vector<16xi32>
        %gather3A_845 = tpu.vector_load_idx %arg11[%broadcast_in_dim3A_844] : memref<768xf32, #tpu.memory_space<vmem>>[vector<16xi32>], vector<16xf32>,
        %gather3A_846 = tpu.vector_load_idx %arg12[%broadcast_in_dim3A_844] : memref<768xf32, #tpu.memory_space<vmem>>[vector<16xi32>], vector<16xf32>,
        %gather3A_847 = tpu.vector_load_idx %arg10[%broadcast_in_dim3A_844] : memref<768xi32, #tpu.memory_space<vmem>>[vector<16xi32>], vector<16xi32>,
        %add3A_848 = arith.addi %gather3A_847, %iota3A : vector<16xi32>
        %gather3A_849 = tpu.vector_load_idx %arg13[%broadcast_in_dim3A_844, %add3A_848] : memref<768x128xf32, #tpu.memory_space<vmem>>[vector<16xi32>, vector<16xi32>], vector<16xf32>,
        %add3A_850 = arith.constant 16 : i32
        %add3A_851 = vector.broadcast %add3A_850 : i32 to vector<16xi32>
        %add3A_852 = arith.addi %add3A_848, %add3A_851 : vector<16xi32>
        %gather3A_853 = tpu.vector_load_idx %arg13[%broadcast_in_dim3A_844, %add3A_852] : memref<768x128xf32, #tpu.memory_space<vmem>>[vector<16xi32>, vector<16xi32>], vector<16xf32>,
        %mul3A_854 = arith.mulf %gather3A_845, %gather3A_849 : vector<16xf32>
        %add3A_855 = arith.addf %sub3A_835, %mul3A_854 : vector<16xf32>
        %mul3A_856 = arith.mulf %gather3A_846, %gather3A_853 : vector<16xf32>
        %sub3A_857 = arith.subf %add3A_855, %mul3A_856 : vector<16xf32>
        %mul3A_858 = arith.mulf %gather3A_845, %gather3A_853 : vector<16xf32>
        %add3A_859 = arith.addf %add3A_839, %mul3A_858 : vector<16xf32>
        %mul3A_860 = arith.mulf %gather3A_846, %gather3A_849 : vector<16xf32>
        %add3A_861 = arith.addf %add3A_859, %mul3A_860 : vector<16xf32>
        %mul3A_862 = arith.constant 48 : i32
        %mul3A_863 = arith.muli %scan3A_24, %mul3A_862 : i32
        %add3A_864 = arith.constant 38 : i32
        %add3A_865 = arith.addi %mul3A_863, %add3A_864 : i32
        %broadcast_in_dim3A_866 = vector.broadcast %add3A_865 : i32 to vector<16xi32>
        %gather3A_867 = tpu.vector_load_idx %arg11[%broadcast_in_dim3A_866] : memref<768xf32, #tpu.memory_space<vmem>>[vector<16xi32>], vector<16xf32>,
        %gather3A_868 = tpu.vector_load_idx %arg12[%broadcast_in_dim3A_866] : memref<768xf32, #tpu.memory_space<vmem>>[vector<16xi32>], vector<16xf32>,
        %gather3A_869 = tpu.vector_load_idx %arg10[%broadcast_in_dim3A_866] : memref<768xi32, #tpu.memory_space<vmem>>[vector<16xi32>], vector<16xi32>,
        %add3A_870 = arith.addi %gather3A_869, %iota3A : vector<16xi32>
        %gather3A_871 = tpu.vector_load_idx %arg13[%broadcast_in_dim3A_866, %add3A_870] : memref<768x128xf32, #tpu.memory_space<vmem>>[vector<16xi32>, vector<16xi32>], vector<16xf32>,
        %add3A_872 = arith.constant 16 : i32
        %add3A_873 = vector.broadcast %add3A_872 : i32 to vector<16xi32>
        %add3A_874 = arith.addi %add3A_870, %add3A_873 : vector<16xi32>
        %gather3A_875 = tpu.vector_load_idx %arg13[%broadcast_in_dim3A_866, %add3A_874] : memref<768x128xf32, #tpu.memory_space<vmem>>[vector<16xi32>, vector<16xi32>], vector<16xf32>,
        %mul3A_876 = arith.mulf %gather3A_867, %gather3A_871 : vector<16xf32>
        %add3A_877 = arith.addf %sub3A_857, %mul3A_876 : vector<16xf32>
        %mul3A_878 = arith.mulf %gather3A_868, %gather3A_875 : vector<16xf32>
        %sub3A_879 = arith.subf %add3A_877, %mul3A_878 : vector<16xf32>
        %mul3A_880 = arith.mulf %gather3A_867, %gather3A_875 : vector<16xf32>
        %add3A_881 = arith.addf %add3A_861, %mul3A_880 : vector<16xf32>
        %mul3A_882 = arith.mulf %gather3A_868, %gather3A_871 : vector<16xf32>
        %add3A_883 = arith.addf %add3A_881, %mul3A_882 : vector<16xf32>
        %mul3A_884 = arith.constant 48 : i32
        %mul3A_885 = arith.muli %scan3A_24, %mul3A_884 : i32
        %add3A_886 = arith.constant 39 : i32
        %add3A_887 = arith.addi %mul3A_885, %add3A_886 : i32
        %broadcast_in_dim3A_888 = vector.broadcast %add3A_887 : i32 to vector<16xi32>
        %gather3A_889 = tpu.vector_load_idx %arg11[%broadcast_in_dim3A_888] : memref<768xf32, #tpu.memory_space<vmem>>[vector<16xi32>], vector<16xf32>,
        %gather3A_890 = tpu.vector_load_idx %arg12[%broadcast_in_dim3A_888] : memref<768xf32, #tpu.memory_space<vmem>>[vector<16xi32>], vector<16xf32>,
        %gather3A_891 = tpu.vector_load_idx %arg10[%broadcast_in_dim3A_888] : memref<768xi32, #tpu.memory_space<vmem>>[vector<16xi32>], vector<16xi32>,
        %add3A_892 = arith.addi %gather3A_891, %iota3A : vector<16xi32>
        %gather3A_893 = tpu.vector_load_idx %arg13[%broadcast_in_dim3A_888, %add3A_892] : memref<768x128xf32, #tpu.memory_space<vmem>>[vector<16xi32>, vector<16xi32>], vector<16xf32>,
        %add3A_894 = arith.constant 16 : i32
        %add3A_895 = vector.broadcast %add3A_894 : i32 to vector<16xi32>
        %add3A_896 = arith.addi %add3A_892, %add3A_895 : vector<16xi32>
        %gather3A_897 = tpu.vector_load_idx %arg13[%broadcast_in_dim3A_888, %add3A_896] : memref<768x128xf32, #tpu.memory_space<vmem>>[vector<16xi32>, vector<16xi32>], vector<16xf32>,
        %mul3A_898 = arith.mulf %gather3A_889, %gather3A_893 : vector<16xf32>
        %add3A_899 = arith.addf %sub3A_879, %mul3A_898 : vector<16xf32>
        %mul3A_900 = arith.mulf %gather3A_890, %gather3A_897 : vector<16xf32>
        %sub3A_901 = arith.subf %add3A_899, %mul3A_900 : vector<16xf32>
        %mul3A_902 = arith.mulf %gather3A_889, %gather3A_897 : vector<16xf32>
        %add3A_903 = arith.addf %add3A_883, %mul3A_902 : vector<16xf32>
        %mul3A_904 = arith.mulf %gather3A_890, %gather3A_893 : vector<16xf32>
        %add3A_905 = arith.addf %add3A_903, %mul3A_904 : vector<16xf32>
        %mul3A_906 = arith.constant 48 : i32
        %mul3A_907 = arith.muli %scan3A_24, %mul3A_906 : i32
        %add3A_908 = arith.constant 40 : i32
        %add3A_909 = arith.addi %mul3A_907, %add3A_908 : i32
        %broadcast_in_dim3A_910 = vector.broadcast %add3A_909 : i32 to vector<16xi32>
        %gather3A_911 = tpu.vector_load_idx %arg11[%broadcast_in_dim3A_910] : memref<768xf32, #tpu.memory_space<vmem>>[vector<16xi32>], vector<16xf32>,
        %gather3A_912 = tpu.vector_load_idx %arg12[%broadcast_in_dim3A_910] : memref<768xf32, #tpu.memory_space<vmem>>[vector<16xi32>], vector<16xf32>,
        %gather3A_913 = tpu.vector_load_idx %arg10[%broadcast_in_dim3A_910] : memref<768xi32, #tpu.memory_space<vmem>>[vector<16xi32>], vector<16xi32>,
        %add3A_914 = arith.addi %gather3A_913, %iota3A : vector<16xi32>
        %gather3A_915 = tpu.vector_load_idx %arg13[%broadcast_in_dim3A_910, %add3A_914] : memref<768x128xf32, #tpu.memory_space<vmem>>[vector<16xi32>, vector<16xi32>], vector<16xf32>,
        %add3A_916 = arith.constant 16 : i32
        %add3A_917 = vector.broadcast %add3A_916 : i32 to vector<16xi32>
        %add3A_918 = arith.addi %add3A_914, %add3A_917 : vector<16xi32>
        %gather3A_919 = tpu.vector_load_idx %arg13[%broadcast_in_dim3A_910, %add3A_918] : memref<768x128xf32, #tpu.memory_space<vmem>>[vector<16xi32>, vector<16xi32>], vector<16xf32>,
        %mul3A_920 = arith.mulf %gather3A_911, %gather3A_915 : vector<16xf32>
        %add3A_921 = arith.addf %sub3A_901, %mul3A_920 : vector<16xf32>
        %mul3A_922 = arith.mulf %gather3A_912, %gather3A_919 : vector<16xf32>
        %sub3A_923 = arith.subf %add3A_921, %mul3A_922 : vector<16xf32>
        %mul3A_924 = arith.mulf %gather3A_911, %gather3A_919 : vector<16xf32>
        %add3A_925 = arith.addf %add3A_905, %mul3A_924 : vector<16xf32>
        %mul3A_926 = arith.mulf %gather3A_912, %gather3A_915 : vector<16xf32>
        %add3A_927 = arith.addf %add3A_925, %mul3A_926 : vector<16xf32>
        %mul3A_928 = arith.constant 48 : i32
        %mul3A_929 = arith.muli %scan3A_24, %mul3A_928 : i32
        %add3A_930 = arith.constant 41 : i32
        %add3A_931 = arith.addi %mul3A_929, %add3A_930 : i32
        %broadcast_in_dim3A_932 = vector.broadcast %add3A_931 : i32 to vector<16xi32>
        %gather3A_933 = tpu.vector_load_idx %arg11[%broadcast_in_dim3A_932] : memref<768xf32, #tpu.memory_space<vmem>>[vector<16xi32>], vector<16xf32>,
        %gather3A_934 = tpu.vector_load_idx %arg12[%broadcast_in_dim3A_932] : memref<768xf32, #tpu.memory_space<vmem>>[vector<16xi32>], vector<16xf32>,
        %gather3A_935 = tpu.vector_load_idx %arg10[%broadcast_in_dim3A_932] : memref<768xi32, #tpu.memory_space<vmem>>[vector<16xi32>], vector<16xi32>,
        %add3A_936 = arith.addi %gather3A_935, %iota3A : vector<16xi32>
        %gather3A_937 = tpu.vector_load_idx %arg13[%broadcast_in_dim3A_932, %add3A_936] : memref<768x128xf32, #tpu.memory_space<vmem>>[vector<16xi32>, vector<16xi32>], vector<16xf32>,
        %add3A_938 = arith.constant 16 : i32
        %add3A_939 = vector.broadcast %add3A_938 : i32 to vector<16xi32>
        %add3A_940 = arith.addi %add3A_936, %add3A_939 : vector<16xi32>
        %gather3A_941 = tpu.vector_load_idx %arg13[%broadcast_in_dim3A_932, %add3A_940] : memref<768x128xf32, #tpu.memory_space<vmem>>[vector<16xi32>, vector<16xi32>], vector<16xf32>,
        %mul3A_942 = arith.mulf %gather3A_933, %gather3A_937 : vector<16xf32>
        %add3A_943 = arith.addf %sub3A_923, %mul3A_942 : vector<16xf32>
        %mul3A_944 = arith.mulf %gather3A_934, %gather3A_941 : vector<16xf32>
        %sub3A_945 = arith.subf %add3A_943, %mul3A_944 : vector<16xf32>
        %mul3A_946 = arith.mulf %gather3A_933, %gather3A_941 : vector<16xf32>
        %add3A_947 = arith.addf %add3A_927, %mul3A_946 : vector<16xf32>
        %mul3A_948 = arith.mulf %gather3A_934, %gather3A_937 : vector<16xf32>
        %add3A_949 = arith.addf %add3A_947, %mul3A_948 : vector<16xf32>
        %mul3A_950 = arith.constant 48 : i32
        %mul3A_951 = arith.muli %scan3A_24, %mul3A_950 : i32
        %add3A_952 = arith.constant 42 : i32
        %add3A_953 = arith.addi %mul3A_951, %add3A_952 : i32
        %broadcast_in_dim3A_954 = vector.broadcast %add3A_953 : i32 to vector<16xi32>
        %gather3A_955 = tpu.vector_load_idx %arg11[%broadcast_in_dim3A_954] : memref<768xf32, #tpu.memory_space<vmem>>[vector<16xi32>], vector<16xf32>,
        %gather3A_956 = tpu.vector_load_idx %arg12[%broadcast_in_dim3A_954] : memref<768xf32, #tpu.memory_space<vmem>>[vector<16xi32>], vector<16xf32>,
        %gather3A_957 = tpu.vector_load_idx %arg10[%broadcast_in_dim3A_954] : memref<768xi32, #tpu.memory_space<vmem>>[vector<16xi32>], vector<16xi32>,
        %add3A_958 = arith.addi %gather3A_957, %iota3A : vector<16xi32>
        %gather3A_959 = tpu.vector_load_idx %arg13[%broadcast_in_dim3A_954, %add3A_958] : memref<768x128xf32, #tpu.memory_space<vmem>>[vector<16xi32>, vector<16xi32>], vector<16xf32>,
        %add3A_960 = arith.constant 16 : i32
        %add3A_961 = vector.broadcast %add3A_960 : i32 to vector<16xi32>
        %add3A_962 = arith.addi %add3A_958, %add3A_961 : vector<16xi32>
        %gather3A_963 = tpu.vector_load_idx %arg13[%broadcast_in_dim3A_954, %add3A_962] : memref<768x128xf32, #tpu.memory_space<vmem>>[vector<16xi32>, vector<16xi32>], vector<16xf32>,
        %mul3A_964 = arith.mulf %gather3A_955, %gather3A_959 : vector<16xf32>
        %add3A_965 = arith.addf %sub3A_945, %mul3A_964 : vector<16xf32>
        %mul3A_966 = arith.mulf %gather3A_956, %gather3A_963 : vector<16xf32>
        %sub3A_967 = arith.subf %add3A_965, %mul3A_966 : vector<16xf32>
        %mul3A_968 = arith.mulf %gather3A_955, %gather3A_963 : vector<16xf32>
        %add3A_969 = arith.addf %add3A_949, %mul3A_968 : vector<16xf32>
        %mul3A_970 = arith.mulf %gather3A_956, %gather3A_959 : vector<16xf32>
        %add3A_971 = arith.addf %add3A_969, %mul3A_970 : vector<16xf32>
        %mul3A_972 = arith.constant 48 : i32
        %mul3A_973 = arith.muli %scan3A_24, %mul3A_972 : i32
        %add3A_974 = arith.constant 43 : i32
        %add3A_975 = arith.addi %mul3A_973, %add3A_974 : i32
        %broadcast_in_dim3A_976 = vector.broadcast %add3A_975 : i32 to vector<16xi32>
        %gather3A_977 = tpu.vector_load_idx %arg11[%broadcast_in_dim3A_976] : memref<768xf32, #tpu.memory_space<vmem>>[vector<16xi32>], vector<16xf32>,
        %gather3A_978 = tpu.vector_load_idx %arg12[%broadcast_in_dim3A_976] : memref<768xf32, #tpu.memory_space<vmem>>[vector<16xi32>], vector<16xf32>,
        %gather3A_979 = tpu.vector_load_idx %arg10[%broadcast_in_dim3A_976] : memref<768xi32, #tpu.memory_space<vmem>>[vector<16xi32>], vector<16xi32>,
        %add3A_980 = arith.addi %gather3A_979, %iota3A : vector<16xi32>
        %gather3A_981 = tpu.vector_load_idx %arg13[%broadcast_in_dim3A_976, %add3A_980] : memref<768x128xf32, #tpu.memory_space<vmem>>[vector<16xi32>, vector<16xi32>], vector<16xf32>,
        %add3A_982 = arith.constant 16 : i32
        %add3A_983 = vector.broadcast %add3A_982 : i32 to vector<16xi32>
        %add3A_984 = arith.addi %add3A_980, %add3A_983 : vector<16xi32>
        %gather3A_985 = tpu.vector_load_idx %arg13[%broadcast_in_dim3A_976, %add3A_984] : memref<768x128xf32, #tpu.memory_space<vmem>>[vector<16xi32>, vector<16xi32>], vector<16xf32>,
        %mul3A_986 = arith.mulf %gather3A_977, %gather3A_981 : vector<16xf32>
        %add3A_987 = arith.addf %sub3A_967, %mul3A_986 : vector<16xf32>
        %mul3A_988 = arith.mulf %gather3A_978, %gather3A_985 : vector<16xf32>
        %sub3A_989 = arith.subf %add3A_987, %mul3A_988 : vector<16xf32>
        %mul3A_990 = arith.mulf %gather3A_977, %gather3A_985 : vector<16xf32>
        %add3A_991 = arith.addf %add3A_971, %mul3A_990 : vector<16xf32>
        %mul3A_992 = arith.mulf %gather3A_978, %gather3A_981 : vector<16xf32>
        %add3A_993 = arith.addf %add3A_991, %mul3A_992 : vector<16xf32>
        %mul3A_994 = arith.constant 48 : i32
        %mul3A_995 = arith.muli %scan3A_24, %mul3A_994 : i32
        %add3A_996 = arith.constant 44 : i32
        %add3A_997 = arith.addi %mul3A_995, %add3A_996 : i32
        %broadcast_in_dim3A_998 = vector.broadcast %add3A_997 : i32 to vector<16xi32>
        %gather3A_999 = tpu.vector_load_idx %arg11[%broadcast_in_dim3A_998] : memref<768xf32, #tpu.memory_space<vmem>>[vector<16xi32>], vector<16xf32>,
        %gather3A_1000 = tpu.vector_load_idx %arg12[%broadcast_in_dim3A_998] : memref<768xf32, #tpu.memory_space<vmem>>[vector<16xi32>], vector<16xf32>,
        %gather3A_1001 = tpu.vector_load_idx %arg10[%broadcast_in_dim3A_998] : memref<768xi32, #tpu.memory_space<vmem>>[vector<16xi32>], vector<16xi32>,
        %add3A_1002 = arith.addi %gather3A_1001, %iota3A : vector<16xi32>
        %gather3A_1003 = tpu.vector_load_idx %arg13[%broadcast_in_dim3A_998, %add3A_1002] : memref<768x128xf32, #tpu.memory_space<vmem>>[vector<16xi32>, vector<16xi32>], vector<16xf32>,
        %add3A_1004 = arith.constant 16 : i32
        %add3A_1005 = vector.broadcast %add3A_1004 : i32 to vector<16xi32>
        %add3A_1006 = arith.addi %add3A_1002, %add3A_1005 : vector<16xi32>
        %gather3A_1007 = tpu.vector_load_idx %arg13[%broadcast_in_dim3A_998, %add3A_1006] : memref<768x128xf32, #tpu.memory_space<vmem>>[vector<16xi32>, vector<16xi32>], vector<16xf32>,
        %mul3A_1008 = arith.mulf %gather3A_999, %gather3A_1003 : vector<16xf32>
        %add3A_1009 = arith.addf %sub3A_989, %mul3A_1008 : vector<16xf32>
        %mul3A_1010 = arith.mulf %gather3A_1000, %gather3A_1007 : vector<16xf32>
        %sub3A_1011 = arith.subf %add3A_1009, %mul3A_1010 : vector<16xf32>
        %mul3A_1012 = arith.mulf %gather3A_999, %gather3A_1007 : vector<16xf32>
        %add3A_1013 = arith.addf %add3A_993, %mul3A_1012 : vector<16xf32>
        %mul3A_1014 = arith.mulf %gather3A_1000, %gather3A_1003 : vector<16xf32>
        %add3A_1015 = arith.addf %add3A_1013, %mul3A_1014 : vector<16xf32>
        %mul3A_1016 = arith.constant 48 : i32
        %mul3A_1017 = arith.muli %scan3A_24, %mul3A_1016 : i32
        %add3A_1018 = arith.constant 45 : i32
        %add3A_1019 = arith.addi %mul3A_1017, %add3A_1018 : i32
        %broadcast_in_dim3A_1020 = vector.broadcast %add3A_1019 : i32 to vector<16xi32>
        %gather3A_1021 = tpu.vector_load_idx %arg11[%broadcast_in_dim3A_1020] : memref<768xf32, #tpu.memory_space<vmem>>[vector<16xi32>], vector<16xf32>,
        %gather3A_1022 = tpu.vector_load_idx %arg12[%broadcast_in_dim3A_1020] : memref<768xf32, #tpu.memory_space<vmem>>[vector<16xi32>], vector<16xf32>,
        %gather3A_1023 = tpu.vector_load_idx %arg10[%broadcast_in_dim3A_1020] : memref<768xi32, #tpu.memory_space<vmem>>[vector<16xi32>], vector<16xi32>,
        %add3A_1024 = arith.addi %gather3A_1023, %iota3A : vector<16xi32>
        %gather3A_1025 = tpu.vector_load_idx %arg13[%broadcast_in_dim3A_1020, %add3A_1024] : memref<768x128xf32, #tpu.memory_space<vmem>>[vector<16xi32>, vector<16xi32>], vector<16xf32>,
        %add3A_1026 = arith.constant 16 : i32
        %add3A_1027 = vector.broadcast %add3A_1026 : i32 to vector<16xi32>
        %add3A_1028 = arith.addi %add3A_1024, %add3A_1027 : vector<16xi32>
        %gather3A_1029 = tpu.vector_load_idx %arg13[%broadcast_in_dim3A_1020, %add3A_1028] : memref<768x128xf32, #tpu.memory_space<vmem>>[vector<16xi32>, vector<16xi32>], vector<16xf32>,
        %mul3A_1030 = arith.mulf %gather3A_1021, %gather3A_1025 : vector<16xf32>
        %add3A_1031 = arith.addf %sub3A_1011, %mul3A_1030 : vector<16xf32>
        %mul3A_1032 = arith.mulf %gather3A_1022, %gather3A_1029 : vector<16xf32>
        %sub3A_1033 = arith.subf %add3A_1031, %mul3A_1032 : vector<16xf32>
        %mul3A_1034 = arith.mulf %gather3A_1021, %gather3A_1029 : vector<16xf32>
        %add3A_1035 = arith.addf %add3A_1015, %mul3A_1034 : vector<16xf32>
        %mul3A_1036 = arith.mulf %gather3A_1022, %gather3A_1025 : vector<16xf32>
        %add3A_1037 = arith.addf %add3A_1035, %mul3A_1036 : vector<16xf32>
        %mul3A_1038 = arith.constant 48 : i32
        %mul3A_1039 = arith.muli %scan3A_24, %mul3A_1038 : i32
        %add3A_1040 = arith.constant 46 : i32
        %add3A_1041 = arith.addi %mul3A_1039, %add3A_1040 : i32
        %broadcast_in_dim3A_1042 = vector.broadcast %add3A_1041 : i32 to vector<16xi32>
        %gather3A_1043 = tpu.vector_load_idx %arg11[%broadcast_in_dim3A_1042] : memref<768xf32, #tpu.memory_space<vmem>>[vector<16xi32>], vector<16xf32>,
        %gather3A_1044 = tpu.vector_load_idx %arg12[%broadcast_in_dim3A_1042] : memref<768xf32, #tpu.memory_space<vmem>>[vector<16xi32>], vector<16xf32>,
        %gather3A_1045 = tpu.vector_load_idx %arg10[%broadcast_in_dim3A_1042] : memref<768xi32, #tpu.memory_space<vmem>>[vector<16xi32>], vector<16xi32>,
        %add3A_1046 = arith.addi %gather3A_1045, %iota3A : vector<16xi32>
        %gather3A_1047 = tpu.vector_load_idx %arg13[%broadcast_in_dim3A_1042, %add3A_1046] : memref<768x128xf32, #tpu.memory_space<vmem>>[vector<16xi32>, vector<16xi32>], vector<16xf32>,
        %add3A_1048 = arith.constant 16 : i32
        %add3A_1049 = vector.broadcast %add3A_1048 : i32 to vector<16xi32>
        %add3A_1050 = arith.addi %add3A_1046, %add3A_1049 : vector<16xi32>
        %gather3A_1051 = tpu.vector_load_idx %arg13[%broadcast_in_dim3A_1042, %add3A_1050] : memref<768x128xf32, #tpu.memory_space<vmem>>[vector<16xi32>, vector<16xi32>], vector<16xf32>,
        %mul3A_1052 = arith.mulf %gather3A_1043, %gather3A_1047 : vector<16xf32>
        %add3A_1053 = arith.addf %sub3A_1033, %mul3A_1052 : vector<16xf32>
        %mul3A_1054 = arith.mulf %gather3A_1044, %gather3A_1051 : vector<16xf32>
        %sub3A_1055 = arith.subf %add3A_1053, %mul3A_1054 : vector<16xf32>
        %mul3A_1056 = arith.mulf %gather3A_1043, %gather3A_1051 : vector<16xf32>
        %add3A_1057 = arith.addf %add3A_1037, %mul3A_1056 : vector<16xf32>
        %mul3A_1058 = arith.mulf %gather3A_1044, %gather3A_1047 : vector<16xf32>
        %add3A_1059 = arith.addf %add3A_1057, %mul3A_1058 : vector<16xf32>
        %mul3A_1060 = arith.constant 48 : i32
        %mul3A_1061 = arith.muli %scan3A_24, %mul3A_1060 : i32
        %add3A_1062 = arith.constant 47 : i32
        %add3A_1063 = arith.addi %mul3A_1061, %add3A_1062 : i32
        %broadcast_in_dim3A_1064 = vector.broadcast %add3A_1063 : i32 to vector<16xi32>
        %gather3A_1065 = tpu.vector_load_idx %arg11[%broadcast_in_dim3A_1064] : memref<768xf32, #tpu.memory_space<vmem>>[vector<16xi32>], vector<16xf32>,
        %gather3A_1066 = tpu.vector_load_idx %arg12[%broadcast_in_dim3A_1064] : memref<768xf32, #tpu.memory_space<vmem>>[vector<16xi32>], vector<16xf32>,
        %gather3A_1067 = tpu.vector_load_idx %arg10[%broadcast_in_dim3A_1064] : memref<768xi32, #tpu.memory_space<vmem>>[vector<16xi32>], vector<16xi32>,
        %add3A_1068 = arith.addi %gather3A_1067, %iota3A : vector<16xi32>
        %gather3A_1069 = tpu.vector_load_idx %arg13[%broadcast_in_dim3A_1064, %add3A_1068] : memref<768x128xf32, #tpu.memory_space<vmem>>[vector<16xi32>, vector<16xi32>], vector<16xf32>,
        %add3A_1070 = arith.constant 16 : i32
        %add3A_1071 = vector.broadcast %add3A_1070 : i32 to vector<16xi32>
        %add3A_1072 = arith.addi %add3A_1068, %add3A_1071 : vector<16xi32>
        %gather3A_1073 = tpu.vector_load_idx %arg13[%broadcast_in_dim3A_1064, %add3A_1072] : memref<768x128xf32, #tpu.memory_space<vmem>>[vector<16xi32>, vector<16xi32>], vector<16xf32>,
        %mul3A_1074 = arith.mulf %gather3A_1065, %gather3A_1069 : vector<16xf32>
        %add3A_1075 = arith.addf %sub3A_1055, %mul3A_1074 : vector<16xf32>
        %mul3A_1076 = arith.mulf %gather3A_1066, %gather3A_1073 : vector<16xf32>
        %sub3A_1077 = arith.subf %add3A_1075, %mul3A_1076 : vector<16xf32>
        %mul3A_1078 = arith.mulf %gather3A_1065, %gather3A_1073 : vector<16xf32>
        %add3A_1079 = arith.addf %add3A_1059, %mul3A_1078 : vector<16xf32>
        %mul3A_1080 = arith.mulf %gather3A_1066, %gather3A_1069 : vector<16xf32>
        %add3A_1081 = arith.addf %add3A_1079, %mul3A_1080 : vector<16xf32>
        %broadcast_in_dim3A_1082 = vector.broadcast %scan3A_24 : i32 to vector<16xi32>
        tpu.vector_store_idx %arg14[%broadcast_in_dim3A_1082, %iota3A], %sub3A_1077 : memref<16x16xf32, #tpu.memory_space<vmem>>[vector<16xi32>, vector<16xi32>], vector<16xf32>,
        tpu.vector_store_idx %arg15[%broadcast_in_dim3A_1082, %iota3A], %add3A_1081 : memref<16x16xf32, #tpu.memory_space<vmem>>[vector<16xi32>, vector<16xi32>], vector<16xf32>,
      }
      %scan3A_23 = arith.constant 16 : i32
      "tpu.region"() ({
        %run_scoped3A = tpu.sem_alloc : memref<!tpu.dma_semaphore, #tpu.memory_space<semaphore_mem>>
        %dma_start3A_24 = arith.constant 0 : i32
        %dma_start3A_25 = tpu.memref_slice %arg7[%add3A_11, %dma_start3A_24] : memref<36864x16xf32, #tpu.memory_space<hbm>> -> memref<16x16xf32, #tpu.memory_space<hbm>>
        %dma_start3A_26 = arith.constant 0 : i32
        %dma_start3A_27 = tpu.memref_slice %arg7[%add3A_11, %dma_start3A_26] : memref<36864x16xf32, #tpu.memory_space<hbm>> -> memref<16x16xf32, #tpu.memory_space<hbm>>
        tpu.enqueue_dma source(%arg14 : memref<16x16xf32, #tpu.memory_space<vmem>>) target(%dma_start3A_27 : memref<16x16xf32, #tpu.memory_space<hbm>>) target_semaphore(%run_scoped3A : memref<!tpu.dma_semaphore, #tpu.memory_space<semaphore_mem>>)
        %dma_wait3A_28 = arith.constant 0 : i32
        %dma_wait3A_29 = tpu.memref_slice %arg7[%add3A_11, %dma_wait3A_28] : memref<36864x16xf32, #tpu.memory_space<hbm>> -> memref<16x16xf32, #tpu.memory_space<hbm>>
        %dma_wait3A_30 = arith.constant 0 : i32
        %dma_wait3A_31 = tpu.memref_slice %arg7[%add3A_11, %dma_wait3A_30] : memref<36864x16xf32, #tpu.memory_space<hbm>> -> memref<16x16xf32, #tpu.memory_space<hbm>>
        tpu.wait_dma2 semaphore(%run_scoped3A : memref<!tpu.dma_semaphore, #tpu.memory_space<semaphore_mem>>) src(%arg14 : memref<16x16xf32, #tpu.memory_space<vmem>>) dst(%dma_wait3A_31 : memref<16x16xf32, #tpu.memory_space<hbm>>)
        tpu.yield
      }) : () -> ()
      "tpu.region"() ({
        %run_scoped3A = tpu.sem_alloc : memref<!tpu.dma_semaphore, #tpu.memory_space<semaphore_mem>>
        %dma_start3A_24 = arith.constant 0 : i32
        %dma_start3A_25 = tpu.memref_slice %arg8[%add3A_11, %dma_start3A_24] : memref<36864x16xf32, #tpu.memory_space<hbm>> -> memref<16x16xf32, #tpu.memory_space<hbm>>
        %dma_start3A_26 = arith.constant 0 : i32
        %dma_start3A_27 = tpu.memref_slice %arg8[%add3A_11, %dma_start3A_26] : memref<36864x16xf32, #tpu.memory_space<hbm>> -> memref<16x16xf32, #tpu.memory_space<hbm>>
        tpu.enqueue_dma source(%arg15 : memref<16x16xf32, #tpu.memory_space<vmem>>) target(%dma_start3A_27 : memref<16x16xf32, #tpu.memory_space<hbm>>) target_semaphore(%run_scoped3A : memref<!tpu.dma_semaphore, #tpu.memory_space<semaphore_mem>>)
        %dma_wait3A_28 = arith.constant 0 : i32
        %dma_wait3A_29 = tpu.memref_slice %arg8[%add3A_11, %dma_wait3A_28] : memref<36864x16xf32, #tpu.memory_space<hbm>> -> memref<16x16xf32, #tpu.memory_space<hbm>>
        %dma_wait3A_30 = arith.constant 0 : i32
        %dma_wait3A_31 = tpu.memref_slice %arg8[%add3A_11, %dma_wait3A_30] : memref<36864x16xf32, #tpu.memory_space<hbm>> -> memref<16x16xf32, #tpu.memory_space<hbm>>
        tpu.wait_dma2 semaphore(%run_scoped3A : memref<!tpu.dma_semaphore, #tpu.memory_space<semaphore_mem>>) src(%arg15 : memref<16x16xf32, #tpu.memory_space<vmem>>) dst(%dma_wait3A_31 : memref<16x16xf32, #tpu.memory_space<hbm>>)
        tpu.yield
      }) : () -> ()
    }
    %scan3A_5 = arith.constant 72 : i32
    return
  }
}

module attributes {stable_mosaic.version = 14 : i64} {
  func.func @_mix_body(%arg0: i32, %arg1: memref<10x1024xf32, #tpu.memory_space<vmem>>, %arg2: memref<10x1024xf32, #tpu.memory_space<vmem>>, %arg3: memref<5x1024xf32, #tpu.memory_space<vmem>>, %arg4: memref<5x1024xf32, #tpu.memory_space<vmem>>, %arg5: memref<1x1024xf32, #tpu.memory_space<vmem>>, %arg6: memref<10x1024xf32, #tpu.memory_space<vmem>>, %arg7: memref<10x1024xf32, #tpu.memory_space<vmem>>) attributes {dimension_semantics = [#tpu.dimension_semantics<arbitrary>], iteration_bounds = array<i64: 36>, scalar_prefetch = 0 : i64, scratch_operands = 0 : i64, tpu.core_type = #tpu.core_type<tc>, window_params = [{transform_indices = @transform_0, window_bounds = array<i64: 10, 1024>}, {transform_indices = @transform_1, window_bounds = array<i64: 10, 1024>}, {transform_indices = @transform_2, window_bounds = array<i64: 5, 1024>}, {transform_indices = @transform_3, window_bounds = array<i64: 5, 1024>}, {transform_indices = @transform_4, window_bounds = array<i64: 1, 1024>}, {transform_indices = @transform_5, window_bounds = array<i64: 10, 1024>}, {transform_indices = @transform_6, window_bounds = array<i64: 10, 1024>}]} {
    %get3A = arith.constant 0 : index
    %get3A_0 = arith.constant 0 : index
    %get3A_1 = vector.load %arg5[%get3A, %get3A_0] : memref<1x1024xf32, #tpu.memory_space<vmem>>, vector<1x1024xf32>
    %get3A_2 = vector.shape_cast %get3A_1 : vector<1x1024xf32> to vector<1024xf32>
    %broadcast_in_dim3A = arith.constant 0.000000e+00 : f32
    %broadcast_in_dim3A_3 = vector.broadcast %broadcast_in_dim3A : f32 to vector<1024xf32>
    %broadcast_in_dim3A_4 = arith.constant 0.000000e+00 : f32
    %broadcast_in_dim3A_5 = vector.broadcast %broadcast_in_dim3A_4 : f32 to vector<1024xf32>
    %get3A_6 = arith.constant 0 : index
    %get3A_7 = arith.constant 0 : index
    %get3A_8 = vector.load %arg1[%get3A_6, %get3A_7] : memref<10x1024xf32, #tpu.memory_space<vmem>>, vector<1x1024xf32>
    %get3A_9 = vector.shape_cast %get3A_8 : vector<1x1024xf32> to vector<1024xf32>
    %get3A_10 = arith.constant 0 : index
    %get3A_11 = arith.constant 0 : index
    %get3A_12 = vector.load %arg2[%get3A_10, %get3A_11] : memref<10x1024xf32, #tpu.memory_space<vmem>>, vector<1x1024xf32>
    %get3A_13 = vector.shape_cast %get3A_12 : vector<1x1024xf32> to vector<1024xf32>
    %get3A_14 = arith.constant 0 : index
    %get3A_15 = arith.constant 0 : index
    %get3A_16 = vector.load %arg3[%get3A_14, %get3A_15] : memref<5x1024xf32, #tpu.memory_space<vmem>>, vector<1x1024xf32>
    %get3A_17 = vector.shape_cast %get3A_16 : vector<1x1024xf32> to vector<1024xf32>
    %get3A_18 = arith.constant 0 : index
    %get3A_19 = arith.constant 0 : index
    %get3A_20 = vector.load %arg4[%get3A_18, %get3A_19] : memref<5x1024xf32, #tpu.memory_space<vmem>>, vector<1x1024xf32>
    %get3A_21 = vector.shape_cast %get3A_20 : vector<1x1024xf32> to vector<1024xf32>
    %mul3A = arith.mulf %get3A_9, %get3A_17 : vector<1024xf32>
    %add3A = arith.addf %broadcast_in_dim3A_3, %mul3A : vector<1024xf32>
    %mul3A_22 = arith.mulf %get3A_13, %get3A_21 : vector<1024xf32>
    %sub3A = arith.subf %add3A, %mul3A_22 : vector<1024xf32>
    %mul3A_23 = arith.mulf %get3A_9, %get3A_21 : vector<1024xf32>
    %add3A_24 = arith.addf %broadcast_in_dim3A_5, %mul3A_23 : vector<1024xf32>
    %mul3A_25 = arith.mulf %get3A_13, %get3A_17 : vector<1024xf32>
    %add3A_26 = arith.addf %add3A_24, %mul3A_25 : vector<1024xf32>
    %get3A_27 = arith.constant 1 : index
    %get3A_28 = arith.constant 0 : index
    %get3A_29 = vector.load %arg1[%get3A_27, %get3A_28] : memref<10x1024xf32, #tpu.memory_space<vmem>>, vector<1x1024xf32>
    %get3A_30 = vector.shape_cast %get3A_29 : vector<1x1024xf32> to vector<1024xf32>
    %get3A_31 = arith.constant 1 : index
    %get3A_32 = arith.constant 0 : index
    %get3A_33 = vector.load %arg2[%get3A_31, %get3A_32] : memref<10x1024xf32, #tpu.memory_space<vmem>>, vector<1x1024xf32>
    %get3A_34 = vector.shape_cast %get3A_33 : vector<1x1024xf32> to vector<1024xf32>
    %get3A_35 = arith.constant 1 : index
    %get3A_36 = arith.constant 0 : index
    %get3A_37 = vector.load %arg3[%get3A_35, %get3A_36] : memref<5x1024xf32, #tpu.memory_space<vmem>>, vector<1x1024xf32>
    %get3A_38 = vector.shape_cast %get3A_37 : vector<1x1024xf32> to vector<1024xf32>
    %get3A_39 = arith.constant 1 : index
    %get3A_40 = arith.constant 0 : index
    %get3A_41 = vector.load %arg4[%get3A_39, %get3A_40] : memref<5x1024xf32, #tpu.memory_space<vmem>>, vector<1x1024xf32>
    %get3A_42 = vector.shape_cast %get3A_41 : vector<1x1024xf32> to vector<1024xf32>
    %mul3A_43 = arith.mulf %get3A_30, %get3A_38 : vector<1024xf32>
    %add3A_44 = arith.addf %sub3A, %mul3A_43 : vector<1024xf32>
    %mul3A_45 = arith.mulf %get3A_34, %get3A_42 : vector<1024xf32>
    %sub3A_46 = arith.subf %add3A_44, %mul3A_45 : vector<1024xf32>
    %mul3A_47 = arith.mulf %get3A_30, %get3A_42 : vector<1024xf32>
    %add3A_48 = arith.addf %add3A_26, %mul3A_47 : vector<1024xf32>
    %mul3A_49 = arith.mulf %get3A_34, %get3A_38 : vector<1024xf32>
    %add3A_50 = arith.addf %add3A_48, %mul3A_49 : vector<1024xf32>
    %get3A_51 = arith.constant 2 : index
    %get3A_52 = arith.constant 0 : index
    %get3A_53 = vector.load %arg1[%get3A_51, %get3A_52] : memref<10x1024xf32, #tpu.memory_space<vmem>>, vector<1x1024xf32>
    %get3A_54 = vector.shape_cast %get3A_53 : vector<1x1024xf32> to vector<1024xf32>
    %get3A_55 = arith.constant 2 : index
    %get3A_56 = arith.constant 0 : index
    %get3A_57 = vector.load %arg2[%get3A_55, %get3A_56] : memref<10x1024xf32, #tpu.memory_space<vmem>>, vector<1x1024xf32>
    %get3A_58 = vector.shape_cast %get3A_57 : vector<1x1024xf32> to vector<1024xf32>
    %get3A_59 = arith.constant 2 : index
    %get3A_60 = arith.constant 0 : index
    %get3A_61 = vector.load %arg3[%get3A_59, %get3A_60] : memref<5x1024xf32, #tpu.memory_space<vmem>>, vector<1x1024xf32>
    %get3A_62 = vector.shape_cast %get3A_61 : vector<1x1024xf32> to vector<1024xf32>
    %get3A_63 = arith.constant 2 : index
    %get3A_64 = arith.constant 0 : index
    %get3A_65 = vector.load %arg4[%get3A_63, %get3A_64] : memref<5x1024xf32, #tpu.memory_space<vmem>>, vector<1x1024xf32>
    %get3A_66 = vector.shape_cast %get3A_65 : vector<1x1024xf32> to vector<1024xf32>
    %mul3A_67 = arith.mulf %get3A_54, %get3A_62 : vector<1024xf32>
    %add3A_68 = arith.addf %sub3A_46, %mul3A_67 : vector<1024xf32>
    %mul3A_69 = arith.mulf %get3A_58, %get3A_66 : vector<1024xf32>
    %sub3A_70 = arith.subf %add3A_68, %mul3A_69 : vector<1024xf32>
    %mul3A_71 = arith.mulf %get3A_54, %get3A_66 : vector<1024xf32>
    %add3A_72 = arith.addf %add3A_50, %mul3A_71 : vector<1024xf32>
    %mul3A_73 = arith.mulf %get3A_58, %get3A_62 : vector<1024xf32>
    %add3A_74 = arith.addf %add3A_72, %mul3A_73 : vector<1024xf32>
    %get3A_75 = arith.constant 3 : index
    %get3A_76 = arith.constant 0 : index
    %get3A_77 = vector.load %arg1[%get3A_75, %get3A_76] : memref<10x1024xf32, #tpu.memory_space<vmem>>, vector<1x1024xf32>
    %get3A_78 = vector.shape_cast %get3A_77 : vector<1x1024xf32> to vector<1024xf32>
    %get3A_79 = arith.constant 3 : index
    %get3A_80 = arith.constant 0 : index
    %get3A_81 = vector.load %arg2[%get3A_79, %get3A_80] : memref<10x1024xf32, #tpu.memory_space<vmem>>, vector<1x1024xf32>
    %get3A_82 = vector.shape_cast %get3A_81 : vector<1x1024xf32> to vector<1024xf32>
    %get3A_83 = arith.constant 3 : index
    %get3A_84 = arith.constant 0 : index
    %get3A_85 = vector.load %arg3[%get3A_83, %get3A_84] : memref<5x1024xf32, #tpu.memory_space<vmem>>, vector<1x1024xf32>
    %get3A_86 = vector.shape_cast %get3A_85 : vector<1x1024xf32> to vector<1024xf32>
    %get3A_87 = arith.constant 3 : index
    %get3A_88 = arith.constant 0 : index
    %get3A_89 = vector.load %arg4[%get3A_87, %get3A_88] : memref<5x1024xf32, #tpu.memory_space<vmem>>, vector<1x1024xf32>
    %get3A_90 = vector.shape_cast %get3A_89 : vector<1x1024xf32> to vector<1024xf32>
    %mul3A_91 = arith.mulf %get3A_78, %get3A_86 : vector<1024xf32>
    %add3A_92 = arith.addf %sub3A_70, %mul3A_91 : vector<1024xf32>
    %mul3A_93 = arith.mulf %get3A_82, %get3A_90 : vector<1024xf32>
    %sub3A_94 = arith.subf %add3A_92, %mul3A_93 : vector<1024xf32>
    %mul3A_95 = arith.mulf %get3A_78, %get3A_90 : vector<1024xf32>
    %add3A_96 = arith.addf %add3A_74, %mul3A_95 : vector<1024xf32>
    %mul3A_97 = arith.mulf %get3A_82, %get3A_86 : vector<1024xf32>
    %add3A_98 = arith.addf %add3A_96, %mul3A_97 : vector<1024xf32>
    %get3A_99 = arith.constant 4 : index
    %get3A_100 = arith.constant 0 : index
    %get3A_101 = vector.load %arg1[%get3A_99, %get3A_100] : memref<10x1024xf32, #tpu.memory_space<vmem>>, vector<1x1024xf32>
    %get3A_102 = vector.shape_cast %get3A_101 : vector<1x1024xf32> to vector<1024xf32>
    %get3A_103 = arith.constant 4 : index
    %get3A_104 = arith.constant 0 : index
    %get3A_105 = vector.load %arg2[%get3A_103, %get3A_104] : memref<10x1024xf32, #tpu.memory_space<vmem>>, vector<1x1024xf32>
    %get3A_106 = vector.shape_cast %get3A_105 : vector<1x1024xf32> to vector<1024xf32>
    %get3A_107 = arith.constant 4 : index
    %get3A_108 = arith.constant 0 : index
    %get3A_109 = vector.load %arg3[%get3A_107, %get3A_108] : memref<5x1024xf32, #tpu.memory_space<vmem>>, vector<1x1024xf32>
    %get3A_110 = vector.shape_cast %get3A_109 : vector<1x1024xf32> to vector<1024xf32>
    %get3A_111 = arith.constant 4 : index
    %get3A_112 = arith.constant 0 : index
    %get3A_113 = vector.load %arg4[%get3A_111, %get3A_112] : memref<5x1024xf32, #tpu.memory_space<vmem>>, vector<1x1024xf32>
    %get3A_114 = vector.shape_cast %get3A_113 : vector<1x1024xf32> to vector<1024xf32>
    %mul3A_115 = arith.mulf %get3A_102, %get3A_110 : vector<1024xf32>
    %add3A_116 = arith.addf %sub3A_94, %mul3A_115 : vector<1024xf32>
    %mul3A_117 = arith.mulf %get3A_106, %get3A_114 : vector<1024xf32>
    %sub3A_118 = arith.subf %add3A_116, %mul3A_117 : vector<1024xf32>
    %mul3A_119 = arith.mulf %get3A_102, %get3A_114 : vector<1024xf32>
    %add3A_120 = arith.addf %add3A_98, %mul3A_119 : vector<1024xf32>
    %mul3A_121 = arith.mulf %get3A_106, %get3A_110 : vector<1024xf32>
    %add3A_122 = arith.addf %add3A_120, %mul3A_121 : vector<1024xf32>
    %get3A_123 = arith.constant 0 : index
    %get3A_124 = arith.constant 0 : index
    %get3A_125 = vector.load %arg3[%get3A_123, %get3A_124] : memref<5x1024xf32, #tpu.memory_space<vmem>>, vector<1x1024xf32>
    %get3A_126 = vector.shape_cast %get3A_125 : vector<1x1024xf32> to vector<1024xf32>
    %get3A_127 = arith.constant 0 : index
    %get3A_128 = arith.constant 0 : index
    %get3A_129 = vector.load %arg4[%get3A_127, %get3A_128] : memref<5x1024xf32, #tpu.memory_space<vmem>>, vector<1x1024xf32>
    %get3A_130 = vector.shape_cast %get3A_129 : vector<1x1024xf32> to vector<1024xf32>
    %mul3A_131 = arith.mulf %get3A_126, %get3A_126 : vector<1024xf32>
    %mul3A_132 = arith.mulf %get3A_130, %get3A_130 : vector<1024xf32>
    %add3A_133 = arith.addf %mul3A_131, %mul3A_132 : vector<1024xf32>
    %sub3A_134 = arith.constant 1.000000e+00 : f32
    %sub3A_135 = vector.broadcast %sub3A_134 : f32 to vector<1024xf32>
    %sub3A_136 = arith.subf %sub3A_135, %add3A_133 : vector<1024xf32>
    %mul3A_137 = arith.mulf %get3A_9, %sub3A_136 : vector<1024xf32>
    %mul3A_138 = arith.mulf %sub3A_118, %get3A_126 : vector<1024xf32>
    %add3A_139 = arith.addf %mul3A_137, %mul3A_138 : vector<1024xf32>
    %mul3A_140 = arith.mulf %add3A_122, %get3A_130 : vector<1024xf32>
    %add3A_141 = arith.addf %add3A_139, %mul3A_140 : vector<1024xf32>
    %mul3A_142 = arith.mulf %get3A_13, %sub3A_136 : vector<1024xf32>
    %mul3A_143 = arith.mulf %add3A_122, %get3A_126 : vector<1024xf32>
    %add3A_144 = arith.addf %mul3A_142, %mul3A_143 : vector<1024xf32>
    %mul3A_145 = arith.mulf %sub3A_118, %get3A_130 : vector<1024xf32>
    %sub3A_146 = arith.subf %add3A_144, %mul3A_145 : vector<1024xf32>
    %mul3A_147 = arith.mulf %add3A_141, %get3A_2 : vector<1024xf32>
    %swap3A = arith.constant 0 : index
    %swap3A_148 = arith.constant 0 : index
    %swap3A_149 = vector.load %arg6[%swap3A, %swap3A_148] : memref<10x1024xf32, #tpu.memory_space<vmem>>, vector<1x1024xf32>
    %swap3A_150 = vector.shape_cast %swap3A_149 : vector<1x1024xf32> to vector<1024xf32>
    %swap3A_151 = vector.shape_cast %mul3A_147 : vector<1024xf32> to vector<1x1024xf32>
    tpu.vector_store %arg6[%swap3A, %swap3A_148], %swap3A_151 {strides = array<i32>} : memref<10x1024xf32, #tpu.memory_space<vmem>>, vector<1x1024xf32>,
    %mul3A_152 = arith.mulf %sub3A_146, %get3A_2 : vector<1024xf32>
    %swap3A_153 = arith.constant 0 : index
    %swap3A_154 = arith.constant 0 : index
    %swap3A_155 = vector.load %arg7[%swap3A_153, %swap3A_154] : memref<10x1024xf32, #tpu.memory_space<vmem>>, vector<1x1024xf32>
    %swap3A_156 = vector.shape_cast %swap3A_155 : vector<1x1024xf32> to vector<1024xf32>
    %swap3A_157 = vector.shape_cast %mul3A_152 : vector<1024xf32> to vector<1x1024xf32>
    tpu.vector_store %arg7[%swap3A_153, %swap3A_154], %swap3A_157 {strides = array<i32>} : memref<10x1024xf32, #tpu.memory_space<vmem>>, vector<1x1024xf32>,
    %get3A_158 = arith.constant 1 : index
    %get3A_159 = arith.constant 0 : index
    %get3A_160 = vector.load %arg3[%get3A_158, %get3A_159] : memref<5x1024xf32, #tpu.memory_space<vmem>>, vector<1x1024xf32>
    %get3A_161 = vector.shape_cast %get3A_160 : vector<1x1024xf32> to vector<1024xf32>
    %get3A_162 = arith.constant 1 : index
    %get3A_163 = arith.constant 0 : index
    %get3A_164 = vector.load %arg4[%get3A_162, %get3A_163] : memref<5x1024xf32, #tpu.memory_space<vmem>>, vector<1x1024xf32>
    %get3A_165 = vector.shape_cast %get3A_164 : vector<1x1024xf32> to vector<1024xf32>
    %mul3A_166 = arith.mulf %get3A_161, %get3A_161 : vector<1024xf32>
    %mul3A_167 = arith.mulf %get3A_165, %get3A_165 : vector<1024xf32>
    %add3A_168 = arith.addf %mul3A_166, %mul3A_167 : vector<1024xf32>
    %sub3A_169 = arith.constant 1.000000e+00 : f32
    %sub3A_170 = vector.broadcast %sub3A_169 : f32 to vector<1024xf32>
    %sub3A_171 = arith.subf %sub3A_170, %add3A_168 : vector<1024xf32>
    %mul3A_172 = arith.mulf %get3A_30, %sub3A_171 : vector<1024xf32>
    %mul3A_173 = arith.mulf %sub3A_118, %get3A_161 : vector<1024xf32>
    %add3A_174 = arith.addf %mul3A_172, %mul3A_173 : vector<1024xf32>
    %mul3A_175 = arith.mulf %add3A_122, %get3A_165 : vector<1024xf32>
    %add3A_176 = arith.addf %add3A_174, %mul3A_175 : vector<1024xf32>
    %mul3A_177 = arith.mulf %get3A_34, %sub3A_171 : vector<1024xf32>
    %mul3A_178 = arith.mulf %add3A_122, %get3A_161 : vector<1024xf32>
    %add3A_179 = arith.addf %mul3A_177, %mul3A_178 : vector<1024xf32>
    %mul3A_180 = arith.mulf %sub3A_118, %get3A_165 : vector<1024xf32>
    %sub3A_181 = arith.subf %add3A_179, %mul3A_180 : vector<1024xf32>
    %mul3A_182 = arith.mulf %add3A_176, %get3A_2 : vector<1024xf32>
    %swap3A_183 = arith.constant 1 : index
    %swap3A_184 = arith.constant 0 : index
    %swap3A_185 = vector.load %arg6[%swap3A_183, %swap3A_184] : memref<10x1024xf32, #tpu.memory_space<vmem>>, vector<1x1024xf32>
    %swap3A_186 = vector.shape_cast %swap3A_185 : vector<1x1024xf32> to vector<1024xf32>
    %swap3A_187 = vector.shape_cast %mul3A_182 : vector<1024xf32> to vector<1x1024xf32>
    tpu.vector_store %arg6[%swap3A_183, %swap3A_184], %swap3A_187 {strides = array<i32>} : memref<10x1024xf32, #tpu.memory_space<vmem>>, vector<1x1024xf32>,
    %mul3A_188 = arith.mulf %sub3A_181, %get3A_2 : vector<1024xf32>
    %swap3A_189 = arith.constant 1 : index
    %swap3A_190 = arith.constant 0 : index
    %swap3A_191 = vector.load %arg7[%swap3A_189, %swap3A_190] : memref<10x1024xf32, #tpu.memory_space<vmem>>, vector<1x1024xf32>
    %swap3A_192 = vector.shape_cast %swap3A_191 : vector<1x1024xf32> to vector<1024xf32>
    %swap3A_193 = vector.shape_cast %mul3A_188 : vector<1024xf32> to vector<1x1024xf32>
    tpu.vector_store %arg7[%swap3A_189, %swap3A_190], %swap3A_193 {strides = array<i32>} : memref<10x1024xf32, #tpu.memory_space<vmem>>, vector<1x1024xf32>,
    %get3A_194 = arith.constant 2 : index
    %get3A_195 = arith.constant 0 : index
    %get3A_196 = vector.load %arg3[%get3A_194, %get3A_195] : memref<5x1024xf32, #tpu.memory_space<vmem>>, vector<1x1024xf32>
    %get3A_197 = vector.shape_cast %get3A_196 : vector<1x1024xf32> to vector<1024xf32>
    %get3A_198 = arith.constant 2 : index
    %get3A_199 = arith.constant 0 : index
    %get3A_200 = vector.load %arg4[%get3A_198, %get3A_199] : memref<5x1024xf32, #tpu.memory_space<vmem>>, vector<1x1024xf32>
    %get3A_201 = vector.shape_cast %get3A_200 : vector<1x1024xf32> to vector<1024xf32>
    %mul3A_202 = arith.mulf %get3A_197, %get3A_197 : vector<1024xf32>
    %mul3A_203 = arith.mulf %get3A_201, %get3A_201 : vector<1024xf32>
    %add3A_204 = arith.addf %mul3A_202, %mul3A_203 : vector<1024xf32>
    %sub3A_205 = arith.constant 1.000000e+00 : f32
    %sub3A_206 = vector.broadcast %sub3A_205 : f32 to vector<1024xf32>
    %sub3A_207 = arith.subf %sub3A_206, %add3A_204 : vector<1024xf32>
    %mul3A_208 = arith.mulf %get3A_54, %sub3A_207 : vector<1024xf32>
    %mul3A_209 = arith.mulf %sub3A_118, %get3A_197 : vector<1024xf32>
    %add3A_210 = arith.addf %mul3A_208, %mul3A_209 : vector<1024xf32>
    %mul3A_211 = arith.mulf %add3A_122, %get3A_201 : vector<1024xf32>
    %add3A_212 = arith.addf %add3A_210, %mul3A_211 : vector<1024xf32>
    %mul3A_213 = arith.mulf %get3A_58, %sub3A_207 : vector<1024xf32>
    %mul3A_214 = arith.mulf %add3A_122, %get3A_197 : vector<1024xf32>
    %add3A_215 = arith.addf %mul3A_213, %mul3A_214 : vector<1024xf32>
    %mul3A_216 = arith.mulf %sub3A_118, %get3A_201 : vector<1024xf32>
    %sub3A_217 = arith.subf %add3A_215, %mul3A_216 : vector<1024xf32>
    %mul3A_218 = arith.mulf %add3A_212, %get3A_2 : vector<1024xf32>
    %swap3A_219 = arith.constant 2 : index
    %swap3A_220 = arith.constant 0 : index
    %swap3A_221 = vector.load %arg6[%swap3A_219, %swap3A_220] : memref<10x1024xf32, #tpu.memory_space<vmem>>, vector<1x1024xf32>
    %swap3A_222 = vector.shape_cast %swap3A_221 : vector<1x1024xf32> to vector<1024xf32>
    %swap3A_223 = vector.shape_cast %mul3A_218 : vector<1024xf32> to vector<1x1024xf32>
    tpu.vector_store %arg6[%swap3A_219, %swap3A_220], %swap3A_223 {strides = array<i32>} : memref<10x1024xf32, #tpu.memory_space<vmem>>, vector<1x1024xf32>,
    %mul3A_224 = arith.mulf %sub3A_217, %get3A_2 : vector<1024xf32>
    %swap3A_225 = arith.constant 2 : index
    %swap3A_226 = arith.constant 0 : index
    %swap3A_227 = vector.load %arg7[%swap3A_225, %swap3A_226] : memref<10x1024xf32, #tpu.memory_space<vmem>>, vector<1x1024xf32>
    %swap3A_228 = vector.shape_cast %swap3A_227 : vector<1x1024xf32> to vector<1024xf32>
    %swap3A_229 = vector.shape_cast %mul3A_224 : vector<1024xf32> to vector<1x1024xf32>
    tpu.vector_store %arg7[%swap3A_225, %swap3A_226], %swap3A_229 {strides = array<i32>} : memref<10x1024xf32, #tpu.memory_space<vmem>>, vector<1x1024xf32>,
    %get3A_230 = arith.constant 3 : index
    %get3A_231 = arith.constant 0 : index
    %get3A_232 = vector.load %arg3[%get3A_230, %get3A_231] : memref<5x1024xf32, #tpu.memory_space<vmem>>, vector<1x1024xf32>
    %get3A_233 = vector.shape_cast %get3A_232 : vector<1x1024xf32> to vector<1024xf32>
    %get3A_234 = arith.constant 3 : index
    %get3A_235 = arith.constant 0 : index
    %get3A_236 = vector.load %arg4[%get3A_234, %get3A_235] : memref<5x1024xf32, #tpu.memory_space<vmem>>, vector<1x1024xf32>
    %get3A_237 = vector.shape_cast %get3A_236 : vector<1x1024xf32> to vector<1024xf32>
    %mul3A_238 = arith.mulf %get3A_233, %get3A_233 : vector<1024xf32>
    %mul3A_239 = arith.mulf %get3A_237, %get3A_237 : vector<1024xf32>
    %add3A_240 = arith.addf %mul3A_238, %mul3A_239 : vector<1024xf32>
    %sub3A_241 = arith.constant 1.000000e+00 : f32
    %sub3A_242 = vector.broadcast %sub3A_241 : f32 to vector<1024xf32>
    %sub3A_243 = arith.subf %sub3A_242, %add3A_240 : vector<1024xf32>
    %mul3A_244 = arith.mulf %get3A_78, %sub3A_243 : vector<1024xf32>
    %mul3A_245 = arith.mulf %sub3A_118, %get3A_233 : vector<1024xf32>
    %add3A_246 = arith.addf %mul3A_244, %mul3A_245 : vector<1024xf32>
    %mul3A_247 = arith.mulf %add3A_122, %get3A_237 : vector<1024xf32>
    %add3A_248 = arith.addf %add3A_246, %mul3A_247 : vector<1024xf32>
    %mul3A_249 = arith.mulf %get3A_82, %sub3A_243 : vector<1024xf32>
    %mul3A_250 = arith.mulf %add3A_122, %get3A_233 : vector<1024xf32>
    %add3A_251 = arith.addf %mul3A_249, %mul3A_250 : vector<1024xf32>
    %mul3A_252 = arith.mulf %sub3A_118, %get3A_237 : vector<1024xf32>
    %sub3A_253 = arith.subf %add3A_251, %mul3A_252 : vector<1024xf32>
    %mul3A_254 = arith.mulf %add3A_248, %get3A_2 : vector<1024xf32>
    %swap3A_255 = arith.constant 3 : index
    %swap3A_256 = arith.constant 0 : index
    %swap3A_257 = vector.load %arg6[%swap3A_255, %swap3A_256] : memref<10x1024xf32, #tpu.memory_space<vmem>>, vector<1x1024xf32>
    %swap3A_258 = vector.shape_cast %swap3A_257 : vector<1x1024xf32> to vector<1024xf32>
    %swap3A_259 = vector.shape_cast %mul3A_254 : vector<1024xf32> to vector<1x1024xf32>
    tpu.vector_store %arg6[%swap3A_255, %swap3A_256], %swap3A_259 {strides = array<i32>} : memref<10x1024xf32, #tpu.memory_space<vmem>>, vector<1x1024xf32>,
    %mul3A_260 = arith.mulf %sub3A_253, %get3A_2 : vector<1024xf32>
    %swap3A_261 = arith.constant 3 : index
    %swap3A_262 = arith.constant 0 : index
    %swap3A_263 = vector.load %arg7[%swap3A_261, %swap3A_262] : memref<10x1024xf32, #tpu.memory_space<vmem>>, vector<1x1024xf32>
    %swap3A_264 = vector.shape_cast %swap3A_263 : vector<1x1024xf32> to vector<1024xf32>
    %swap3A_265 = vector.shape_cast %mul3A_260 : vector<1024xf32> to vector<1x1024xf32>
    tpu.vector_store %arg7[%swap3A_261, %swap3A_262], %swap3A_265 {strides = array<i32>} : memref<10x1024xf32, #tpu.memory_space<vmem>>, vector<1x1024xf32>,
    %get3A_266 = arith.constant 4 : index
    %get3A_267 = arith.constant 0 : index
    %get3A_268 = vector.load %arg3[%get3A_266, %get3A_267] : memref<5x1024xf32, #tpu.memory_space<vmem>>, vector<1x1024xf32>
    %get3A_269 = vector.shape_cast %get3A_268 : vector<1x1024xf32> to vector<1024xf32>
    %get3A_270 = arith.constant 4 : index
    %get3A_271 = arith.constant 0 : index
    %get3A_272 = vector.load %arg4[%get3A_270, %get3A_271] : memref<5x1024xf32, #tpu.memory_space<vmem>>, vector<1x1024xf32>
    %get3A_273 = vector.shape_cast %get3A_272 : vector<1x1024xf32> to vector<1024xf32>
    %mul3A_274 = arith.mulf %get3A_269, %get3A_269 : vector<1024xf32>
    %mul3A_275 = arith.mulf %get3A_273, %get3A_273 : vector<1024xf32>
    %add3A_276 = arith.addf %mul3A_274, %mul3A_275 : vector<1024xf32>
    %sub3A_277 = arith.constant 1.000000e+00 : f32
    %sub3A_278 = vector.broadcast %sub3A_277 : f32 to vector<1024xf32>
    %sub3A_279 = arith.subf %sub3A_278, %add3A_276 : vector<1024xf32>
    %mul3A_280 = arith.mulf %get3A_102, %sub3A_279 : vector<1024xf32>
    %mul3A_281 = arith.mulf %sub3A_118, %get3A_269 : vector<1024xf32>
    %add3A_282 = arith.addf %mul3A_280, %mul3A_281 : vector<1024xf32>
    %mul3A_283 = arith.mulf %add3A_122, %get3A_273 : vector<1024xf32>
    %add3A_284 = arith.addf %add3A_282, %mul3A_283 : vector<1024xf32>
    %mul3A_285 = arith.mulf %get3A_106, %sub3A_279 : vector<1024xf32>
    %mul3A_286 = arith.mulf %add3A_122, %get3A_269 : vector<1024xf32>
    %add3A_287 = arith.addf %mul3A_285, %mul3A_286 : vector<1024xf32>
    %mul3A_288 = arith.mulf %sub3A_118, %get3A_273 : vector<1024xf32>
    %sub3A_289 = arith.subf %add3A_287, %mul3A_288 : vector<1024xf32>
    %mul3A_290 = arith.mulf %add3A_284, %get3A_2 : vector<1024xf32>
    %swap3A_291 = arith.constant 4 : index
    %swap3A_292 = arith.constant 0 : index
    %swap3A_293 = vector.load %arg6[%swap3A_291, %swap3A_292] : memref<10x1024xf32, #tpu.memory_space<vmem>>, vector<1x1024xf32>
    %swap3A_294 = vector.shape_cast %swap3A_293 : vector<1x1024xf32> to vector<1024xf32>
    %swap3A_295 = vector.shape_cast %mul3A_290 : vector<1024xf32> to vector<1x1024xf32>
    tpu.vector_store %arg6[%swap3A_291, %swap3A_292], %swap3A_295 {strides = array<i32>} : memref<10x1024xf32, #tpu.memory_space<vmem>>, vector<1x1024xf32>,
    %mul3A_296 = arith.mulf %sub3A_289, %get3A_2 : vector<1024xf32>
    %swap3A_297 = arith.constant 4 : index
    %swap3A_298 = arith.constant 0 : index
    %swap3A_299 = vector.load %arg7[%swap3A_297, %swap3A_298] : memref<10x1024xf32, #tpu.memory_space<vmem>>, vector<1x1024xf32>
    %swap3A_300 = vector.shape_cast %swap3A_299 : vector<1x1024xf32> to vector<1024xf32>
    %swap3A_301 = vector.shape_cast %mul3A_296 : vector<1024xf32> to vector<1x1024xf32>
    tpu.vector_store %arg7[%swap3A_297, %swap3A_298], %swap3A_301 {strides = array<i32>} : memref<10x1024xf32, #tpu.memory_space<vmem>>, vector<1x1024xf32>,
    %broadcast_in_dim3A_302 = arith.constant 0.000000e+00 : f32
    %broadcast_in_dim3A_303 = vector.broadcast %broadcast_in_dim3A_302 : f32 to vector<1024xf32>
    %broadcast_in_dim3A_304 = arith.constant 0.000000e+00 : f32
    %broadcast_in_dim3A_305 = vector.broadcast %broadcast_in_dim3A_304 : f32 to vector<1024xf32>
    %get3A_306 = arith.constant 5 : index
    %get3A_307 = arith.constant 0 : index
    %get3A_308 = vector.load %arg1[%get3A_306, %get3A_307] : memref<10x1024xf32, #tpu.memory_space<vmem>>, vector<1x1024xf32>
    %get3A_309 = vector.shape_cast %get3A_308 : vector<1x1024xf32> to vector<1024xf32>
    %get3A_310 = arith.constant 5 : index
    %get3A_311 = arith.constant 0 : index
    %get3A_312 = vector.load %arg2[%get3A_310, %get3A_311] : memref<10x1024xf32, #tpu.memory_space<vmem>>, vector<1x1024xf32>
    %get3A_313 = vector.shape_cast %get3A_312 : vector<1x1024xf32> to vector<1024xf32>
    %get3A_314 = arith.constant 0 : index
    %get3A_315 = arith.constant 0 : index
    %get3A_316 = vector.load %arg3[%get3A_314, %get3A_315] : memref<5x1024xf32, #tpu.memory_space<vmem>>, vector<1x1024xf32>
    %get3A_317 = vector.shape_cast %get3A_316 : vector<1x1024xf32> to vector<1024xf32>
    %get3A_318 = arith.constant 0 : index
    %get3A_319 = arith.constant 0 : index
    %get3A_320 = vector.load %arg4[%get3A_318, %get3A_319] : memref<5x1024xf32, #tpu.memory_space<vmem>>, vector<1x1024xf32>
    %get3A_321 = vector.shape_cast %get3A_320 : vector<1x1024xf32> to vector<1024xf32>
    %mul3A_322 = arith.mulf %get3A_309, %get3A_317 : vector<1024xf32>
    %add3A_323 = arith.addf %broadcast_in_dim3A_303, %mul3A_322 : vector<1024xf32>
    %mul3A_324 = arith.mulf %get3A_313, %get3A_321 : vector<1024xf32>
    %sub3A_325 = arith.subf %add3A_323, %mul3A_324 : vector<1024xf32>
    %mul3A_326 = arith.mulf %get3A_309, %get3A_321 : vector<1024xf32>
    %add3A_327 = arith.addf %broadcast_in_dim3A_305, %mul3A_326 : vector<1024xf32>
    %mul3A_328 = arith.mulf %get3A_313, %get3A_317 : vector<1024xf32>
    %add3A_329 = arith.addf %add3A_327, %mul3A_328 : vector<1024xf32>
    %get3A_330 = arith.constant 6 : index
    %get3A_331 = arith.constant 0 : index
    %get3A_332 = vector.load %arg1[%get3A_330, %get3A_331] : memref<10x1024xf32, #tpu.memory_space<vmem>>, vector<1x1024xf32>
    %get3A_333 = vector.shape_cast %get3A_332 : vector<1x1024xf32> to vector<1024xf32>
    %get3A_334 = arith.constant 6 : index
    %get3A_335 = arith.constant 0 : index
    %get3A_336 = vector.load %arg2[%get3A_334, %get3A_335] : memref<10x1024xf32, #tpu.memory_space<vmem>>, vector<1x1024xf32>
    %get3A_337 = vector.shape_cast %get3A_336 : vector<1x1024xf32> to vector<1024xf32>
    %get3A_338 = arith.constant 1 : index
    %get3A_339 = arith.constant 0 : index
    %get3A_340 = vector.load %arg3[%get3A_338, %get3A_339] : memref<5x1024xf32, #tpu.memory_space<vmem>>, vector<1x1024xf32>
    %get3A_341 = vector.shape_cast %get3A_340 : vector<1x1024xf32> to vector<1024xf32>
    %get3A_342 = arith.constant 1 : index
    %get3A_343 = arith.constant 0 : index
    %get3A_344 = vector.load %arg4[%get3A_342, %get3A_343] : memref<5x1024xf32, #tpu.memory_space<vmem>>, vector<1x1024xf32>
    %get3A_345 = vector.shape_cast %get3A_344 : vector<1x1024xf32> to vector<1024xf32>
    %mul3A_346 = arith.mulf %get3A_333, %get3A_341 : vector<1024xf32>
    %add3A_347 = arith.addf %sub3A_325, %mul3A_346 : vector<1024xf32>
    %mul3A_348 = arith.mulf %get3A_337, %get3A_345 : vector<1024xf32>
    %sub3A_349 = arith.subf %add3A_347, %mul3A_348 : vector<1024xf32>
    %mul3A_350 = arith.mulf %get3A_333, %get3A_345 : vector<1024xf32>
    %add3A_351 = arith.addf %add3A_329, %mul3A_350 : vector<1024xf32>
    %mul3A_352 = arith.mulf %get3A_337, %get3A_341 : vector<1024xf32>
    %add3A_353 = arith.addf %add3A_351, %mul3A_352 : vector<1024xf32>
    %get3A_354 = arith.constant 7 : index
    %get3A_355 = arith.constant 0 : index
    %get3A_356 = vector.load %arg1[%get3A_354, %get3A_355] : memref<10x1024xf32, #tpu.memory_space<vmem>>, vector<1x1024xf32>
    %get3A_357 = vector.shape_cast %get3A_356 : vector<1x1024xf32> to vector<1024xf32>
    %get3A_358 = arith.constant 7 : index
    %get3A_359 = arith.constant 0 : index
    %get3A_360 = vector.load %arg2[%get3A_358, %get3A_359] : memref<10x1024xf32, #tpu.memory_space<vmem>>, vector<1x1024xf32>
    %get3A_361 = vector.shape_cast %get3A_360 : vector<1x1024xf32> to vector<1024xf32>
    %get3A_362 = arith.constant 2 : index
    %get3A_363 = arith.constant 0 : index
    %get3A_364 = vector.load %arg3[%get3A_362, %get3A_363] : memref<5x1024xf32, #tpu.memory_space<vmem>>, vector<1x1024xf32>
    %get3A_365 = vector.shape_cast %get3A_364 : vector<1x1024xf32> to vector<1024xf32>
    %get3A_366 = arith.constant 2 : index
    %get3A_367 = arith.constant 0 : index
    %get3A_368 = vector.load %arg4[%get3A_366, %get3A_367] : memref<5x1024xf32, #tpu.memory_space<vmem>>, vector<1x1024xf32>
    %get3A_369 = vector.shape_cast %get3A_368 : vector<1x1024xf32> to vector<1024xf32>
    %mul3A_370 = arith.mulf %get3A_357, %get3A_365 : vector<1024xf32>
    %add3A_371 = arith.addf %sub3A_349, %mul3A_370 : vector<1024xf32>
    %mul3A_372 = arith.mulf %get3A_361, %get3A_369 : vector<1024xf32>
    %sub3A_373 = arith.subf %add3A_371, %mul3A_372 : vector<1024xf32>
    %mul3A_374 = arith.mulf %get3A_357, %get3A_369 : vector<1024xf32>
    %add3A_375 = arith.addf %add3A_353, %mul3A_374 : vector<1024xf32>
    %mul3A_376 = arith.mulf %get3A_361, %get3A_365 : vector<1024xf32>
    %add3A_377 = arith.addf %add3A_375, %mul3A_376 : vector<1024xf32>
    %get3A_378 = arith.constant 8 : index
    %get3A_379 = arith.constant 0 : index
    %get3A_380 = vector.load %arg1[%get3A_378, %get3A_379] : memref<10x1024xf32, #tpu.memory_space<vmem>>, vector<1x1024xf32>
    %get3A_381 = vector.shape_cast %get3A_380 : vector<1x1024xf32> to vector<1024xf32>
    %get3A_382 = arith.constant 8 : index
    %get3A_383 = arith.constant 0 : index
    %get3A_384 = vector.load %arg2[%get3A_382, %get3A_383] : memref<10x1024xf32, #tpu.memory_space<vmem>>, vector<1x1024xf32>
    %get3A_385 = vector.shape_cast %get3A_384 : vector<1x1024xf32> to vector<1024xf32>
    %get3A_386 = arith.constant 3 : index
    %get3A_387 = arith.constant 0 : index
    %get3A_388 = vector.load %arg3[%get3A_386, %get3A_387] : memref<5x1024xf32, #tpu.memory_space<vmem>>, vector<1x1024xf32>
    %get3A_389 = vector.shape_cast %get3A_388 : vector<1x1024xf32> to vector<1024xf32>
    %get3A_390 = arith.constant 3 : index
    %get3A_391 = arith.constant 0 : index
    %get3A_392 = vector.load %arg4[%get3A_390, %get3A_391] : memref<5x1024xf32, #tpu.memory_space<vmem>>, vector<1x1024xf32>
    %get3A_393 = vector.shape_cast %get3A_392 : vector<1x1024xf32> to vector<1024xf32>
    %mul3A_394 = arith.mulf %get3A_381, %get3A_389 : vector<1024xf32>
    %add3A_395 = arith.addf %sub3A_373, %mul3A_394 : vector<1024xf32>
    %mul3A_396 = arith.mulf %get3A_385, %get3A_393 : vector<1024xf32>
    %sub3A_397 = arith.subf %add3A_395, %mul3A_396 : vector<1024xf32>
    %mul3A_398 = arith.mulf %get3A_381, %get3A_393 : vector<1024xf32>
    %add3A_399 = arith.addf %add3A_377, %mul3A_398 : vector<1024xf32>
    %mul3A_400 = arith.mulf %get3A_385, %get3A_389 : vector<1024xf32>
    %add3A_401 = arith.addf %add3A_399, %mul3A_400 : vector<1024xf32>
    %get3A_402 = arith.constant 9 : index
    %get3A_403 = arith.constant 0 : index
    %get3A_404 = vector.load %arg1[%get3A_402, %get3A_403] : memref<10x1024xf32, #tpu.memory_space<vmem>>, vector<1x1024xf32>
    %get3A_405 = vector.shape_cast %get3A_404 : vector<1x1024xf32> to vector<1024xf32>
    %get3A_406 = arith.constant 9 : index
    %get3A_407 = arith.constant 0 : index
    %get3A_408 = vector.load %arg2[%get3A_406, %get3A_407] : memref<10x1024xf32, #tpu.memory_space<vmem>>, vector<1x1024xf32>
    %get3A_409 = vector.shape_cast %get3A_408 : vector<1x1024xf32> to vector<1024xf32>
    %get3A_410 = arith.constant 4 : index
    %get3A_411 = arith.constant 0 : index
    %get3A_412 = vector.load %arg3[%get3A_410, %get3A_411] : memref<5x1024xf32, #tpu.memory_space<vmem>>, vector<1x1024xf32>
    %get3A_413 = vector.shape_cast %get3A_412 : vector<1x1024xf32> to vector<1024xf32>
    %get3A_414 = arith.constant 4 : index
    %get3A_415 = arith.constant 0 : index
    %get3A_416 = vector.load %arg4[%get3A_414, %get3A_415] : memref<5x1024xf32, #tpu.memory_space<vmem>>, vector<1x1024xf32>
    %get3A_417 = vector.shape_cast %get3A_416 : vector<1x1024xf32> to vector<1024xf32>
    %mul3A_418 = arith.mulf %get3A_405, %get3A_413 : vector<1024xf32>
    %add3A_419 = arith.addf %sub3A_397, %mul3A_418 : vector<1024xf32>
    %mul3A_420 = arith.mulf %get3A_409, %get3A_417 : vector<1024xf32>
    %sub3A_421 = arith.subf %add3A_419, %mul3A_420 : vector<1024xf32>
    %mul3A_422 = arith.mulf %get3A_405, %get3A_417 : vector<1024xf32>
    %add3A_423 = arith.addf %add3A_401, %mul3A_422 : vector<1024xf32>
    %mul3A_424 = arith.mulf %get3A_409, %get3A_413 : vector<1024xf32>
    %add3A_425 = arith.addf %add3A_423, %mul3A_424 : vector<1024xf32>
    %get3A_426 = arith.constant 0 : index
    %get3A_427 = arith.constant 0 : index
    %get3A_428 = vector.load %arg3[%get3A_426, %get3A_427] : memref<5x1024xf32, #tpu.memory_space<vmem>>, vector<1x1024xf32>
    %get3A_429 = vector.shape_cast %get3A_428 : vector<1x1024xf32> to vector<1024xf32>
    %get3A_430 = arith.constant 0 : index
    %get3A_431 = arith.constant 0 : index
    %get3A_432 = vector.load %arg4[%get3A_430, %get3A_431] : memref<5x1024xf32, #tpu.memory_space<vmem>>, vector<1x1024xf32>
    %get3A_433 = vector.shape_cast %get3A_432 : vector<1x1024xf32> to vector<1024xf32>
    %mul3A_434 = arith.mulf %get3A_429, %get3A_429 : vector<1024xf32>
    %mul3A_435 = arith.mulf %get3A_433, %get3A_433 : vector<1024xf32>
    %add3A_436 = arith.addf %mul3A_434, %mul3A_435 : vector<1024xf32>
    %sub3A_437 = arith.constant 1.000000e+00 : f32
    %sub3A_438 = vector.broadcast %sub3A_437 : f32 to vector<1024xf32>
    %sub3A_439 = arith.subf %sub3A_438, %add3A_436 : vector<1024xf32>
    %mul3A_440 = arith.mulf %get3A_309, %sub3A_439 : vector<1024xf32>
    %mul3A_441 = arith.mulf %sub3A_421, %get3A_429 : vector<1024xf32>
    %add3A_442 = arith.addf %mul3A_440, %mul3A_441 : vector<1024xf32>
    %mul3A_443 = arith.mulf %add3A_425, %get3A_433 : vector<1024xf32>
    %add3A_444 = arith.addf %add3A_442, %mul3A_443 : vector<1024xf32>
    %mul3A_445 = arith.mulf %get3A_313, %sub3A_439 : vector<1024xf32>
    %mul3A_446 = arith.mulf %add3A_425, %get3A_429 : vector<1024xf32>
    %add3A_447 = arith.addf %mul3A_445, %mul3A_446 : vector<1024xf32>
    %mul3A_448 = arith.mulf %sub3A_421, %get3A_433 : vector<1024xf32>
    %sub3A_449 = arith.subf %add3A_447, %mul3A_448 : vector<1024xf32>
    %mul3A_450 = arith.mulf %add3A_444, %get3A_2 : vector<1024xf32>
    %swap3A_451 = arith.constant 5 : index
    %swap3A_452 = arith.constant 0 : index
    %swap3A_453 = vector.load %arg6[%swap3A_451, %swap3A_452] : memref<10x1024xf32, #tpu.memory_space<vmem>>, vector<1x1024xf32>
    %swap3A_454 = vector.shape_cast %swap3A_453 : vector<1x1024xf32> to vector<1024xf32>
    %swap3A_455 = vector.shape_cast %mul3A_450 : vector<1024xf32> to vector<1x1024xf32>
    tpu.vector_store %arg6[%swap3A_451, %swap3A_452], %swap3A_455 {strides = array<i32>} : memref<10x1024xf32, #tpu.memory_space<vmem>>, vector<1x1024xf32>,
    %mul3A_456 = arith.mulf %sub3A_449, %get3A_2 : vector<1024xf32>
    %swap3A_457 = arith.constant 5 : index
    %swap3A_458 = arith.constant 0 : index
    %swap3A_459 = vector.load %arg7[%swap3A_457, %swap3A_458] : memref<10x1024xf32, #tpu.memory_space<vmem>>, vector<1x1024xf32>
    %swap3A_460 = vector.shape_cast %swap3A_459 : vector<1x1024xf32> to vector<1024xf32>
    %swap3A_461 = vector.shape_cast %mul3A_456 : vector<1024xf32> to vector<1x1024xf32>
    tpu.vector_store %arg7[%swap3A_457, %swap3A_458], %swap3A_461 {strides = array<i32>} : memref<10x1024xf32, #tpu.memory_space<vmem>>, vector<1x1024xf32>,
    %get3A_462 = arith.constant 1 : index
    %get3A_463 = arith.constant 0 : index
    %get3A_464 = vector.load %arg3[%get3A_462, %get3A_463] : memref<5x1024xf32, #tpu.memory_space<vmem>>, vector<1x1024xf32>
    %get3A_465 = vector.shape_cast %get3A_464 : vector<1x1024xf32> to vector<1024xf32>
    %get3A_466 = arith.constant 1 : index
    %get3A_467 = arith.constant 0 : index
    %get3A_468 = vector.load %arg4[%get3A_466, %get3A_467] : memref<5x1024xf32, #tpu.memory_space<vmem>>, vector<1x1024xf32>
    %get3A_469 = vector.shape_cast %get3A_468 : vector<1x1024xf32> to vector<1024xf32>
    %mul3A_470 = arith.mulf %get3A_465, %get3A_465 : vector<1024xf32>
    %mul3A_471 = arith.mulf %get3A_469, %get3A_469 : vector<1024xf32>
    %add3A_472 = arith.addf %mul3A_470, %mul3A_471 : vector<1024xf32>
    %sub3A_473 = arith.constant 1.000000e+00 : f32
    %sub3A_474 = vector.broadcast %sub3A_473 : f32 to vector<1024xf32>
    %sub3A_475 = arith.subf %sub3A_474, %add3A_472 : vector<1024xf32>
    %mul3A_476 = arith.mulf %get3A_333, %sub3A_475 : vector<1024xf32>
    %mul3A_477 = arith.mulf %sub3A_421, %get3A_465 : vector<1024xf32>
    %add3A_478 = arith.addf %mul3A_476, %mul3A_477 : vector<1024xf32>
    %mul3A_479 = arith.mulf %add3A_425, %get3A_469 : vector<1024xf32>
    %add3A_480 = arith.addf %add3A_478, %mul3A_479 : vector<1024xf32>
    %mul3A_481 = arith.mulf %get3A_337, %sub3A_475 : vector<1024xf32>
    %mul3A_482 = arith.mulf %add3A_425, %get3A_465 : vector<1024xf32>
    %add3A_483 = arith.addf %mul3A_481, %mul3A_482 : vector<1024xf32>
    %mul3A_484 = arith.mulf %sub3A_421, %get3A_469 : vector<1024xf32>
    %sub3A_485 = arith.subf %add3A_483, %mul3A_484 : vector<1024xf32>
    %mul3A_486 = arith.mulf %add3A_480, %get3A_2 : vector<1024xf32>
    %swap3A_487 = arith.constant 6 : index
    %swap3A_488 = arith.constant 0 : index
    %swap3A_489 = vector.load %arg6[%swap3A_487, %swap3A_488] : memref<10x1024xf32, #tpu.memory_space<vmem>>, vector<1x1024xf32>
    %swap3A_490 = vector.shape_cast %swap3A_489 : vector<1x1024xf32> to vector<1024xf32>
    %swap3A_491 = vector.shape_cast %mul3A_486 : vector<1024xf32> to vector<1x1024xf32>
    tpu.vector_store %arg6[%swap3A_487, %swap3A_488], %swap3A_491 {strides = array<i32>} : memref<10x1024xf32, #tpu.memory_space<vmem>>, vector<1x1024xf32>,
    %mul3A_492 = arith.mulf %sub3A_485, %get3A_2 : vector<1024xf32>
    %swap3A_493 = arith.constant 6 : index
    %swap3A_494 = arith.constant 0 : index
    %swap3A_495 = vector.load %arg7[%swap3A_493, %swap3A_494] : memref<10x1024xf32, #tpu.memory_space<vmem>>, vector<1x1024xf32>
    %swap3A_496 = vector.shape_cast %swap3A_495 : vector<1x1024xf32> to vector<1024xf32>
    %swap3A_497 = vector.shape_cast %mul3A_492 : vector<1024xf32> to vector<1x1024xf32>
    tpu.vector_store %arg7[%swap3A_493, %swap3A_494], %swap3A_497 {strides = array<i32>} : memref<10x1024xf32, #tpu.memory_space<vmem>>, vector<1x1024xf32>,
    %get3A_498 = arith.constant 2 : index
    %get3A_499 = arith.constant 0 : index
    %get3A_500 = vector.load %arg3[%get3A_498, %get3A_499] : memref<5x1024xf32, #tpu.memory_space<vmem>>, vector<1x1024xf32>
    %get3A_501 = vector.shape_cast %get3A_500 : vector<1x1024xf32> to vector<1024xf32>
    %get3A_502 = arith.constant 2 : index
    %get3A_503 = arith.constant 0 : index
    %get3A_504 = vector.load %arg4[%get3A_502, %get3A_503] : memref<5x1024xf32, #tpu.memory_space<vmem>>, vector<1x1024xf32>
    %get3A_505 = vector.shape_cast %get3A_504 : vector<1x1024xf32> to vector<1024xf32>
    %mul3A_506 = arith.mulf %get3A_501, %get3A_501 : vector<1024xf32>
    %mul3A_507 = arith.mulf %get3A_505, %get3A_505 : vector<1024xf32>
    %add3A_508 = arith.addf %mul3A_506, %mul3A_507 : vector<1024xf32>
    %sub3A_509 = arith.constant 1.000000e+00 : f32
    %sub3A_510 = vector.broadcast %sub3A_509 : f32 to vector<1024xf32>
    %sub3A_511 = arith.subf %sub3A_510, %add3A_508 : vector<1024xf32>
    %mul3A_512 = arith.mulf %get3A_357, %sub3A_511 : vector<1024xf32>
    %mul3A_513 = arith.mulf %sub3A_421, %get3A_501 : vector<1024xf32>
    %add3A_514 = arith.addf %mul3A_512, %mul3A_513 : vector<1024xf32>
    %mul3A_515 = arith.mulf %add3A_425, %get3A_505 : vector<1024xf32>
    %add3A_516 = arith.addf %add3A_514, %mul3A_515 : vector<1024xf32>
    %mul3A_517 = arith.mulf %get3A_361, %sub3A_511 : vector<1024xf32>
    %mul3A_518 = arith.mulf %add3A_425, %get3A_501 : vector<1024xf32>
    %add3A_519 = arith.addf %mul3A_517, %mul3A_518 : vector<1024xf32>
    %mul3A_520 = arith.mulf %sub3A_421, %get3A_505 : vector<1024xf32>
    %sub3A_521 = arith.subf %add3A_519, %mul3A_520 : vector<1024xf32>
    %mul3A_522 = arith.mulf %add3A_516, %get3A_2 : vector<1024xf32>
    %swap3A_523 = arith.constant 7 : index
    %swap3A_524 = arith.constant 0 : index
    %swap3A_525 = vector.load %arg6[%swap3A_523, %swap3A_524] : memref<10x1024xf32, #tpu.memory_space<vmem>>, vector<1x1024xf32>
    %swap3A_526 = vector.shape_cast %swap3A_525 : vector<1x1024xf32> to vector<1024xf32>
    %swap3A_527 = vector.shape_cast %mul3A_522 : vector<1024xf32> to vector<1x1024xf32>
    tpu.vector_store %arg6[%swap3A_523, %swap3A_524], %swap3A_527 {strides = array<i32>} : memref<10x1024xf32, #tpu.memory_space<vmem>>, vector<1x1024xf32>,
    %mul3A_528 = arith.mulf %sub3A_521, %get3A_2 : vector<1024xf32>
    %swap3A_529 = arith.constant 7 : index
    %swap3A_530 = arith.constant 0 : index
    %swap3A_531 = vector.load %arg7[%swap3A_529, %swap3A_530] : memref<10x1024xf32, #tpu.memory_space<vmem>>, vector<1x1024xf32>
    %swap3A_532 = vector.shape_cast %swap3A_531 : vector<1x1024xf32> to vector<1024xf32>
    %swap3A_533 = vector.shape_cast %mul3A_528 : vector<1024xf32> to vector<1x1024xf32>
    tpu.vector_store %arg7[%swap3A_529, %swap3A_530], %swap3A_533 {strides = array<i32>} : memref<10x1024xf32, #tpu.memory_space<vmem>>, vector<1x1024xf32>,
    %get3A_534 = arith.constant 3 : index
    %get3A_535 = arith.constant 0 : index
    %get3A_536 = vector.load %arg3[%get3A_534, %get3A_535] : memref<5x1024xf32, #tpu.memory_space<vmem>>, vector<1x1024xf32>
    %get3A_537 = vector.shape_cast %get3A_536 : vector<1x1024xf32> to vector<1024xf32>
    %get3A_538 = arith.constant 3 : index
    %get3A_539 = arith.constant 0 : index
    %get3A_540 = vector.load %arg4[%get3A_538, %get3A_539] : memref<5x1024xf32, #tpu.memory_space<vmem>>, vector<1x1024xf32>
    %get3A_541 = vector.shape_cast %get3A_540 : vector<1x1024xf32> to vector<1024xf32>
    %mul3A_542 = arith.mulf %get3A_537, %get3A_537 : vector<1024xf32>
    %mul3A_543 = arith.mulf %get3A_541, %get3A_541 : vector<1024xf32>
    %add3A_544 = arith.addf %mul3A_542, %mul3A_543 : vector<1024xf32>
    %sub3A_545 = arith.constant 1.000000e+00 : f32
    %sub3A_546 = vector.broadcast %sub3A_545 : f32 to vector<1024xf32>
    %sub3A_547 = arith.subf %sub3A_546, %add3A_544 : vector<1024xf32>
    %mul3A_548 = arith.mulf %get3A_381, %sub3A_547 : vector<1024xf32>
    %mul3A_549 = arith.mulf %sub3A_421, %get3A_537 : vector<1024xf32>
    %add3A_550 = arith.addf %mul3A_548, %mul3A_549 : vector<1024xf32>
    %mul3A_551 = arith.mulf %add3A_425, %get3A_541 : vector<1024xf32>
    %add3A_552 = arith.addf %add3A_550, %mul3A_551 : vector<1024xf32>
    %mul3A_553 = arith.mulf %get3A_385, %sub3A_547 : vector<1024xf32>
    %mul3A_554 = arith.mulf %add3A_425, %get3A_537 : vector<1024xf32>
    %add3A_555 = arith.addf %mul3A_553, %mul3A_554 : vector<1024xf32>
    %mul3A_556 = arith.mulf %sub3A_421, %get3A_541 : vector<1024xf32>
    %sub3A_557 = arith.subf %add3A_555, %mul3A_556 : vector<1024xf32>
    %mul3A_558 = arith.mulf %add3A_552, %get3A_2 : vector<1024xf32>
    %swap3A_559 = arith.constant 8 : index
    %swap3A_560 = arith.constant 0 : index
    %swap3A_561 = vector.load %arg6[%swap3A_559, %swap3A_560] : memref<10x1024xf32, #tpu.memory_space<vmem>>, vector<1x1024xf32>
    %swap3A_562 = vector.shape_cast %swap3A_561 : vector<1x1024xf32> to vector<1024xf32>
    %swap3A_563 = vector.shape_cast %mul3A_558 : vector<1024xf32> to vector<1x1024xf32>
    tpu.vector_store %arg6[%swap3A_559, %swap3A_560], %swap3A_563 {strides = array<i32>} : memref<10x1024xf32, #tpu.memory_space<vmem>>, vector<1x1024xf32>,
    %mul3A_564 = arith.mulf %sub3A_557, %get3A_2 : vector<1024xf32>
    %swap3A_565 = arith.constant 8 : index
    %swap3A_566 = arith.constant 0 : index
    %swap3A_567 = vector.load %arg7[%swap3A_565, %swap3A_566] : memref<10x1024xf32, #tpu.memory_space<vmem>>, vector<1x1024xf32>
    %swap3A_568 = vector.shape_cast %swap3A_567 : vector<1x1024xf32> to vector<1024xf32>
    %swap3A_569 = vector.shape_cast %mul3A_564 : vector<1024xf32> to vector<1x1024xf32>
    tpu.vector_store %arg7[%swap3A_565, %swap3A_566], %swap3A_569 {strides = array<i32>} : memref<10x1024xf32, #tpu.memory_space<vmem>>, vector<1x1024xf32>,
    %get3A_570 = arith.constant 4 : index
    %get3A_571 = arith.constant 0 : index
    %get3A_572 = vector.load %arg3[%get3A_570, %get3A_571] : memref<5x1024xf32, #tpu.memory_space<vmem>>, vector<1x1024xf32>
    %get3A_573 = vector.shape_cast %get3A_572 : vector<1x1024xf32> to vector<1024xf32>
    %get3A_574 = arith.constant 4 : index
    %get3A_575 = arith.constant 0 : index
    %get3A_576 = vector.load %arg4[%get3A_574, %get3A_575] : memref<5x1024xf32, #tpu.memory_space<vmem>>, vector<1x1024xf32>
    %get3A_577 = vector.shape_cast %get3A_576 : vector<1x1024xf32> to vector<1024xf32>
    %mul3A_578 = arith.mulf %get3A_573, %get3A_573 : vector<1024xf32>
    %mul3A_579 = arith.mulf %get3A_577, %get3A_577 : vector<1024xf32>
    %add3A_580 = arith.addf %mul3A_578, %mul3A_579 : vector<1024xf32>
    %sub3A_581 = arith.constant 1.000000e+00 : f32
    %sub3A_582 = vector.broadcast %sub3A_581 : f32 to vector<1024xf32>
    %sub3A_583 = arith.subf %sub3A_582, %add3A_580 : vector<1024xf32>
    %mul3A_584 = arith.mulf %get3A_405, %sub3A_583 : vector<1024xf32>
    %mul3A_585 = arith.mulf %sub3A_421, %get3A_573 : vector<1024xf32>
    %add3A_586 = arith.addf %mul3A_584, %mul3A_585 : vector<1024xf32>
    %mul3A_587 = arith.mulf %add3A_425, %get3A_577 : vector<1024xf32>
    %add3A_588 = arith.addf %add3A_586, %mul3A_587 : vector<1024xf32>
    %mul3A_589 = arith.mulf %get3A_409, %sub3A_583 : vector<1024xf32>
    %mul3A_590 = arith.mulf %add3A_425, %get3A_573 : vector<1024xf32>
    %add3A_591 = arith.addf %mul3A_589, %mul3A_590 : vector<1024xf32>
    %mul3A_592 = arith.mulf %sub3A_421, %get3A_577 : vector<1024xf32>
    %sub3A_593 = arith.subf %add3A_591, %mul3A_592 : vector<1024xf32>
    %mul3A_594 = arith.mulf %add3A_588, %get3A_2 : vector<1024xf32>
    %swap3A_595 = arith.constant 9 : index
    %swap3A_596 = arith.constant 0 : index
    %swap3A_597 = vector.load %arg6[%swap3A_595, %swap3A_596] : memref<10x1024xf32, #tpu.memory_space<vmem>>, vector<1x1024xf32>
    %swap3A_598 = vector.shape_cast %swap3A_597 : vector<1x1024xf32> to vector<1024xf32>
    %swap3A_599 = vector.shape_cast %mul3A_594 : vector<1024xf32> to vector<1x1024xf32>
    tpu.vector_store %arg6[%swap3A_595, %swap3A_596], %swap3A_599 {strides = array<i32>} : memref<10x1024xf32, #tpu.memory_space<vmem>>, vector<1x1024xf32>,
    %mul3A_600 = arith.mulf %sub3A_593, %get3A_2 : vector<1024xf32>
    %swap3A_601 = arith.constant 9 : index
    %swap3A_602 = arith.constant 0 : index
    %swap3A_603 = vector.load %arg7[%swap3A_601, %swap3A_602] : memref<10x1024xf32, #tpu.memory_space<vmem>>, vector<1x1024xf32>
    %swap3A_604 = vector.shape_cast %swap3A_603 : vector<1x1024xf32> to vector<1024xf32>
    %swap3A_605 = vector.shape_cast %mul3A_600 : vector<1024xf32> to vector<1x1024xf32>
    tpu.vector_store %arg7[%swap3A_601, %swap3A_602], %swap3A_605 {strides = array<i32>} : memref<10x1024xf32, #tpu.memory_space<vmem>>, vector<1x1024xf32>,
    return
  }
  func.func @transform_0(%arg0: i32) -> (i32, i32) {
    %c0_i32 = arith.constant 0 : i32
    %c0_i32_0 = arith.constant 0 : i32
    return %c0_i32, %arg0 : i32, i32
  }
  func.func @transform_1(%arg0: i32) -> (i32, i32) {
    %c0_i32 = arith.constant 0 : i32
    %c0_i32_0 = arith.constant 0 : i32
    return %c0_i32, %arg0 : i32, i32
  }
  func.func @transform_2(%arg0: i32) -> (i32, i32) {
    %c0_i32 = arith.constant 0 : i32
    %c0_i32_0 = arith.constant 0 : i32
    return %c0_i32, %arg0 : i32, i32
  }
  func.func @transform_3(%arg0: i32) -> (i32, i32) {
    %c0_i32 = arith.constant 0 : i32
    %c0_i32_0 = arith.constant 0 : i32
    return %c0_i32, %arg0 : i32, i32
  }
  func.func @transform_4(%arg0: i32) -> (i32, i32) {
    %c0_i32 = arith.constant 0 : i32
    %c0_i32_0 = arith.constant 0 : i32
    return %c0_i32, %arg0 : i32, i32
  }
  func.func @transform_5(%arg0: i32) -> (i32, i32) {
    %c0_i32 = arith.constant 0 : i32
    %c0_i32_0 = arith.constant 0 : i32
    return %c0_i32, %arg0 : i32, i32
  }
  func.func @transform_6(%arg0: i32) -> (i32, i32) {
    %c0_i32 = arith.constant 0 : i32
    %c0_i32_0 = arith.constant 0 : i32
    return %c0_i32, %arg0 : i32, i32
  }
}

</mosaic_0001>

<sc_bundles>
// kernel: kernel.4.cloned.1.call-start
scs
__scs_entry_jumppad:
0x0: {  	(pc) =	sbr.rel $0x88, $3  }
0x1: {  	(tag) =	ssettag $0x0;
	lr =	simm.s32 $0x1  }
0x2: {  	[smem:$0x3F97] =	sst lr;
	_ =	strace $0xD0000000  }
0x3: {  	_ = 	snop  }
0x4: {  	_ = 	snop  }
0x5: {  	_ = 	snop  }
0x6: {  	_ = 	snop  }
0x7: {  	_ = 	snop  }
__scs_overlays_trampoline_lowered:
0x8: {  	[smem:$0x3FA6] =	sst s0  }
0x9: {  	[smem:$0x3FA7] =	sst s1  }
0xa: {  	[smem:$0x3FA8] =	sst s2  }
0xb: {  	[smem:$0x3FA9] =	sst s3  }
0xc: {  	[smem:$0x3FAA] =	sst s4  }
0xd: {  	[smem:$0x3FAB] =	sst s5  }
0xe: {  	[smem:$0x3FAC] =	sst s6  }
0xf: {  	[smem:$0x3FAD] =	sst s7  }
0x10: {  	[smem:$0x3FAE] =	sst s8  }
0x11: {  	[smem:$0x3FAF] =	sst s9;
	s0 =	simm.s32 @!p0 $0x0  }
0x12: {  	s1 =	sld [smem:$0x3F95];
	s0 =	simm.s32 @p0 $0x1  }
0x13: {  	[smem:$0x3FB0] =	sst s0;
	s0 =	simm.s32 @!p1 $0x0  }
0x14: {  	s2 =	sld [smem:$0x3F94];
	s0 =	simm.s32 @p1 $0x1  }
0x15: {  	[smem:$0x3FB1] =	sst s0;
	s0 =	simm.s32 @!p2 $0x0  }
0x16: {  	s3 =	sld [smem:$0x3FDB];
	s0 =	simm.s32 @p2 $0x1  }
0x17: {  	s4 =	simm.s32 $0x1BF5;
	[smem:$0x3FB3] =	sst s0  }
0x18: {  	s0 =	sld [smem:$0x3F96];
	_ =	swait.ge [sflag:s4], $0x0  }
0x19: {  	s7 =	sld [smem:$0x3F97]  }
0x1a: {  	s8 =	sadd.s32 $0xFFFFE003, lr  }
0x1b: {  	s9 =	sadd.s32 $0xFFFFFEF7, lr;
	s5 =	simm.s32 $0xFFFFFFFF;
	p2 =	slt.u32 s8, $0xFFFFF086  }
0x1c: {  	p1 =	slt.u32 s9, $0xF7A;
	s5 =	simm.s32 @!p2 $0x0  }
0x1d: {  	s5 =	simm.s32 @p1 $0x1;
	p0 =	seq.s32 s7, s2  }
0x1e: {  	s7 =	smul.u32 @!p0 $0xF7A, s2;
	p2 =	seq.s32 @!p0 s5, $0x0  }
0x1f: {  	s9 =	smul.u32 $0xF7A, s1;
	s8 =	simm.s32 @!p0 $0x1BF5;
	p2 =	por !p2, p0  }
0x20: {  	[sflag:s8] =	ssyncset.s32 @!p0 $0xFFFFF086;
	s6 =	sadd.s32 @!p0 s3, s7;
	s7 =	simm.s32 @!p0 $0x108  }
0x21: {  	s3 =	sadd.s32 s3, s9;
	s6 =	sadd.s32 @!p0 $0x88, s6;
	s7 =	simm.s32 @p2 $0x1082  }
0x22: {  	[simem:s7], [sflag:s8] =	dma.local @!p0 [hbm:s6], $0xF7A  }
0x23: {  	s9 =	sor.u32 $0xD0000000, s2;
	s6 =	simm.s32 $0x108;
	_ =	swait.ge @!p0 [sflag:s8], $0x0  }
0x24: {  	s3 =	sadd.s32 $0x88, s3;
	s6 =	simm.s32 @!p1 $0x1082;
	[sflag:s4] =	ssyncset.s32 $0xFFFFF086  }
0x25: {  	[simem:s6], [sflag:s4] =	dma.local [hbm:s3], $0xF7A  }
0x26: {  	[smem:$0x3F97] =	sst s1;
	(tag) =	ssettag s2;
	_ =	strace s9  }
0x27: {  	s1 =	sld [smem:$0x3FA7]  }
0x28: {  	s2 =	sld [smem:$0x3FA8]  }
0x29: {  	s4 =	sld [smem:$0x3FAA]  }
0x2a: {  	p0 =	seq.s32 s5, $0x0;
	s5 =	sld [smem:$0x3FAB]  }
0x2b: {  	s6 =	sld [smem:$0x3FAC]  }
0x2c: {  	s7 =	sld [smem:$0x3FAD]  }
0x2d: {  	s3 =	simm.s32 $0x108;
	s8 =	sld [smem:$0x3FAE]  }
0x2e: {  	s3 =	simm.s32 @!p0 $0x1082;
	s9 =	sld [smem:$0x3FAF]  }
0x2f: {  	lr =	sadd.s32 s0, s3;
	s0 =	sld [smem:$0x3FA6]  }
0x30: {  	s3 =	sld [smem:$0x3FA9]  }
0x31: {  	[smem:$0x3FB2] =	sst s10  }
0x32: {  	s10 =	sld [smem:$0x3FB0];
	_ =	sdelay $0x3  }
0x33: {  	p0 =	seq.s32 s10, $0x1;
	s10 =	sld [smem:$0x3FB2];
	_ =	sdelay $0x3  }
0x34: {  	[smem:$0x3FB2] =	sst s10  }
0x35: {  	s10 =	sld [smem:$0x3FB1];
	_ =	sdelay $0x3  }
0x36: {  	p1 =	seq.s32 s10, $0x1;
	s10 =	sld [smem:$0x3FB2];
	_ =	sdelay $0x3  }
0x37: {  	[smem:$0x3FB2] =	sst s10  }
0x38: {  	s10 =	sld [smem:$0x3FB3]  }
0x39: {  	_ = 	snop;
	(pc) =	sbr.ind lr, $3  }
0x3a: {  	_ = 	snop  }
0x3b: {  	_ = 	snop  }
0x3c: {  	p2 =	seq.s32 s10, $0x1;
	s10 =	sld [smem:$0x3FB2]  }
0x3d: {  	_ =	shalt  }
0x3e: {  	_ =	shalt  }
0x3f: {  	_ =	shalt  }
0x40: {  	_ =	shalt  }
0x41: {  	_ =	shalt  }
0x42: {  	_ =	shalt  }
0x43: {  	_ =	shalt  }
0x44: {  	_ =	shalt  }
0x45: {  	_ =	shalt  }
0x46: {  	_ =	shalt  }
0x47: {  	_ =	shalt  }
0x48: {  	_ =	shalt  }
0x49: {  	_ =	shalt  }
0x4a: {  	_ =	shalt  }
0x4b: {  	_ =	shalt  }
0x4c: {  	_ =	shalt  }
0x4d: {  	_ =	shalt  }
0x4e: {  	_ =	shalt  }
0x4f: {  	_ =	shalt  }
0x50: {  	_ =	shalt  }
0x51: {  	_ =	shalt  }
0x52: {  	_ =	shalt  }
0x53: {  	_ =	shalt  }
0x54: {  	_ =	shalt  }
0x55: {  	_ =	shalt  }
0x56: {  	_ =	shalt  }
0x57: {  	_ =	shalt  }
0x58: {  	_ =	shalt  }
0x59: {  	_ =	shalt  }
0x5a: {  	_ =	shalt  }
0x5b: {  	_ =	shalt  }
0x5c: {  	_ =	shalt  }
0x5d: {  	_ =	shalt  }
0x5e: {  	_ =	shalt  }
0x5f: {  	_ =	shalt  }
0x60: {  	_ =	shalt  }
0x61: {  	_ =	shalt  }
0x62: {  	_ =	shalt  }
0x63: {  	_ =	shalt  }
0x64: {  	_ =	shalt  }
0x65: {  	_ =	shalt  }
0x66: {  	_ =	shalt  }
0x67: {  	_ =	shalt  }
0x68: {  	_ =	shalt  }
0x69: {  	_ =	shalt  }
0x6a: {  	_ =	shalt  }
0x6b: {  	_ =	shalt  }
0x6c: {  	_ =	shalt  }
0x6d: {  	_ =	shalt  }
0x6e: {  	_ =	shalt  }
0x6f: {  	_ =	shalt  }
0x70: {  	_ =	shalt  }
0x71: {  	_ =	shalt  }
0x72: {  	_ =	shalt  }
0x73: {  	_ =	shalt  }
0x74: {  	_ =	shalt  }
0x75: {  	_ =	shalt  }
0x76: {  	_ =	shalt  }
0x77: {  	_ =	shalt  }
0x78: {  	_ =	shalt  }
0x79: {  	_ =	shalt  }
0x7a: {  	_ =	shalt  }
0x7b: {  	_ =	shalt  }
0x7c: {  	_ =	shalt  }
0x7d: {  	_ =	shalt  }
0x7e: {  	_ =	shalt  }
0x7f: {  	_ =	shalt  }
0x80: {  	_ =	shalt  }
0x81: {  	_ =	shalt  }
0x82: {  	_ =	shalt  }
0x83: {  	_ =	shalt  }
0x84: {  	_ =	shalt  }
0x85: {  	_ =	shalt  }
0x86: {  	_ =	shalt  }
0x87: {  	_ =	shalt  }
.Lfunc_end0:
.L_simem_size_0:
called_computation.3_lowered:
.L_overlay_start_0:
0x88: {  	s2 =	sld [smem:$0x3FD9]  }
0x89: {  	s3 =	sld [smem:$0x3FFE];
	_ =	sdelay $0x1  }
0x8a: {  	s1 =	srdreg.scid  }
0x8b: {  	s0 =	sand.u32 $0x1, s1  }
0x8c: {  	s16 =	sshll.u32 s0, $0xA;
	s2 =	sadd.s32 s3, s2  }
0x8d: {  	s2 =	sadd.s32 s2, s16  }
0x8e: {  	[smem:$0x3FBE] =	sst s2  }
0x8f: {  	_ = 	snop  }
0x90: {  	(tm) =	ssettm $0x1  }
0x91: {  	s17 =	sld [smem:$0x3FFB];
	_ =	sdelay $0x3  }
0x92: {  	_ =	strace s17  }
0x93: {  	s2 =	sld [smem:$0x3FFC];
	_ =	sdelay $0x3  }
0x94: {  	_ =	strace s2  }
0x95: {  	s2 =	sld [smem:$0x3FFD];
	_ =	sdelay $0x3  }
0x96: {  	_ =	strace s2  }
0x97: {  	_ =	strace $0x8FFFFFFF  }
0x98: {  	s18 =	sld [smem:$0x3FDB];
	_ =	sdelay $0x1  }
0x99: {  	s19 =	simm.s32 $_scs_section_size  }
0x9a: {  	s4 =	simm.s32 $_size__tile_overlayer_lowered;
	s5 =	simm.s32 $_tile_overlayer_lowered  }
0x9b: {  	s22 =	simm.s32 $0x1BFF;
	s21 =	sshll.u32 s5, $0x1;
	s2 =	sadd.s32 s19, s18  }
0x9c: {  	s6 =	simm.s32 $0x0;
	s20 =	sshll.u32 s4, $0x1;
	s4 =	sadd.s32 s21, s2  }
0x9d: {  	[timem:s6], [sflag:s22] =	dma.local [hbm:s4], s20  }
0x9e: {  	_ =	swait.ge [sflag:s22], s20  }
0x9f: {  	s3 =	ssub.s32 $0x0, s20;
	[sflag:s22] =	ssyncset.done $0x0  }
0xa0: {  	[sflag:s22] =	ssyncadd.s32 s3;
	_ =	sdelay $0x1  }
0xa1: {  	s23 =	simm.s32 $0x1B8B  }
0xa2: {  	_ =	swait.ge [sflag:s23], $0x1  }
0xa3: {  	[sflag:s23] =	ssyncset.done $0x0  }
0xa4: {  	s25 =	simm.s32 $0x1B8E;
	s24 =	sld [smem:$0x3FFE];
	[sflag:s23] =	ssyncadd.s32 $0xFFFFFFFF  }
0xa5: {  	s26 =	simm.s32 $execute0_lowered;
	[smem:$0x3FD2] =	sst s25  }
0xa6: {  	s4 =	sshll.u32 s26, $0x1;
	_ =	strace $0x8000004F;
	[dreg:$0x1] =	wrdreg $0xFFFFFFFF  }
0xa7: {  	s28 =	simm.s32 $_size_execute0_lowered;
	s2 =	sadd.s32 s2, s4;
	[dreg:$0x0] =	wrdreg $0x0  }
0xa8: {  	s4 =	sshll.u32 s28, $0x1;
	[dreg:$0x2] =	wrdreg s2  }
0xa9: {  	[dreg:$0x3] =	wrdreg s4  }
0xaa: {  	[dreg:$0x4] =	wrdreg $0xC0  }
0xab: {  	_ =	task [dreg:s6], $0x5FFFF  }
0xac: {  	[dreg:$0x1] =	wrdreg $0xFFFFFFFF  }
0xad: {  	[dreg:$0x0] =	wrdreg $0x60  }
0xae: {  	[dreg:$0x2] =	wrdreg s24  }
0xaf: {  	[dreg:$0x3] =	wrdreg $0x9  }
0xb0: {  	_ =	task.clear_ibuf [dreg:s6], $0x4FFFF;
	_ =	strace $0x9000004F  }
0xb1: {  	s29 =	simm.s32 $0x9;
	_ =	strace $0x80000051  }
0xb2: {  	_ =	swait.ge [sflag:s29], $0x1  }
0xb3: {  	[sflag:s29] =	ssyncadd.s32 $0xFFFFFFFF  }
0xb4: {  	_ =	strace $0x90000051  }
0xb5: {  	_ =	sfence  }
0xb6: {  	s30 =	sld [smem:$0x0];
	_ =	sdelay $0x2  }
0xb7: {  	s31 =	sshll.u32 s1, $0xD;
	s1 =	sshrl.u32 s1, $0x2  }
0xb8: {  	s3 =	sand.u32 $0x4000, s31;
	s1 =	sadd.s32 s1, s30  }
0xb9: {  	s0 =	sor.u32 s3, s0;
	s1 =	sshll.u32 s1, $0x11  }
0xba: {  	s0 =	sor.u32 s1, s0  }
0xbb: {  	s0 =	sadd.s32 $0x8F2B, s0  }
0xbc: {  	[sflag:s0] =	ssyncadd.remote.s32 $0x1  }
0xbd: {  	_ =	sfence.sel $0xFFFF  }
0xbe: {  	[dreg:$0x0] =	wrdreg $0xFFFFFFFF;
	(pc) =	sbr.abs _section_cstart, $3  }
0xbf: {  	[dreg:$0x1] =	wrdreg $0xFFFFFFFF  }
0xc0: {  	_ =	task.clear_ibuf [dreg:s6], $0x2FFFF;
	_ =	strace $0x9FFFFFFF  }
0xc1: {  	(tm) =	ssettm $0x7FFFFFFF  }
tec
execute0_lowered:
.L_overlay_start_1:
0x0: {  	(tag) =	ssettag $0x1  }
0x1: {  	s9 =	rddreg [dreg:$0x0]  }
0x2: {  	s0 =	rddreg [dreg:$0x1];
	s1 =	simm.s32 $0x0;
	s3 =	srdreg.scid  }
0x3: {  	s14 =	simm.s32 $0x600;
	s15 =	simm.s32 $0x900;
	s16 =	simm.s32 $0xC00  }
0x4: {  	s17 =	simm.s32 $0x1;
	s18 =	simm.s32 $0x18C00;
	s19 =	simm.s32 $0x19400  }
0x5: {  	s20 =	simm.s32 $0x0;
	[smem:$0x7FF] =	sst s1;
	s2 =	sadd.s32 $0xDBA00, s9  }
0x6: {  	s4 =	sadd.s32 $0x39A00, s9;
	s5 =	sadd.s32 $0x3A00, s9;
	s10 =	sand.u32 $0x1, s3  }
0x7: {  	s6 =	sadd.s32 $0x6FA00, s9;
	s3 =	stileid.u32;
	s7 =	sadd.s32 $0xA5A00, s9  }
0x8: {  	s8 =	sadd.s32 $0x76BA00, s9;
	s9 =	sadd.s32 $0x6DBA00, s9;
	s11 =	ssub.s32 $0x2, s10  }
0x9: {  	_ =	strace $0x80000050;
	s13 =	sshll.u32 s3, $0x1;
	s12 =	sshrl.u32 s11, $0x1  }
0xa: {  	v0 =	vlaneseq.u32;
	s10 =	sor.u32 s10, s13;
	s13 =	simm.s32 $0x300;
	s11 =	ssub.s32 s11, s12  }
0xb: {  	v1 =	vor.u32 $0x10, v0;
	s10 =	smul.u32 $0x480, s10;
	s12 =	simm.s32 $0x2;
	s11 =	smax.u32 s11, $0x1  }
.LBB2_1:
0xc: {  	s21 =	simm.s32 $0x0  }
.LBB2_2:
0xd: {  	s22 =	sshll.u32 s21, $0x4  }
0xe: {  	s22 =	sadd.s32 s10, s22  }
0xf: {  	s24 =	smul.u32 $0x6, s22;
	_ =	sdelay $0x1  }
0x10: {  	s23 =	simm.s32 $0x0;
	s25 =	sadd.s32 s4, s24  }
0x11: {  	[tilespmem:s23], [sflag:$0x2] =	stream.linear.gather [hbm4b:s25+s23], $0x300, $0x38;
	[tilespmem:$0x19C00] =	vst v63  }
0x12: {  	_ =	swait.ge [sflag:s12], $0x300  }
0x13: {  	[sflag:s12] =	ssyncset.done $0x0  }
0x14: {  	s30 =	sadd.s32 s5, s24;
	[sflag:s12] =	ssyncadd.s32 $0xFFFFFD00  }
0x15: {  	[tilespmem:s13], [sflag:$0x2] =	stream.linear.gather [hbm4b:s30+s23], $0x300, $0x38;
	[tilespmem:$0x19C00] =	vst v63  }
0x16: {  	_ =	swait.ge [sflag:s12], $0x300  }
0x17: {  	[sflag:s12] =	ssyncset.done $0x0  }
0x18: {  	s31 =	sadd.s32 s6, s24;
	[sflag:s12] =	ssyncadd.s32 $0xFFFFFD00  }
0x19: {  	[tilespmem:s14], [sflag:$0x2] =	stream.linear.gather [hbm4b:s31+s23], $0x300, $0x38;
	[tilespmem:$0x19C00] =	vst v63  }
0x1a: {  	_ =	swait.ge [sflag:s12], $0x300  }
0x1b: {  	[sflag:s12] =	ssyncset.done $0x0  }
0x1c: {  	s24 =	sadd.s32 s7, s24;
	[sflag:s12] =	ssyncadd.s32 $0xFFFFFD00  }
0x1d: {  	[tilespmem:s15], [sflag:$0x2] =	stream.linear.gather [hbm4b:s24+s23], $0x300, $0x38;
	[tilespmem:$0x19C00] =	vst v63  }
0x1e: {  	_ =	swait.ge [sflag:s12], $0x300  }
0x1f: {  	[sflag:s12] =	ssyncset.done $0x0  }
0x20: {  	[sflag:s12] =	ssyncadd.s32 $0xFFFFFD00  }
0x21: {  	[tilespmem:s16], [sflag:$0x1] =	stream.indirect.gather [hbm4b:s2+s13], $0x80, s23, s13, $0xb8;
	[tilespmem:$0x19C00] =	vst v63  }
0x22: {  	_ =	swait.ge [sflag:s17], $0x18000  }
0x23: {  	[sflag:s17] =	ssyncset.done $0x0  }
0x24: {  	s24 =	simm.s32 $0x2F;
	[sflag:s17] =	ssyncadd.s32 $0xFFFE8000  }
.LBB2_3:
0x25: {  	s25 =	sadd.s32 $0xFFFFFFD1, s24  }
0x26: {  	s30 =	sadd.s32 $0xFFFFFFD2, s24;
	v2 =	vmov s25  }
0x27: {  	v4 =	vmov s30;
	_ =	sdelay $0x2  }
0x28: {  	s31 =	sadd.s32 $0xFFFFFFD3, s24  }
0x29: {  	v11 =	vmov s31;
	v3 =	vld.idx.msk [tilespmem:v2+s13+$0x0], $0xffff  }
0x2a: {  	v8 =	vld.idx.msk [tilespmem:v4+s13+$0x0], $0xffff  }
0x2b: {  	s26 =	sadd.s32 $0xFFFFFFD4, s24  }
0x2c: {  	s28 =	sadd.s32 $0xFFFFFFD5, s24;
	s29 =	sadd.s32 $0xFFFFFFD6, s24;
	v12 =	vmov s26;
	v44 =	vld.idx.msk [tilespmem:v2+s14+$0x0], $0xffff  }
0x2d: {  	v15 =	vmov s28;
	v62 =	vmov s29;
	s30 =	sadd.s32 $0xFFFFFFD7, s24;
	v7 =	vshll.u32 v2, $0x7;
	v2 =	vld.idx.msk [tilespmem:v2+s15+$0x0], $0xffff  }
0x2e: {  	v10 =	vshll.u32 v4, $0x7;
	v16 =	vshll.u32 v11, $0x7;
	v31 =	vmov s30;
	v48 =	vld.idx.msk [tilespmem:v11+s13+$0x0], $0xffff  }
0x2f: {  	v13 =	vld.idx.msk [tilespmem:v4+s14+$0x0], $0xffff;
	v5 =	vadd.s32 v0, v3;
	v3 =	vadd.s32 v1, v3;
	v45 =	vadd.s32 v0, v8  }
0x30: {  	v4 =	vld.idx.msk [tilespmem:v4+s15+$0x0], $0xffff;
	v8 =	vadd.s32 v1, v8;
	v6 =	vand.u32 $0xFFFFFF80, v5;
	v5 =	vand.u32 $0x7F, v5  }
0x31: {  	v51 =	vld.idx.msk [tilespmem:v12+s13+$0x0], $0xffff;
	v43 =	vand.u32 $0xFFFFFF80, v3;
	v3 =	vand.u32 $0x7F, v3;
	v6 =	vadd.s32 v7, v6  }
0x32: {  	v56 =	vld.idx.msk [tilespmem:v15+s13+$0x0], $0xffff;
	v9 =	vand.u32 $0xFFFFFF80, v45;
	v5 =	vor.u32 v5, v6;
	v6 =	vadd.s32 v7, v43  }
0x33: {  	v26 =	vld.idx.msk [tilespmem:v62+s13+$0x0], $0xffff;
	v9 =	vadd.s32 v10, v9;
	v7 =	vand.u32 $0x7F, v45;
	v3 =	vor.u32 v3, v6  }
0x34: {  	s31 =	sadd.s32 $0xFFFFFFD8, s24;
	v18 =	vshll.u32 v12, $0x7;
	v28 =	vld.idx.msk [tilespmem:v15+s14+$0x0], $0xffff;
	v46 =	vand.u32 $0xFFFFFF80, v8;
	v7 =	vor.u32 v7, v9  }
0x35: {  	v38 =	vmov s31;
	v32 =	vld.idx.msk [tilespmem:v15+s15+$0x0], $0xffff;
	v8 =	vand.u32 $0x7F, v8;
	v9 =	vadd.s32 v10, v46  }
0x36: {  	s28 =	sadd.s32 $0xFFFFFFDA, s24;
	v22 =	vshll.u32 v15, $0x7;
	v34 =	vshll.u32 v62, $0x7;
	v39 =	vld.idx.msk [tilespmem:v31+s13+$0x0], $0xffff;
	v8 =	vor.u32 v8, v9  }
0x37: {  	v20 =	vmov s28;
	v50 =	vadd.s32 v0, v48;
	v53 =	vadd.s32 v1, v48;
	v5 =	vld.idx.msk [tilespmem:v5+s16+$0x0], $0xffff  }
0x38: {  	v55 =	vadd.s32 v0, v51;
	v60 =	vadd.s32 v1, v51;
	v63 =	vadd.s32 v0, v56;
	v3 =	vld.idx.msk [tilespmem:v3+s16+$0x0], $0xffff  }
0x39: {  	v24 =	vadd.s32 v1, v56;
	v30 =	vadd.s32 v0, v26;
	v52 =	vand.u32 $0xFFFFFF80, v50;
	v7 =	vld.idx.msk [tilespmem:v7+s16+$0x0], $0xffff  }
0x3a: {  	v57 =	vand.u32 $0xFFFFFF80, v55;
	v61 =	vand.u32 $0xFFFFFF80, v60;
	v33 =	vand.u32 $0xFFFFFF80, v30;
	v43 =	vld.idx.msk [tilespmem:v38+s13+$0x0], $0xffff  }
0x3b: {  	s26 =	sadd.s32 $0xFFFFFFD9, s24;
	v21 =	vand.u32 $0xFFFFFF80, v63;
	v25 =	vand.u32 $0xFFFFFF80, v24;
	v15 =	vadd.s32 v34, v33;
	v8 =	vld.idx.msk [tilespmem:v8+s16+$0x0], $0xffff  }
0x3c: {  	v45 =	vmov s26;
	v10 =	vand.u32 $0xFFFFFF80, v53;
	v47 =	vmul.f32 v5, v44  }
0x3d: {  	v10 =	vadd.s32 v16, v10;
	v14 =	vmul.f32 v3, v2;
	v3 =	vmul.f32 v3, v44  }
0x3e: {  	v2 =	vmul.f32 v5, v2;
	v17 =	vmul.f32 v7, v13;
	v5 =	vadd.s32 v16, v52  }
0x3f: {  	v16 =	vand.u32 $0x7F, v55;
	v44 =	vadd.s32 v0, v39;
	v9 =	vadd.f32 $0.0e+00, v47  }
0x40: {  	v52 =	vadd.s32 v0, v43;
	v54 =	vmul.f32 v8, v4;
	v3 =	vadd.f32 $0.0e+00, v3  }
0x41: {  	v58 =	vld.idx.msk [tilespmem:v11+s14+$0x0], $0xffff;
	v8 =	vmul.f32 v8, v13;
	v49 =	vsub.f32 v9, v14;
	v9 =	vand.u32 $0x7F, v50  }
0x42: {  	v11 =	vld.idx.msk [tilespmem:v11+s15+$0x0], $0xffff;
	v2 =	vadd.f32 v3, v2;
	v3 =	vor.u32 v9, v5;
	v5 =	vand.u32 $0x7F, v53  }
0x43: {  	v23 =	vld.idx.msk [tilespmem:v12+s14+$0x0], $0xffff;
	v4 =	vmul.f32 v7, v4;
	v5 =	vor.u32 v5, v10;
	v10 =	vadd.s32 v18, v57  }
0x44: {  	v12 =	vld.idx.msk [tilespmem:v12+s15+$0x0], $0xffff;
	v46 =	vand.u32 $0xFFFFFF80, v44;
	v47 =	vshll.u32 v31, $0x7;
	v59 =	vor.u32 v16, v10  }
0x45: {  	v55 =	vld.idx.msk [tilespmem:v45+s13+$0x0], $0xffff;
	v2 =	vadd.f32 v8, v2;
	v10 =	vand.u32 $0x7F, v60;
	v8 =	vadd.s32 v18, v61  }
0x46: {  	v42 =	vld.idx.msk [tilespmem:v62+s14+$0x0], $0xffff;
	v16 =	vand.u32 $0x7F, v63;
	v8 =	vor.u32 v10, v8;
	v10 =	vadd.s32 v22, v21  }
0x47: {  	v56 =	vand.u32 $0x7F, v52;
	v53 =	vand.u32 $0xFFFFFF80, v52;
	v21 =	vld.idx.msk [tilespmem:v20+s13+$0x0], $0xffff;
	v10 =	vor.u32 v16, v10  }
0x48: {  	v2 =	vadd.f32 v2, v4;
	v16 =	vand.u32 $0x7F, v24;
	v4 =	vadd.s32 v22, v25;
	v3 =	vld.idx.msk [tilespmem:v3+s16+$0x0], $0xffff  }
0x49: {  	v6 =	vadd.f32 v17, v49;
	v49 =	vadd.s32 v1, v39;
	v4 =	vor.u32 v16, v4;
	v5 =	vld.idx.msk [tilespmem:v5+s16+$0x0], $0xffff  }
0x4a: {  	v51 =	vand.u32 $0xFFFFFF80, v49;
	v14 =	vand.u32 $0x7F, v49;
	v61 =	vadd.s32 v0, v55;
	v9 =	vld.idx.msk [tilespmem:v59+s16+$0x0], $0xffff  }
0x4b: {  	v48 =	vld.idx.msk [tilespmem:v62+s15+$0x0], $0xffff;
	v63 =	vshll.u32 v45, $0x7;
	v6 =	vsub.f32 v6, v54;
	v54 =	vshll.u32 v38, $0x7  }
0x4c: {  	s26 =	sadd.s32 $0xFFFFFFDE, s24;
	v62 =	vand.u32 $0xFFFFFF80, v61;
	v57 =	vadd.s32 v54, v53;
	v24 =	vadd.s32 v1, v55;
	v8 =	vld.idx.msk [tilespmem:v8+s16+$0x0], $0xffff  }
0x4d: {  	v22 =	vmov s26;
	v10 =	vld.idx.msk [tilespmem:v10+s16+$0x0], $0xffff;
	v19 =	vmul.f32 v3, v58;
	v3 =	vmul.f32 v3, v11  }
0x4e: {  	v39 =	vadd.s32 v1, v21;
	v4 =	vld.idx.msk [tilespmem:v4+s16+$0x0], $0xffff;
	v27 =	vmul.f32 v5, v11;
	v5 =	vmul.f32 v5, v58  }
0x4f: {  	v11 =	vand.u32 $0x7F, v30;
	v6 =	vadd.f32 v19, v6;
	v29 =	vmul.f32 v9, v23  }
0x50: {  	v36 =	vor.u32 v11, v15;
	v9 =	vmul.f32 v9, v12;
	v2 =	vadd.f32 v5, v2  }
0x51: {  	v35 =	vmul.f32 v8, v12;
	v12 =	vand.u32 $0x7F, v61;
	v6 =	vsub.f32 v6, v27  }
0x52: {  	v37 =	vmul.f32 v10, v28;
	v2 =	vadd.f32 v2, v3;
	v3 =	vmul.f32 v8, v23  }
0x53: {  	v27 =	vand.u32 $0x7F, v24;
	v41 =	vmul.f32 v4, v32;
	v5 =	vadd.f32 v29, v6  }
0x54: {  	v4 =	vmul.f32 v4, v28;
	v2 =	vadd.f32 v3, v2;
	v3 =	vadd.s32 v1, v26  }
0x55: {  	v6 =	vmul.f32 v10, v32;
	v5 =	vsub.f32 v5, v35;
	v40 =	vand.u32 $0xFFFFFF80, v3  }
0x56: {  	s29 =	sadd.s32 $0xFFFFFFDB, s24;
	v3 =	vand.u32 $0x7F, v3;
	v8 =	vadd.s32 v34, v40;
	v2 =	vadd.f32 v2, v9  }
0x57: {  	v10 =	vadd.s32 v47, v46;
	v32 =	vmov s29;
	v3 =	vor.u32 v3, v8  }
0x58: {  	v16 =	vld.idx.msk [tilespmem:v31+s15+$0x0], $0xffff;
	v5 =	vadd.f32 v37, v5;
	v2 =	vadd.f32 v4, v2;
	v4 =	vand.u32 $0x7F, v44  }
0x59: {  	s30 =	sadd.s32 $0xFFFFFFDC, s24;
	v7 =	vld.idx.msk [tilespmem:v36+s16+$0x0], $0xffff;
	v26 =	vand.u32 $0xFFFFFF80, v24;
	v36 =	vshll.u32 v20, $0x7;
	v4 =	vor.u32 v4, v10  }
0x5a: {  	s31 =	sadd.s32 $0xFFFFFFDD, s24;
	v58 =	vld.idx.msk [tilespmem:v31+s14+$0x0], $0xffff;
	v8 =	vadd.s32 v1, v43;
	v5 =	vsub.f32 v5, v41;
	v41 =	vmov s30  }
0x5b: {  	v11 =	vld.idx.msk [tilespmem:v38+s15+$0x0], $0xffff;
	v60 =	vand.u32 $0xFFFFFF80, v8;
	v10 =	vadd.s32 v47, v51;
	v47 =	vmov s31  }
0x5c: {  	v8 =	vand.u32 $0x7F, v8;
	v15 =	vadd.s32 v54, v60;
	v10 =	vor.u32 v14, v10;
	v3 =	vld.idx.msk [tilespmem:v3+s16+$0x0], $0xffff  }
0x5d: {  	v34 =	vadd.s32 v0, v21;
	v40 =	vld.idx.msk [tilespmem:v32+s13+$0x0], $0xffff;
	v8 =	vor.u32 v8, v15;
	v15 =	vadd.s32 v63, v62  }
0x5e: {  	v35 =	vand.u32 $0xFFFFFF80, v34;
	v50 =	vmul.f32 v7, v42;
	v12 =	vor.u32 v12, v15;
	v4 =	vld.idx.msk [tilespmem:v4+s16+$0x0], $0xffff  }
0x5f: {  	v7 =	vmul.f32 v7, v48;
	v51 =	vshll.u32 v32, $0x7;
	v2 =	vadd.f32 v2, v6;
	v49 =	vld.idx.msk [tilespmem:v41+s13+$0x0], $0xffff  }
0x60: {  	v6 =	vor.u32 v56, v57;
	v5 =	vadd.f32 v50, v5;
	v15 =	vadd.s32 v63, v26;
	v54 =	vld.idx.msk [tilespmem:v47+s13+$0x0], $0xffff  }
0x61: {  	v63 =	vshll.u32 v47, $0x7;
	v13 =	vor.u32 v27, v15;
	v10 =	vld.idx.msk [tilespmem:v10+s16+$0x0], $0xffff;
	v59 =	vmul.f32 v3, v48  }
0x62: {  	v8 =	vld.idx.msk [tilespmem:v8+s16+$0x0], $0xffff;
	v3 =	vmul.f32 v3, v42;
	v42 =	vand.u32 $0xFFFFFF80, v39;
	v48 =	vadd.s32 v0, v40  }
0x63: {  	v33 =	vld.idx.msk [tilespmem:v12+s16+$0x0], $0xffff;
	v12 =	vand.u32 $0x7F, v34;
	v43 =	vadd.s32 v36, v42;
	v50 =	vand.u32 $0xFFFFFF80, v48  }
0x64: {  	v5 =	vsub.f32 v5, v59;
	v2 =	vadd.f32 v3, v2;
	v25 =	vmul.f32 v4, v58  }
0x65: {  	v9 =	vld.idx.msk [tilespmem:v45+s15+$0x0], $0xffff;
	v4 =	vmul.f32 v4, v16;
	v55 =	vadd.s32 v0, v49;
	v61 =	vadd.s32 v0, v54  }
0x66: {  	v31 =	vld.idx.msk [tilespmem:v45+s14+$0x0], $0xffff;
	v24 =	vadd.s32 v1, v54;
	v28 =	vmul.f32 v10, v16;
	v29 =	vmul.f32 v10, v58  }
0x67: {  	v13 =	vld.idx.msk [tilespmem:v13+s16+$0x0], $0xffff;
	v37 =	vmul.f32 v8, v11;
	v10 =	vadd.s32 v36, v35;
	v57 =	vand.u32 $0xFFFFFF80, v55  }
0x68: {  	v58 =	vshll.u32 v41, $0x7;
	v62 =	vand.u32 $0xFFFFFF80, v61;
	v17 =	vand.u32 $0x7F, v61  }
0x69: {  	v6 =	vld.idx.msk [tilespmem:v6+s16+$0x0], $0xffff;
	v14 =	vand.u32 $0xFFFFFF80, v24;
	v5 =	vadd.f32 v25, v5;
	v2 =	vadd.f32 v2, v7  }
0x6a: {  	v3 =	vld.idx.msk [tilespmem:v38+s14+$0x0], $0xffff;
	v38 =	vor.u32 v12, v10;
	v10 =	vadd.s32 v1, v40;
	v7 =	vmul.f32 v33, v9  }
0x6b: {  	v12 =	vand.u32 $0x7F, v24;
	v14 =	vadd.s32 v63, v14;
	v40 =	vshll.u32 v22, $0x7  }
0x6c: {  	v44 =	vmul.f32 v13, v9;
	v46 =	vmul.f32 v13, v31;
	v52 =	vand.u32 $0xFFFFFF80, v10  }
0x6d: {  	v10 =	vand.u32 $0x7F, v10;
	v9 =	vadd.s32 v58, v57;
	v13 =	vadd.s32 v1, v49  }
0x6e: {  	v12 =	vor.u32 v12, v14;
	v5 =	vsub.f32 v5, v28;
	v2 =	vadd.f32 v29, v2;
	v29 =	vld.idx.msk [tilespmem:v22+s13+$0x0], $0xffff  }
0x6f: {  	v60 =	vand.u32 $0xFFFFFF80, v13;
	v13 =	vand.u32 $0x7F, v13;
	v30 =	vmul.f32 v6, v3  }
0x70: {  	v45 =	vld.idx.msk [tilespmem:v20+s14+$0x0], $0xffff;
	v3 =	vmul.f32 v8, v3;
	v8 =	vand.u32 $0x7F, v39;
	v2 =	vadd.f32 v2, v4  }
0x71: {  	s28 =	sadd.s32 $0xFFFFFFDF, s24;
	s29 =	sadd.s32 $0xFFFFFFE0, s24;
	v56 =	vld.idx.msk [tilespmem:v20+s15+$0x0], $0xffff;
	v6 =	vmul.f32 v6, v11;
	v8 =	vor.u32 v8, v43;
	v5 =	vadd.f32 v30, v5  }
0x72: {  	v4 =	vld.idx.msk [tilespmem:v38+s16+$0x0], $0xffff;
	v30 =	vmov s28;
	v38 =	vmov s29;
	v2 =	vadd.f32 v3, v2  }
0x73: {  	v26 =	vld.idx.msk [tilespmem:v47+s14+$0x0], $0xffff;
	v3 =	vmul.f32 v33, v31;
	v5 =	vsub.f32 v5, v37;
	v36 =	vadd.s32 v0, v29  }
0x74: {  	v34 =	vld.idx.msk [tilespmem:v12+s16+$0x0], $0xffff;
	v2 =	vadd.f32 v2, v6;
	v6 =	vadd.s32 v51, v50;
	v39 =	vand.u32 $0xFFFFFF80, v36  }
0x75: {  	v15 =	vld.idx.msk [tilespmem:v32+s15+$0x0], $0xffff;
	v50 =	vshll.u32 v30, $0x7;
	v3 =	vadd.f32 v3, v5;
	v5 =	vand.u32 $0x7F, v48  }
0x76: {  	v8 =	vld.idx.msk [tilespmem:v8+s16+$0x0], $0xffff;
	v12 =	vadd.s32 v40, v39;
	v2 =	vadd.f32 v46, v2;
	v5 =	vor.u32 v5, v6  }
0x77: {  	s30 =	sadd.s32 $0xFFFFFFE1, s24;
	v49 =	vld.idx.msk [tilespmem:v22+s14+$0x0], $0xffff;
	v53 =	vmul.f32 v4, v45;
	v6 =	vadd.s32 v51, v52;
	v4 =	vmul.f32 v4, v56  }
0x78: {  	v37 =	vld.idx.msk [tilespmem:v30+s13+$0x0], $0xffff;
	v52 =	vmov s30;
	v3 =	vsub.f32 v3, v44;
	v6 =	vor.u32 v10, v6  }
0x79: {  	s31 =	sadd.s32 $0xFFFFFFE2, s24;
	v46 =	vld.idx.msk [tilespmem:v38+s13+$0x0], $0xffff;
	v44 =	vmul.f32 v34, v26;
	v2 =	vadd.f32 v2, v7;
	v7 =	vand.u32 $0x7F, v55  }
0x7a: {  	v55 =	vld.idx.msk [tilespmem:v22+s15+$0x0], $0xffff;
	v22 =	vmov s31;
	v3 =	vadd.f32 v53, v3;
	v7 =	vor.u32 v7, v9  }
0x7b: {  	v59 =	vld.idx.msk [tilespmem:v32+s14+$0x0], $0xffff;
	v9 =	vadd.s32 v58, v60;
	v58 =	vshll.u32 v38, $0x7;
	v16 =	vmul.f32 v8, v45  }
0x7c: {  	v9 =	vor.u32 v13, v9;
	v8 =	vmul.f32 v8, v56;
	v13 =	vadd.s32 v63, v62;
	v5 =	vld.idx.msk [tilespmem:v5+s16+$0x0], $0xffff  }
0x7d: {  	v13 =	vor.u32 v17, v13;
	v45 =	vadd.s32 v0, v37;
	v10 =	vadd.s32 v1, v37;
	v62 =	vld.idx.msk [tilespmem:v52+s13+$0x0], $0xffff  }
0x7e: {  	v56 =	vadd.s32 v0, v46;
	v37 =	vshll.u32 v22, $0x7;
	v6 =	vld.idx.msk [tilespmem:v6+s16+$0x0], $0xffff;
	v2 =	vadd.f32 v16, v2  }
0x7f: {  	v20 =	vld.idx.msk [tilespmem:v41+s14+$0x0], $0xffff;
	v3 =	vsub.f32 v3, v8;
	v48 =	vand.u32 $0xFFFFFF80, v45;
	v51 =	vand.u32 $0xFFFFFF80, v10  }
0x80: {  	v23 =	vld.idx.msk [tilespmem:v41+s15+$0x0], $0xffff;
	v53 =	vand.u32 $0x7F, v10;
	v57 =	vand.u32 $0xFFFFFF80, v56;
	v10 =	vand.u32 $0x7F, v56  }
0x81: {  	v8 =	vadd.s32 v50, v48;
	v54 =	vadd.s32 v50, v51;
	v7 =	vld.idx.msk [tilespmem:v7+s16+$0x0], $0xffff;
	v2 =	vadd.f32 v2, v4  }
0x82: {  	v21 =	vmul.f32 v5, v59;
	v5 =	vmul.f32 v5, v15;
	v27 =	vld.idx.msk [tilespmem:v13+s16+$0x0], $0xffff;
	v13 =	vadd.s32 v1, v29  }
0x83: {  	v29 =	vadd.s32 v1, v62;
	v25 =	vmul.f32 v6, v59;
	v6 =	vmul.f32 v6, v15  }
0x84: {  	v9 =	vld.idx.msk [tilespmem:v9+s16+$0x0], $0xffff;
	v41 =	vand.u32 $0xFFFFFF80, v13;
	v42 =	vand.u32 $0x7F, v13;
	v13 =	vadd.s32 v1, v46  }
0x85: {  	v3 =	vadd.f32 v21, v3;
	v43 =	vadd.s32 v40, v41;
	v61 =	vand.u32 $0xFFFFFF80, v13  }
0x86: {  	v13 =	vand.u32 $0x7F, v13;
	v21 =	vadd.s32 v0, v62;
	v2 =	vadd.f32 v25, v2  }
0x87: {  	v33 =	vld.idx.msk [tilespmem:v47+s15+$0x0], $0xffff;
	v28 =	vmul.f32 v7, v20;
	v4 =	vmul.f32 v7, v23;
	v7 =	vand.u32 $0x7F, v36  }
0x88: {  	v24 =	vand.u32 $0xFFFFFF80, v21;
	v25 =	vshll.u32 v52, $0x7;
	v7 =	vor.u32 v7, v12  }
0x89: {  	s28 =	sadd.s32 $0xFFFFFFE4, s24;
	v11 =	vld.idx.msk [tilespmem:v38+s15+$0x0], $0xffff;
	v3 =	vsub.f32 v3, v6;
	v31 =	vmul.f32 v9, v23;
	v12 =	vor.u32 v42, v43  }
0x8a: {  	v32 =	vmul.f32 v9, v20;
	v6 =	vand.u32 $0x7F, v45;
	v20 =	vld.idx.msk [tilespmem:v38+s14+$0x0], $0xffff;
	v38 =	vmov s28  }
0x8b: {  	v59 =	vld.idx.msk [tilespmem:v30+s14+$0x0], $0xffff;
	v2 =	vadd.f32 v2, v5;
	v35 =	vmul.f32 v27, v26;
	v6 =	vor.u32 v6, v8  }
0x8c: {  	s30 =	sadd.s32 $0xFFFFFFE6, s24;
	v47 =	vmul.f32 v27, v33;
	v8 =	vor.u32 v53, v54;
	v27 =	vld.idx.msk [tilespmem:v22+s13+$0x0], $0xffff;
	v3 =	vadd.f32 v28, v3  }
0x8d: {  	s29 =	sadd.s32 $0xFFFFFFE5, s24;
	v14 =	vadd.s32 v25, v24;
	v24 =	vmov s30;
	v2 =	vadd.f32 v32, v2;
	v7 =	vld.idx.msk [tilespmem:v7+s16+$0x0], $0xffff  }
0x8e: {  	s26 =	sadd.s32 $0xFFFFFFE3, s24;
	v5 =	vmul.f32 v34, v33;
	v53 =	vmov s29;
	v3 =	vsub.f32 v3, v31;
	v12 =	vld.idx.msk [tilespmem:v12+s16+$0x0], $0xffff  }
0x8f: {  	v28 =	vmov s26;
	v32 =	vand.u32 $0xFFFFFF80, v29;
	v2 =	vadd.f32 v2, v4;
	v48 =	vld.idx.msk [tilespmem:v38+s13+$0x0], $0xffff  }
0x90: {  	v33 =	vadd.s32 v25, v32;
	v4 =	vadd.s32 v58, v57;
	v3 =	vadd.f32 v35, v3;
	v6 =	vld.idx.msk [tilespmem:v6+s16+$0x0], $0xffff  }
0x91: {  	v4 =	vor.u32 v10, v4;
	v10 =	vadd.s32 v58, v61;
	v8 =	vld.idx.msk [tilespmem:v8+s16+$0x0], $0xffff;
	v2 =	vadd.f32 v44, v2  }
0x92: {  	v63 =	vld.idx.msk [tilespmem:v30+s15+$0x0], $0xffff;
	v57 =	vshll.u32 v38, $0x7;
	v34 =	vadd.s32 v0, v27;
	v10 =	vor.u32 v13, v10  }
0x93: {  	v36 =	vand.u32 $0xFFFFFF80, v34;
	v3 =	vsub.f32 v3, v5;
	v2 =	vadd.f32 v2, v47  }
0x94: {  	v35 =	vld.idx.msk [tilespmem:v28+s13+$0x0], $0xffff;
	v47 =	vshll.u32 v28, $0x7;
	v60 =	vmul.f32 v7, v49;
	v9 =	vmul.f32 v12, v49  }
0x95: {  	v12 =	vmul.f32 v12, v55;
	v5 =	vmul.f32 v7, v55;
	v7 =	vand.u32 $0x7F, v34  }
0x96: {  	v55 =	vadd.s32 v0, v48;
	v4 =	vld.idx.msk [tilespmem:v4+s16+$0x0], $0xffff;
	v23 =	vmul.f32 v6, v59;
	v16 =	vmul.f32 v8, v59  }
0x97: {  	v8 =	vmul.f32 v8, v63;
	v6 =	vmul.f32 v6, v63;
	v63 =	vld.idx.msk [tilespmem:v53+s13+$0x0], $0xffff;
	v3 =	vadd.f32 v60, v3  }
0x98: {  	v61 =	vadd.s32 v1, v48;
	v56 =	vand.u32 $0xFFFFFF80, v55;
	v2 =	vadd.f32 v9, v2;
	v10 =	vld.idx.msk [tilespmem:v10+s16+$0x0], $0xffff  }
0x99: {  	v17 =	vand.u32 $0xFFFFFF80, v61;
	v45 =	vadd.s32 v0, v35;
	v3 =	vsub.f32 v3, v12  }
0x9a: {  	v46 =	vand.u32 $0xFFFFFF80, v45;
	v2 =	vadd.f32 v2, v5;
	v5 =	vand.u32 $0x7F, v21  }
0x9b: {  	v5 =	vor.u32 v5, v14;
	v14 =	vadd.s32 v57, v56;
	v3 =	vadd.f32 v23, v3  }
0x9c: {  	v39 =	vld.idx.msk [tilespmem:v52+s15+$0x0], $0xffff;
	v2 =	vadd.f32 v16, v2;
	v26 =	vmul.f32 v4, v20;
	v4 =	vmul.f32 v4, v11  }
0x9d: {  	v31 =	vld.idx.msk [tilespmem:v52+s14+$0x0], $0xffff;
	v16 =	vadd.s32 v57, v17;
	v34 =	vadd.s32 v1, v63;
	v30 =	vmul.f32 v10, v11  }
0x9e: {  	v54 =	vld.idx.msk [tilespmem:v28+s14+$0x0], $0xffff;
	v9 =	vmul.f32 v10, v20;
	v10 =	vadd.s32 v37, v36;
	v11 =	vand.u32 $0x7F, v55  }
0x9f: {  	v49 =	vld.idx.msk [tilespmem:v22+s14+$0x0], $0xffff;
	v36 =	vand.u32 $0xFFFFFF80, v34;
	v3 =	vsub.f32 v3, v8;
	v2 =	vadd.f32 v2, v6  }
0xa0: {  	v12 =	vld.idx.msk [tilespmem:v22+s15+$0x0], $0xffff;
	v6 =	vand.u32 $0x7F, v29;
	v8 =	vadd.s32 v1, v27;
	v7 =	vor.u32 v7, v10  }
0xa1: {  	s31 =	sadd.s32 $0xFFFFFFE7, s24;
	v22 =	vld.idx.msk [tilespmem:v38+s14+$0x0], $0xffff;
	v10 =	vadd.s32 v47, v46;
	v60 =	vor.u32 v11, v14;
	v11 =	vand.u32 $0x7F, v61  }
0xa2: {  	v27 =	vld.idx.msk [tilespmem:v38+s15+$0x0], $0xffff;
	v29 =	vshll.u32 v53, $0x7;
	v38 =	vmov s31;
	v6 =	vor.u32 v6, v33  }
0xa3: {  	v13 =	vld.idx.msk [tilespmem:v28+s15+$0x0], $0xffff;
	v41 =	vand.u32 $0xFFFFFF80, v8;
	v43 =	vand.u32 $0x7F, v8;
	v8 =	vand.u32 $0x7F, v45  }
0xa4: {  	v11 =	vor.u32 v11, v16;
	v14 =	vadd.s32 v29, v36;
	v45 =	vshll.u32 v24, $0x7;
	v5 =	vld.idx.msk [tilespmem:v5+s16+$0x0], $0xffff  }
0xa5: {  	v56 =	vshll.u32 v38, $0x7;
	v3 =	vadd.f32 v26, v3;
	v44 =	vadd.s32 v37, v41;
	v37 =	vld.idx.msk [tilespmem:v24+s13+$0x0], $0xffff  }
0xa6: {  	v2 =	vadd.f32 v9, v2;
	v9 =	vadd.s32 v1, v35;
	v8 =	vor.u32 v8, v10;
	v7 =	vld.idx.msk [tilespmem:v7+s16+$0x0], $0xffff  }
0xa7: {  	v26 =	vadd.s32 v0, v63;
	v50 =	vand.u32 $0xFFFFFF80, v9;
	v9 =	vand.u32 $0x7F, v9;
	v23 =	vld.idx.msk [tilespmem:v60+s16+$0x0], $0xffff  }
0xa8: {  	s26 =	sadd.s32 $0xFFFFFFE8, s24;
	v28 =	vand.u32 $0xFFFFFF80, v26;
	v3 =	vsub.f32 v3, v30;
	v2 =	vadd.f32 v2, v4;
	v46 =	vld.idx.msk [tilespmem:v38+s13+$0x0], $0xffff  }
0xa9: {  	v51 =	vadd.s32 v47, v50;
	v32 =	vadd.s32 v29, v28;
	v47 =	vmov s26;
	v42 =	vld.idx.msk [tilespmem:v6+s16+$0x0], $0xffff  }
0xaa: {  	v9 =	vor.u32 v9, v51;
	v6 =	vor.u32 v43, v44;
	v30 =	vld.idx.msk [tilespmem:v11+s16+$0x0], $0xffff;
	v11 =	vand.u32 $0x7F, v34  }
0xab: {  	v40 =	vmul.f32 v5, v31;
	v5 =	vmul.f32 v5, v39;
	v8 =	vld.idx.msk [tilespmem:v8+s16+$0x0], $0xffff;
	v43 =	vadd.s32 v0, v37  }
0xac: {  	v15 =	vadd.s32 v1, v37;
	v44 =	vand.u32 $0xFFFFFF80, v43;
	v58 =	vmul.f32 v7, v49  }
0xad: {  	v10 =	vand.u32 $0x7F, v43;
	v7 =	vmul.f32 v7, v12;
	v35 =	vmul.f32 v23, v22  }
0xae: {  	v3 =	vadd.f32 v40, v3;
	v52 =	vmul.f32 v42, v39;
	v4 =	vmul.f32 v42, v31  }
0xaf: {  	v59 =	vld.idx.msk [tilespmem:v9+s16+$0x0], $0xffff;
	v31 =	vand.u32 $0x7F, v26;
	v39 =	vor.u32 v11, v14;
	v40 =	vmul.f32 v30, v27  }
0xb0: {  	v6 =	vld.idx.msk [tilespmem:v6+s16+$0x0], $0xffff;
	v11 =	vadd.s32 v45, v44;
	v14 =	vadd.s32 v1, v46;
	v21 =	vmul.f32 v8, v54  }
0xb1: {  	v33 =	vor.u32 v31, v32;
	v8 =	vmul.f32 v8, v13;
	v57 =	vand.u32 $0xFFFFFF80, v14  }
0xb2: {  	v3 =	vsub.f32 v3, v52;
	v2 =	vadd.f32 v4, v2;
	v52 =	vadd.s32 v0, v46  }
0xb3: {  	v41 =	vld.idx.msk [tilespmem:v53+s14+$0x0], $0xffff;
	v48 =	vor.u32 v10, v11;
	v60 =	vadd.s32 v56, v57;
	v11 =	vand.u32 $0x7F, v52  }
0xb4: {  	v51 =	vld.idx.msk [tilespmem:v24+s14+$0x0], $0xffff;
	v2 =	vadd.f32 v2, v5;
	v3 =	vadd.f32 v58, v3;
	v25 =	vmul.f32 v59, v13  }
0xb5: {  	s28 =	sadd.s32 $0xFFFFFFE9, s24;
	v55 =	vld.idx.msk [tilespmem:v47+s13+$0x0], $0xffff;
	v4 =	vmul.f32 v59, v54;
	v54 =	vand.u32 $0xFFFFFF80, v52;
	v62 =	vmul.f32 v6, v49  }
0xb6: {  	v63 =	vld.idx.msk [tilespmem:v38+s14+$0x0], $0xffff;
	v58 =	vmov s28;
	v59 =	vand.u32 $0x7F, v14;
	v6 =	vmul.f32 v6, v12  }
0xb7: {  	v9 =	vld.idx.msk [tilespmem:v24+s15+$0x0], $0xffff;
	v49 =	vand.u32 $0xFFFFFF80, v15;
	v12 =	vadd.s32 v56, v54;
	v2 =	vadd.f32 v62, v2  }
0xb8: {  	v42 =	vld.idx.msk [tilespmem:v53+s15+$0x0], $0xffff;
	v15 =	vand.u32 $0x7F, v15;
	v11 =	vor.u32 v11, v12;
	v3 =	vsub.f32 v3, v6  }
0xb9: {  	v32 =	vld.idx.msk [tilespmem:v38+s15+$0x0], $0xffff;
	v10 =	vadd.s32 v45, v49;
	v12 =	vor.u32 v59, v60;
	v2 =	vadd.f32 v2, v7  }
0xba: {  	v61 =	vadd.s32 v0, v55;
	v10 =	vor.u32 v15, v10;
	v3 =	vadd.f32 v21, v3;
	v7 =	vld.idx.msk [tilespmem:v48+s16+$0x0], $0xffff  }
0xbb: {  	v29 =	vadd.s32 v1, v55;
	v5 =	vmul.f32 v23, v27;
	v2 =	vadd.f32 v4, v2;
	v4 =	vld.idx.msk [tilespmem:v33+s16+$0x0], $0xffff  }
0xbc: {  	s29 =	sadd.s32 $0xFFFFFFEA, s24;
	s31 =	sadd.s32 $0xFFFFFFEC, s24;
	v23 =	vand.u32 $0x7F, v61;
	v34 =	vand.u32 $0x7F, v29;
	v3 =	vsub.f32 v3, v25;
	v25 =	vld.idx.msk [tilespmem:v58+s13+$0x0], $0xffff  }
0xbd: {  	v54 =	vmov s31;
	v6 =	vmul.f32 v30, v22;
	v30 =	vmov s29;
	v26 =	vld.idx.msk [tilespmem:v11+s16+$0x0], $0xffff  }
0xbe: {  	v22 =	vshll.u32 v47, $0x7;
	v49 =	vshll.u32 v30, $0x7;
	v21 =	vand.u32 $0xFFFFFF80, v61;
	v28 =	vld.idx.msk [tilespmem:v12+s16+$0x0], $0xffff  }
0xbf: {  	v24 =	vadd.s32 v22, v21;
	v33 =	vand.u32 $0xFFFFFF80, v29;
	v10 =	vld.idx.msk [tilespmem:v10+s16+$0x0], $0xffff;
	v3 =	vadd.f32 v35, v3  }
0xc0: {  	v2 =	vadd.f32 v2, v8;
	v8 =	vld.idx.msk [tilespmem:v39+s16+$0x0], $0xffff;
	v39 =	vshll.u32 v58, $0x7;
	v62 =	vmul.f32 v7, v51  }
0xc1: {  	v31 =	vmul.f32 v7, v9;
	v3 =	vsub.f32 v3, v40;
	v50 =	vmul.f32 v4, v41  }
0xc2: {  	v2 =	vadd.f32 v6, v2;
	v4 =	vmul.f32 v4, v42;
	v37 =	vmul.f32 v26, v63  }
0xc3: {  	v36 =	vadd.s32 v0, v25;
	v13 =	vmul.f32 v28, v63;
	v7 =	vmul.f32 v26, v32  }
0xc4: {  	v43 =	vadd.s32 v1, v25;
	v2 =	vadd.f32 v2, v5;
	v5 =	vmul.f32 v10, v51  }
0xc5: {  	v27 =	vmul.f32 v10, v9;
	v9 =	vadd.s32 v22, v33;
	v38 =	vand.u32 $0xFFFFFF80, v36  }
0xc6: {  	v40 =	vld.idx.msk [tilespmem:v30+s13+$0x0], $0xffff;
	v10 =	vmul.f32 v28, v32;
	v45 =	vand.u32 $0xFFFFFF80, v43;
	v32 =	vshll.u32 v54, $0x7  }
0xc7: {  	v3 =	vadd.f32 v50, v3;
	v53 =	vmul.f32 v8, v42;
	v8 =	vmul.f32 v8, v41  }
0xc8: {  	s30 =	sadd.s32 $0xFFFFFFEB, s24;
	v6 =	vor.u32 v34, v9;
	v9 =	vand.u32 $0x7F, v36;
	v15 =	vadd.s32 v39, v38  }
0xc9: {  	s28 =	sadd.s32 $0xFFFFFFEE, s24;
	v63 =	vld.idx.msk [tilespmem:v54+s13+$0x0], $0xffff;
	v42 =	vmov s30;
	v3 =	vsub.f32 v3, v53;
	v2 =	vadd.f32 v8, v2  }
0xca: {  	v35 =	vld.idx.msk [tilespmem:v47+s14+$0x0], $0xffff;
	v38 =	vmov s28;
	v9 =	vor.u32 v9, v15;
	v61 =	vshll.u32 v42, $0x7  }
0xcb: {  	v41 =	vld.idx.msk [tilespmem:v47+s15+$0x0], $0xffff;
	v47 =	vadd.s32 v0, v40;
	v2 =	vadd.f32 v2, v4;
	v3 =	vadd.f32 v62, v3  }
0xcc: {  	v52 =	vadd.s32 v1, v40;
	v48 =	vand.u32 $0xFFFFFF80, v47;
	v50 =	vand.u32 $0x7F, v47  }
0xcd: {  	s26 =	sadd.s32 $0xFFFFFFED, s24;
	v46 =	vld.idx.msk [tilespmem:v58+s14+$0x0], $0xffff;
	v53 =	vand.u32 $0xFFFFFF80, v52;
	v2 =	vadd.f32 v5, v2;
	v3 =	vsub.f32 v3, v27  }
0xce: {  	v29 =	vadd.s32 v0, v63;
	v4 =	vor.u32 v23, v24;
	v24 =	vmov s26;
	v6 =	vld.idx.msk [tilespmem:v6+s16+$0x0], $0xffff  }
0xcf: {  	s30 =	sadd.s32 $0xFFFFFFF0, s24;
	v11 =	vand.u32 $0x7F, v29;
	v51 =	vld.idx.msk [tilespmem:v42+s13+$0x0], $0xffff;
	v2 =	vadd.f32 v2, v31;
	v3 =	vadd.f32 v37, v3  }
0xd0: {  	s31 =	sadd.s32 $0xFFFFFFF1, s24;
	v9 =	vld.idx.msk [tilespmem:v9+s16+$0x0], $0xffff;
	v31 =	vand.u32 $0xFFFFFF80, v29;
	v37 =	vadd.s32 v1, v63;
	v63 =	vmov s30  }
0xd1: {  	v29 =	vmov s31;
	v40 =	vand.u32 $0xFFFFFF80, v37;
	v2 =	vadd.f32 v13, v2  }
0xd2: {  	v55 =	vld.idx.msk [tilespmem:v58+s15+$0x0], $0xffff;
	v3 =	vsub.f32 v3, v10;
	v10 =	vand.u32 $0x7F, v43;
	v13 =	vadd.s32 v39, v45  }
0xd3: {  	s29 =	sadd.s32 $0xFFFFFFEF, s24;
	v17 =	vmul.f32 v6, v41;
	v5 =	vmul.f32 v6, v35;
	v6 =	vadd.s32 v49, v53  }
0xd4: {  	v59 =	vadd.s32 v0, v51;
	v15 =	vadd.s32 v1, v51;
	v51 =	vmov s29  }
0xd5: {  	v4 =	vld.idx.msk [tilespmem:v4+s16+$0x0], $0xffff;
	v10 =	vor.u32 v10, v13;
	v13 =	vadd.s32 v49, v48;
	v57 =	vmul.f32 v9, v46  }
0xd6: {  	v36 =	vld.idx.msk [tilespmem:v24+s13+$0x0], $0xffff;
	v60 =	vand.u32 $0xFFFFFF80, v59;
	v62 =	vand.u32 $0xFFFFFF80, v15;
	v15 =	vand.u32 $0x7F, v15  }
0xd7: {  	v12 =	vld.idx.msk [tilespmem:v30+s15+$0x0], $0xffff;
	v27 =	vmul.f32 v9, v55;
	v49 =	vshll.u32 v24, $0x7;
	v2 =	vadd.f32 v2, v7  }
0xd8: {  	v48 =	vld.idx.msk [tilespmem:v38+s13+$0x0], $0xffff;
	v7 =	vor.u32 v50, v13;
	v13 =	vand.u32 $0x7F, v52;
	v16 =	vadd.s32 v61, v60  }
0xd9: {  	v58 =	vld.idx.msk [tilespmem:v30+s14+$0x0], $0xffff;
	v20 =	vadd.s32 v61, v62;
	v6 =	vor.u32 v13, v6;
	v13 =	vand.u32 $0x7F, v59  }
0xda: {  	v26 =	vld.idx.msk [tilespmem:v42+s14+$0x0], $0xffff;
	v44 =	vmul.f32 v4, v35;
	v2 =	vadd.f32 v5, v2;
	v4 =	vmul.f32 v4, v41  }
0xdb: {  	v28 =	vld.idx.msk [tilespmem:v42+s15+$0x0], $0xffff;
	v15 =	vor.u32 v15, v20;
	v13 =	vor.u32 v13, v16;
	v45 =	vadd.s32 v0, v36  }
0xdc: {  	v47 =	vand.u32 $0xFFFFFF80, v45;
	v59 =	vld.idx.msk [tilespmem:v51+s13+$0x0], $0xffff;
	v3 =	vadd.f32 v44, v3;
	v2 =	vadd.f32 v2, v4  }
0xdd: {  	s28 =	sadd.s32 $0xFFFFFFF3, s24;
	s26 =	sadd.s32 $0xFFFFFFF2, s24;
	v56 =	vld.idx.msk [tilespmem:v10+s16+$0x0], $0xffff;
	v10 =	vadd.s32 v1, v36;
	v8 =	vadd.s32 v49, v47;
	v9 =	vadd.s32 v1, v48  }
0xde: {  	v43 =	vld.idx.msk [tilespmem:v54+s14+$0x0], $0xffff;
	v36 =	vmov s26;
	v47 =	vmov s28;
	v50 =	vand.u32 $0xFFFFFF80, v10  }
0xdf: {  	v7 =	vld.idx.msk [tilespmem:v7+s16+$0x0], $0xffff;
	v10 =	vand.u32 $0x7F, v10;
	v60 =	vand.u32 $0xFFFFFF80, v9;
	v3 =	vsub.f32 v3, v17  }
0xe0: {  	v9 =	vand.u32 $0x7F, v9;
	v52 =	vadd.s32 v49, v50;
	v30 =	vld.idx.msk [tilespmem:v13+s16+$0x0], $0xffff;
	v13 =	vadd.s32 v32, v31  }
0xe1: {  	v6 =	vld.idx.msk [tilespmem:v6+s16+$0x0], $0xffff;
	v10 =	vor.u32 v10, v52;
	v3 =	vadd.f32 v57, v3;
	v35 =	vor.u32 v11, v13  }
0xe2: {  	v15 =	vld.idx.msk [tilespmem:v15+s16+$0x0], $0xffff;
	v11 =	vand.u32 $0x7F, v37;
	v62 =	vadd.s32 v0, v59;
	v22 =	vmul.f32 v56, v55  }
0xe3: {  	v53 =	vld.idx.msk [tilespmem:v54+s15+$0x0], $0xffff;
	v23 =	vmul.f32 v56, v46;
	v55 =	vadd.s32 v0, v48;
	v21 =	vand.u32 $0xFFFFFF80, v62  }
0xe4: {  	v61 =	vld.idx.msk [tilespmem:v38+s14+$0x0], $0xffff;
	v25 =	vmul.f32 v7, v58;
	v39 =	vmul.f32 v7, v12;
	v7 =	vadd.s32 v32, v40  }
0xe5: {  	v5 =	vld.idx.msk [tilespmem:v24+s15+$0x0], $0xffff;
	v57 =	vand.u32 $0xFFFFFF80, v55;
	v4 =	vand.u32 $0x7F, v55;
	v3 =	vsub.f32 v3, v22  }
0xe6: {  	v13 =	vld.idx.msk [tilespmem:v38+s15+$0x0], $0xffff;
	v2 =	vadd.f32 v23, v2;
	v33 =	vmul.f32 v6, v12;
	v34 =	vmul.f32 v6, v58  }
0xe7: {  	v56 =	vld.idx.msk [tilespmem:v24+s14+$0x0], $0xffff;
	v42 =	vmul.f32 v15, v26;
	v7 =	vor.u32 v11, v7;
	v44 =	vmul.f32 v15, v28  }
0xe8: {  	v12 =	vand.u32 $0x7F, v45;
	v58 =	vshll.u32 v38, $0x7;
	v22 =	vshll.u32 v51, $0x7;
	v11 =	vld.idx.msk [tilespmem:v63+s15+$0x0], $0xffff  }
0xe9: {  	v23 =	vadd.s32 v1, v59;
	v41 =	vmul.f32 v30, v26;
	v8 =	vor.u32 v12, v8;
	v10 =	vld.idx.msk [tilespmem:v10+s16+$0x0], $0xffff  }
0xea: {  	v15 =	vadd.s32 v58, v57;
	v26 =	vld.idx.msk [tilespmem:v63+s13+$0x0], $0xffff;
	v3 =	vadd.f32 v25, v3;
	v2 =	vadd.f32 v2, v27  }
0xeb: {  	v46 =	vmul.f32 v30, v28;
	v24 =	vand.u32 $0xFFFFFF80, v23;
	v57 =	vld.idx.msk [tilespmem:v47+s13+$0x0], $0xffff;
	v4 =	vor.u32 v4, v15  }
0xec: {  	v6 =	vld.idx.msk [tilespmem:v35+s16+$0x0], $0xffff;
	v15 =	vadd.s32 v58, v60;
	v3 =	vsub.f32 v3, v33;
	v2 =	vadd.f32 v34, v2  }
0xed: {  	v25 =	vand.u32 $0x7F, v23;
	v35 =	vld.idx.msk [tilespmem:v29+s13+$0x0], $0xffff;
	v9 =	vor.u32 v9, v15;
	v15 =	vadd.s32 v22, v21  }
0xee: {  	v34 =	vshll.u32 v63, $0x7;
	v7 =	vld.idx.msk [tilespmem:v7+s16+$0x0], $0xffff;
	v2 =	vadd.f32 v2, v39;
	v3 =	vadd.f32 v41, v3  }
0xef: {  	s29 =	sadd.s32 $0xFFFFFFF4, s24;
	v8 =	vld.idx.msk [tilespmem:v8+s16+$0x0], $0xffff;
	v12 =	vmul.f32 v10, v56;
	v10 =	vmul.f32 v10, v5;
	v32 =	vadd.s32 v0, v26  }
0xf0: {  	v38 =	vadd.s32 v1, v26;
	v41 =	vld.idx.msk [tilespmem:v63+s14+$0x0], $0xffff;
	v63 =	vmov s29;
	v23 =	vadd.s32 v0, v57  }
0xf1: {  	v54 =	vmul.f32 v6, v43;
	v6 =	vmul.f32 v6, v53;
	v2 =	vadd.f32 v42, v2  }
0xf2: {  	v4 =	vld.idx.msk [tilespmem:v4+s16+$0x0], $0xffff;
	v33 =	vand.u32 $0xFFFFFF80, v32;
	v3 =	vsub.f32 v3, v44;
	v42 =	vadd.s32 v0, v35  }
0xf3: {  	v39 =	vand.u32 $0xFFFFFF80, v38;
	v9 =	vld.idx.msk [tilespmem:v9+s16+$0x0], $0xffff;
	v45 =	vand.u32 $0xFFFFFF80, v42;
	v2 =	vadd.f32 v2, v46  }
0xf4: {  	v3 =	vadd.f32 v54, v3;
	v14 =	vmul.f32 v7, v43;
	v7 =	vmul.f32 v7, v53  }
0xf5: {  	v46 =	vshll.u32 v29, $0x7;
	v54 =	vshll.u32 v36, $0x7;
	v20 =	vmul.f32 v8, v56  }
0xf6: {  	v5 =	vmul.f32 v8, v5;
	v2 =	vadd.f32 v14, v2;
	v3 =	vsub.f32 v3, v7  }
0xf7: {  	v7 =	vand.u32 $0x7F, v62;
	v27 =	vmul.f32 v4, v61;
	v4 =	vmul.f32 v4, v13  }
0xf8: {  	v43 =	vld.idx.msk [tilespmem:v36+s13+$0x0], $0xffff;
	v7 =	vor.u32 v7, v15;
	v30 =	vmul.f32 v9, v13;
	v15 =	vadd.s32 v1, v35  }
0xf9: {  	v2 =	vadd.f32 v2, v6;
	v3 =	vadd.f32 v20, v3;
	v6 =	vmul.f32 v9, v61  }
0xfa: {  	v9 =	vand.u32 $0x7F, v32;
	v48 =	vand.u32 $0xFFFFFF80, v15;
	v49 =	vand.u32 $0x7F, v15  }
0xfb: {  	v31 =	vld.idx.msk [tilespmem:v51+s15+$0x0], $0xffff;
	v13 =	vadd.s32 v46, v48;
	v2 =	vadd.f32 v12, v2;
	v12 =	vadd.s32 v22, v24  }
0xfc: {  	v28 =	vld.idx.msk [tilespmem:v51+s14+$0x0], $0xffff;
	v3 =	vsub.f32 v3, v10;
	v10 =	vadd.s32 v34, v33;
	v8 =	vor.u32 v25, v12  }
0xfd: {  	v51 =	vadd.s32 v0, v43;
	v9 =	vor.u32 v9, v10;
	v2 =	vadd.f32 v2, v5;
	v7 =	vld.idx.msk [tilespmem:v7+s16+$0x0], $0xffff  }
0xfe: {  	v59 =	vadd.s32 v1, v43;
	v50 =	vor.u32 v49, v13;
	v53 =	vand.u32 $0xFFFFFF80, v51  }
0xff: {  	v58 =	vld.idx.msk [tilespmem:v29+s14+$0x0], $0xffff;
	v55 =	vand.u32 $0x7F, v51;
	v62 =	vand.u32 $0xFFFFFF80, v59;
	v2 =	vadd.f32 v6, v2  }
0x100: {  	v24 =	vand.u32 $0xFFFFFF80, v23;
	v10 =	vand.u32 $0x7F, v38;
	v56 =	vadd.s32 v54, v53;
	v12 =	vld.idx.msk [tilespmem:v29+s15+$0x0], $0xffff  }
0x101: {  	v25 =	vshll.u32 v47, $0x7;
	v3 =	vadd.f32 v27, v3;
	v8 =	vld.idx.msk [tilespmem:v8+s16+$0x0], $0xffff;
	v2 =	vadd.f32 v2, v4  }
0x102: {  	v4 =	vadd.s32 v34, v39;
	v44 =	vld.idx.msk [tilespmem:v9+s16+$0x0], $0xffff;
	v9 =	vadd.s32 v46, v45;
	v37 =	vmul.f32 v7, v28  }
0x103: {  	s30 =	sadd.s32 $0xFFFFFFF5, s24;
	v4 =	vor.u32 v10, v4;
	v10 =	vand.u32 $0x7F, v42;
	v6 =	vmul.f32 v7, v31;
	v7 =	vld.idx.msk [tilespmem:v50+s16+$0x0], $0xffff  }
0x104: {  	s31 =	sadd.s32 $0xFFFFFFF6, s24;
	v29 =	vmov s30;
	v3 =	vsub.f32 v3, v30;
	v9 =	vor.u32 v10, v9  }
0x105: {  	v51 =	vshll.u32 v29, $0x7;
	v39 =	vshll.u32 v63, $0x7;
	v46 =	vmov s31  }
0x106: {  	v10 =	vand.u32 $0x7F, v59;
	v3 =	vadd.f32 v37, v3;
	v40 =	vmul.f32 v8, v31  }
0x107: {  	v5 =	vmul.f32 v8, v28;
	v52 =	vmul.f32 v44, v41;
	v28 =	vld.idx.msk [tilespmem:v63+s13+$0x0], $0xffff;
	v31 =	vadd.s32 v1, v57  }
0x108: {  	v4 =	vld.idx.msk [tilespmem:v4+s16+$0x0], $0xffff;
	v27 =	vmul.f32 v7, v58;
	v7 =	vmul.f32 v7, v12;
	v33 =	vand.u32 $0xFFFFFF80, v31  }
0x109: {  	v3 =	vsub.f32 v3, v40;
	v2 =	vadd.f32 v5, v2;
	v61 =	vld.idx.msk [tilespmem:v9+s16+$0x0], $0xffff;
	v9 =	vadd.s32 v54, v62  }
0x10a: {  	v16 =	vld.idx.msk [tilespmem:v36+s15+$0x0], $0xffff;
	v8 =	vand.u32 $0x7F, v31;
	v5 =	vmul.f32 v44, v11;
	v9 =	vor.u32 v10, v9  }
0x10b: {  	v40 =	vld.idx.msk [tilespmem:v29+s13+$0x0], $0xffff;
	v10 =	vand.u32 $0x7F, v23;
	v2 =	vadd.f32 v2, v6;
	v3 =	vadd.f32 v52, v3  }
0x10c: {  	v22 =	vld.idx.msk [tilespmem:v36+s14+$0x0], $0xffff;
	v6 =	vor.u32 v55, v56;
	v36 =	vadd.s32 v0, v28;
	v43 =	vadd.s32 v1, v28  }
0x10d: {  	v49 =	vld.idx.msk [tilespmem:v63+s14+$0x0], $0xffff;
	v60 =	vmul.f32 v4, v11;
	v4 =	vmul.f32 v4, v41;
	v11 =	vadd.s32 v25, v24  }
0x10e: {  	v13 =	vld.idx.msk [tilespmem:v29+s15+$0x0], $0xffff;
	v38 =	vand.u32 $0xFFFFFF80, v36;
	v41 =	vand.u32 $0x7F, v36;
	v26 =	vmul.f32 v61, v58  }
0x10f: {  	v55 =	vld.idx.msk [tilespmem:v46+s13+$0x0], $0xffff;
	v10 =	vor.u32 v10, v11;
	v30 =	vmul.f32 v61, v12;
	v12 =	vadd.s32 v25, v33  }
0x110: {  	s26 =	sadd.s32 $0xFFFFFFF7, s24;
	s28 =	sadd.s32 $0xFFFFFFF8, s24;
	v42 =	vadd.s32 v39, v38;
	v11 =	vand.u32 $0xFFFFFF80, v43;
	v48 =	vadd.s32 v0, v40;
	v58 =	vld.idx.msk [tilespmem:v63+s15+$0x0], $0xffff  }
0x111: {  	s29 =	sadd.s32 $0xFFFFFFF9, s24;
	v19 =	vadd.s32 v1, v40;
	v61 =	vld.idx.msk [tilespmem:v29+s14+$0x0], $0xffff;
	v63 =	vmov s26;
	v29 =	vmov s28  }
0x112: {  	v33 =	vmov s29;
	v3 =	vsub.f32 v3, v60;
	v2 =	vadd.f32 v4, v2  }
0x113: {  	v9 =	vld.idx.msk [tilespmem:v9+s16+$0x0], $0xffff;
	v8 =	vor.u32 v8, v12;
	v11 =	vadd.s32 v39, v11;
	v52 =	vand.u32 $0xFFFFFF80, v19  }
0x114: {  	v34 =	vld.idx.msk [tilespmem:v47+s14+$0x0], $0xffff;
	v50 =	vand.u32 $0xFFFFFF80, v48;
	v53 =	vand.u32 $0x7F, v19;
	v17 =	vadd.s32 v51, v52  }
0x115: {  	v6 =	vld.idx.msk [tilespmem:v6+s16+$0x0], $0xffff;
	v23 =	vadd.s32 v0, v55;
	v2 =	vadd.f32 v2, v5;
	v3 =	vadd.f32 v26, v3  }
0x116: {  	v45 =	vld.idx.msk [tilespmem:v47+s15+$0x0], $0xffff;
	v52 =	vshll.u32 v33, $0x7;
	v25 =	vand.u32 $0xFFFFFF80, v23;
	v26 =	vshll.u32 v46, $0x7  }
0x117: {  	v31 =	vld.idx.msk [tilespmem:v46+s14+$0x0], $0xffff;
	v15 =	vadd.s32 v26, v25;
	v2 =	vadd.f32 v27, v2;
	v3 =	vsub.f32 v3, v7  }
0x118: {  	v35 =	vld.idx.msk [tilespmem:v10+s16+$0x0], $0xffff;
	v10 =	vand.u32 $0x7F, v43;
	v37 =	vmul.f32 v9, v16;
	v4 =	vmul.f32 v9, v22  }
0x119: {  	v28 =	vld.idx.msk [tilespmem:v63+s13+$0x0], $0xffff;
	v9 =	vor.u32 v41, v42;
	v10 =	vor.u32 v10, v11;
	v11 =	vand.u32 $0x7F, v48  }
0x11a: {  	v8 =	vld.idx.msk [tilespmem:v8+s16+$0x0], $0xffff;
	v32 =	vmul.f32 v6, v22;
	v2 =	vadd.f32 v2, v30;
	v44 =	vmul.f32 v6, v16  }
0x11b: {  	v41 =	vld.idx.msk [tilespmem:v33+s13+$0x0], $0xffff;
	v16 =	vadd.s32 v51, v50;
	v6 =	vand.u32 $0x7F, v23;
	v30 =	vadd.s32 v1, v55  }
0x11c: {  	v12 =	vld.idx.msk [tilespmem:v46+s15+$0x0], $0xffff;
	v11 =	vor.u32 v11, v16;
	v16 =	vor.u32 v53, v17;
	v3 =	vadd.f32 v32, v3  }
0x11d: {  	v2 =	vadd.f32 v4, v2;
	v47 =	vmul.f32 v35, v34;
	v59 =	vmul.f32 v35, v45;
	v35 =	vld.idx.msk [tilespmem:v29+s13+$0x0], $0xffff  }
0x11e: {  	v6 =	vor.u32 v6, v15;
	v32 =	vand.u32 $0xFFFFFF80, v30;
	v3 =	vsub.f32 v3, v37;
	v9 =	vld.idx.msk [tilespmem:v9+s16+$0x0], $0xffff  }
0x11f: {  	v54 =	vmul.f32 v8, v45;
	v2 =	vadd.f32 v2, v44;
	v56 =	vmul.f32 v8, v34;
	v57 =	vld.idx.msk [tilespmem:v10+s16+$0x0], $0xffff  }
0x120: {  	v46 =	vld.idx.msk [tilespmem:v63+s14+$0x0], $0xffff;
	v34 =	vadd.s32 v0, v28;
	v37 =	vshll.u32 v63, $0x7;
	v50 =	vadd.s32 v0, v41  }
0x121: {  	v36 =	vand.u32 $0xFFFFFF80, v34;
	v3 =	vadd.f32 v47, v3;
	v2 =	vadd.f32 v56, v2;
	v62 =	vld.idx.msk [tilespmem:v11+s16+$0x0], $0xffff  }
0x122: {  	s31 =	sadd.s32 $0xFFFFFFFB, s24;
	v45 =	vshll.u32 v29, $0x7;
	v51 =	vand.u32 $0xFFFFFF80, v50;
	v22 =	vld.idx.msk [tilespmem:v16+s16+$0x0], $0xffff;
	v16 =	vadd.s32 v37, v36  }
0x123: {  	v11 =	vld.idx.msk [tilespmem:v63+s15+$0x0], $0xffff;
	v63 =	vmov s31;
	v3 =	vsub.f32 v3, v54;
	v2 =	vadd.f32 v2, v59  }
0x124: {  	v43 =	vadd.s32 v0, v35;
	v60 =	vmul.f32 v9, v49;
	v24 =	vmul.f32 v57, v49  }
0x125: {  	s30 =	sadd.s32 $0xFFFFFFFA, s24;
	v6 =	vld.idx.msk [tilespmem:v6+s16+$0x0], $0xffff;
	v5 =	vmul.f32 v57, v58;
	v8 =	vmul.f32 v9, v58;
	v9 =	vadd.s32 v1, v28  }
0x126: {  	v44 =	vand.u32 $0xFFFFFF80, v43;
	v57 =	vmov s30;
	v38 =	vand.u32 $0xFFFFFF80, v9  }
0x127: {  	v9 =	vand.u32 $0x7F, v9;
	v17 =	vadd.s32 v45, v44;
	v3 =	vadd.f32 v60, v3  }
0x128: {  	v2 =	vadd.f32 v24, v2;
	v27 =	vmul.f32 v62, v61;
	v7 =	vmul.f32 v22, v61  }
0x129: {  	v4 =	vmul.f32 v22, v13;
	v10 =	vmul.f32 v62, v13;
	v39 =	vadd.s32 v37, v38  }
0x12a: {  	v42 =	vmul.f32 v6, v31;
	v13 =	vadd.s32 v1, v35;
	v40 =	vor.u32 v9, v39  }
0x12b: {  	s26 =	sadd.s32 $0xFFFFFFFC, s24;
	v47 =	vand.u32 $0xFFFFFF80, v13;
	v3 =	vsub.f32 v3, v5;
	v2 =	vadd.f32 v2, v8  }
0x12c: {  	v53 =	vld.idx.msk [tilespmem:v29+s14+$0x0], $0xffff;
	v5 =	vand.u32 $0x7F, v30;
	v8 =	vadd.s32 v26, v32;
	v26 =	vmov s26  }
0x12d: {  	v59 =	vld.idx.msk [tilespmem:v29+s15+$0x0], $0xffff;
	v13 =	vand.u32 $0x7F, v13;
	v48 =	vadd.s32 v45, v47;
	v5 =	vor.u32 v5, v8  }
0x12e: {  	v25 =	vld.idx.msk [tilespmem:v63+s13+$0x0], $0xffff;
	v8 =	vand.u32 $0x7F, v34;
	v49 =	vor.u32 v13, v48;
	v3 =	vadd.f32 v27, v3  }
0x12f: {  	v6 =	vmul.f32 v6, v12;
	v9 =	vadd.s32 v1, v41;
	v21 =	vld.idx.msk [tilespmem:v57+s13+$0x0], $0xffff;
	v8 =	vor.u32 v8, v16  }
0x130: {  	v39 =	vshll.u32 v63, $0x7;
	v62 =	vand.u32 $0xFFFFFF80, v9;
	v3 =	vsub.f32 v3, v4;
	v4 =	vld.idx.msk [tilespmem:v40+s16+$0x0], $0xffff  }
0x131: {  	v9 =	vand.u32 $0x7F, v9;
	v2 =	vadd.f32 v7, v2;
	v16 =	vand.u32 $0x7F, v43;
	v36 =	vld.idx.msk [tilespmem:v26+s13+$0x0], $0xffff  }
0x132: {  	v13 =	vand.u32 $0x7F, v50;
	v48 =	vshll.u32 v26, $0x7;
	v16 =	vor.u32 v16, v17;
	v5 =	vld.idx.msk [tilespmem:v5+s16+$0x0], $0xffff  }
0x133: {  	v17 =	vadd.s32 v52, v51;
	v35 =	vadd.s32 v0, v25;
	v2 =	vadd.f32 v2, v10;
	v10 =	vld.idx.msk [tilespmem:v49+s16+$0x0], $0xffff  }
0x134: {  	v54 =	vor.u32 v13, v17;
	v38 =	vand.u32 $0xFFFFFF80, v35;
	v40 =	vand.u32 $0x7F, v35;
	v8 =	vld.idx.msk [tilespmem:v8+s16+$0x0], $0xffff  }
0x135: {  	v41 =	vadd.s32 v39, v38;
	v3 =	vadd.f32 v42, v3;
	v29 =	vadd.s32 v0, v21  }
0x136: {  	v30 =	vand.u32 $0xFFFFFF80, v29;
	v58 =	vmul.f32 v4, v46;
	v4 =	vmul.f32 v4, v11  }
0x137: {  	v56 =	vld.idx.msk [tilespmem:v16+s16+$0x0], $0xffff;
	v45 =	vadd.s32 v0, v36;
	v7 =	vmul.f32 v5, v31;
	v5 =	vmul.f32 v5, v12  }
0x138: {  	v22 =	vmul.f32 v10, v53;
	v23 =	vmul.f32 v10, v59;
	v31 =	vshll.u32 v57, $0x7  }
0x139: {  	v10 =	vand.u32 $0x7F, v29;
	v47 =	vand.u32 $0xFFFFFF80, v45;
	v55 =	vmul.f32 v8, v46  }
0x13a: {  	s28 =	sadd.s32 $0xFFFFFFFD, s24;
	v61 =	vld.idx.msk [tilespmem:v33+s14+$0x0], $0xffff;
	v60 =	vmul.f32 v8, v11;
	v11 =	vadd.s32 v52, v62;
	v13 =	vadd.s32 v31, v30  }
0x13b: {  	v24 =	vld.idx.msk [tilespmem:v33+s15+$0x0], $0xffff;
	v8 =	vor.u32 v40, v41;
	v46 =	vmov s28;
	v2 =	vadd.f32 v7, v2  }
0x13c: {  	v12 =	vld.idx.msk [tilespmem:v54+s16+$0x0], $0xffff;
	v3 =	vsub.f32 v3, v5;
	v20 =	vmul.f32 v56, v53;
	v9 =	vor.u32 v9, v11  }
0x13d: {  	s30 =	sadd.s32 $0xFFFFFFFF, s24;
	v49 =	vld.idx.msk [tilespmem:v63+s14+$0x0], $0xffff;
	v5 =	vmul.f32 v56, v59;
	v11 =	vadd.s32 v1, v21;
	v10 =	vor.u32 v10, v13  }
0x13e: {  	v54 =	vld.idx.msk [tilespmem:v63+s15+$0x0], $0xffff;
	v13 =	vadd.s32 v1, v36;
	v63 =	vshll.u32 v46, $0x7;
	v21 =	vmov s30  }
0x13f: {  	v32 =	vand.u32 $0xFFFFFF80, v11;
	v11 =	vand.u32 $0x7F, v11;
	v50 =	vand.u32 $0xFFFFFF80, v13  }
0x140: {  	v2 =	vadd.f32 v2, v6;
	v3 =	vadd.f32 v55, v3;
	v33 =	vadd.s32 v31, v32  }
0x141: {  	v42 =	vld.idx.msk [tilespmem:v57+s14+$0x0], $0xffff;
	v13 =	vand.u32 $0x7F, v13;
	v28 =	vmul.f32 v12, v61;
	v34 =	vor.u32 v11, v33  }
0x142: {  	v2 =	vadd.f32 v58, v2;
	v3 =	vsub.f32 v3, v4;
	v4 =	vadd.s32 v1, v25;
	v8 =	vld.idx.msk [tilespmem:v8+s16+$0x0], $0xffff  }
0x143: {  	v11 =	vand.u32 $0x7F, v45;
	v6 =	vmul.f32 v12, v24;
	v53 =	vld.idx.msk [tilespmem:v46+s13+$0x0], $0xffff;
	v44 =	vand.u32 $0xFFFFFF80, v4  }
0x144: {  	s29 =	sadd.s32 $0xFFFFFFFE, s24;
	v27 =	vld.idx.msk [tilespmem:v9+s16+$0x0], $0xffff;
	v4 =	vand.u32 $0x7F, v4;
	v2 =	vadd.f32 v2, v60;
	v3 =	vadd.f32 v20, v3  }
0x145: {  	v43 =	vld.idx.msk [tilespmem:v10+s16+$0x0], $0xffff;
	v10 =	vadd.s32 v39, v44;
	v60 =	vmov s29;
	v39 =	vshll.u32 v21, $0x7  }
0x146: {  	v4 =	vor.u32 v4, v10;
	v10 =	vadd.s32 v48, v47;
	v33 =	vshll.u32 v60, $0x7  }
0x147: {  	v16 =	vld.idx.msk [tilespmem:v57+s15+$0x0], $0xffff;
	v2 =	vadd.f32 v22, v2;
	v10 =	vor.u32 v11, v10;
	v11 =	vadd.s32 v48, v50  }
0x148: {  	v30 =	vld.idx.msk [tilespmem:v21+s13+$0x0], $0xffff;
	v3 =	vsub.f32 v3, v23;
	v11 =	vor.u32 v13, v11;
	v55 =	vmul.f32 v8, v49  }
0x149: {  	v9 =	vld.idx.msk [tilespmem:v34+s16+$0x0], $0xffff;
	v59 =	vadd.s32 v0, v53;
	v2 =	vadd.f32 v2, v5;
	v37 =	vmul.f32 v27, v24  }
0x14a: {  	v3 =	vadd.f32 v28, v3;
	v5 =	vmul.f32 v27, v61;
	v51 =	vmul.f32 v43, v42  }
0x14b: {  	v62 =	vand.u32 $0xFFFFFF80, v59;
	v27 =	vadd.s32 v1, v53;
	v28 =	vmov s24  }
0x14c: {  	v15 =	vadd.s32 v63, v62;
	v23 =	vld.idx.msk [tilespmem:v60+s13+$0x0], $0xffff;
	v29 =	vand.u32 $0xFFFFFF80, v27;
	v44 =	vshll.u32 v28, $0x7  }
0x14d: {  	v3 =	vsub.f32 v3, v37;
	v2 =	vadd.f32 v5, v2;
	v4 =	vld.idx.msk [tilespmem:v4+s16+$0x0], $0xffff;
	v5 =	vmul.f32 v43, v16  }
0x14e: {  	v37 =	vadd.s32 v0, v30;
	v52 =	vmul.f32 v9, v42;
	v9 =	vmul.f32 v9, v16  }
0x14f: {  	v57 =	vld.idx.msk [tilespmem:v10+s16+$0x0], $0xffff;
	v10 =	vand.u32 $0x7F, v59;
	v2 =	vadd.f32 v2, v6;
	v3 =	vadd.f32 v51, v3  }
0x150: {  	v38 =	vand.u32 $0xFFFFFF80, v37;
	v14 =	vand.u32 $0x7F, v37;
	v6 =	vmul.f32 v8, v54  }
0x151: {  	v56 =	vld.idx.msk [tilespmem:v26+s14+$0x0], $0xffff;
	v19 =	vor.u32 v10, v15;
	v2 =	vadd.f32 v52, v2;
	v3 =	vsub.f32 v3, v9  }
0x152: {  	v58 =	vld.idx.msk [tilespmem:v11+s16+$0x0], $0xffff;
	v8 =	vand.u32 $0x7F, v27;
	v31 =	vadd.s32 v0, v23;
	v61 =	vmul.f32 v4, v49  }
0x153: {  	v7 =	vld.idx.msk [tilespmem:v26+s15+$0x0], $0xffff;
	v4 =	vmul.f32 v4, v54;
	v2 =	vadd.f32 v2, v5;
	v3 =	vadd.f32 v55, v3  }
0x154: {  	v12 =	vadd.s32 v1, v23;
	v32 =	vand.u32 $0xFFFFFF80, v31;
	v13 =	vand.u32 $0x7F, v31  }
0x155: {  	v36 =	vld.idx.msk [tilespmem:v28+s13+$0x0], $0xffff;
	v2 =	vadd.f32 v61, v2;
	v3 =	vsub.f32 v3, v4;
	v4 =	vadd.s32 v63, v29  }
0x156: {  	v35 =	vand.u32 $0xFFFFFF80, v12;
	v12 =	vand.u32 $0x7F, v12;
	v4 =	vor.u32 v8, v4  }
0x157: {  	v20 =	vmul.f32 v57, v56;
	v22 =	vmul.f32 v58, v56;
	v2 =	vadd.f32 v2, v6  }
0x158: {  	v25 =	vld.idx.msk [tilespmem:v46+s14+$0x0], $0xffff;
	v5 =	vmul.f32 v57, v7;
	v24 =	vmul.f32 v58, v7;
	v8 =	vadd.s32 v33, v32  }
0x159: {  	v26 =	vld.idx.msk [tilespmem:v19+s16+$0x0], $0xffff;
	v8 =	vor.u32 v13, v8;
	v13 =	vadd.s32 v33, v35;
	v2 =	vadd.f32 v22, v2  }
0x15a: {  	v42 =	vadd.s32 v0, v36;
	v16 =	vadd.s32 v1, v36;
	v12 =	vor.u32 v12, v13  }
0x15b: {  	v43 =	vand.u32 $0xFFFFFF80, v42;
	v2 =	vadd.f32 v2, v5;
	v4 =	vld.idx.msk [tilespmem:v4+s16+$0x0], $0xffff;
	v5 =	vadd.s32 v1, v30  }
0x15c: {  	v17 =	vld.idx.msk [tilespmem:v46+s15+$0x0], $0xffff;
	v3 =	vadd.f32 v20, v3;
	v13 =	vadd.s32 v39, v38;
	v40 =	vand.u32 $0xFFFFFF80, v5  }
0x15d: {  	v41 =	vld.idx.msk [tilespmem:v60+s14+$0x0], $0xffff;
	v13 =	vor.u32 v14, v13;
	v5 =	vand.u32 $0x7F, v5;
	v14 =	vadd.s32 v39, v40  }
0x15e: {  	v3 =	vsub.f32 v3, v24;
	v34 =	vmul.f32 v26, v25;
	v8 =	vld.idx.msk [tilespmem:v8+s16+$0x0], $0xffff;
	v5 =	vor.u32 v5, v14  }
0x15f: {  	v18 =	vand.u32 $0x7F, v42;
	v45 =	vand.u32 $0xFFFFFF80, v16;
	v16 =	vand.u32 $0x7F, v16;
	v12 =	vld.idx.msk [tilespmem:v12+s16+$0x0], $0xffff  }
0x160: {  	v11 =	vld.idx.msk [tilespmem:v60+s15+$0x0], $0xffff;
	v3 =	vadd.f32 v34, v3;
	v14 =	vadd.s32 v44, v43;
	v6 =	vmul.f32 v4, v25  }
0x161: {  	v46 =	vld.idx.msk [tilespmem:v21+s14+$0x0], $0xffff;
	v14 =	vor.u32 v18, v14;
	v18 =	vadd.s32 v44, v45;
	v4 =	vmul.f32 v4, v17  }
0x162: {  	v47 =	vmul.f32 v26, v17;
	v13 =	vld.idx.msk [tilespmem:v13+s16+$0x0], $0xffff;
	v48 =	vor.u32 v16, v18;
	v2 =	vadd.f32 v6, v2  }
0x163: {  	v49 =	vmul.f32 v8, v41;
	v3 =	vsub.f32 v3, v4;
	v5 =	vld.idx.msk [tilespmem:v5+s16+$0x0], $0xffff  }
0x164: {  	v10 =	vld.idx.msk [tilespmem:v21+s15+$0x0], $0xffff;
	v50 =	vmul.f32 v12, v41;
	v2 =	vadd.f32 v2, v47  }
0x165: {  	v52 =	vld.idx.msk [tilespmem:v28+s14+$0x0], $0xffff;
	v51 =	vmul.f32 v12, v11;
	v3 =	vadd.f32 v49, v3  }
0x166: {  	v53 =	vmul.f32 v8, v11;
	v54 =	vld.idx.msk [tilespmem:v14+s16+$0x0], $0xffff;
	v2 =	vadd.f32 v50, v2  }
0x167: {  	v55 =	vmul.f32 v13, v46;
	v7 =	vld.idx.msk [tilespmem:v48+s16+$0x0], $0xffff;
	v3 =	vsub.f32 v3, v51  }
0x168: {  	v9 =	vld.idx.msk [tilespmem:v28+s15+$0x0], $0xffff;
	v2 =	vadd.f32 v2, v53;
	v56 =	vmul.f32 v5, v46  }
0x169: {  	v3 =	vadd.f32 v55, v3;
	v57 =	vmul.f32 v5, v10  }
0x16a: {  	v58 =	vmul.f32 v13, v10;
	v2 =	vadd.f32 v56, v2  }
0x16b: {  	s31 =	sshll.u32 s23, $0x7;
	v59 =	vmul.f32 v54, v52;
	v3 =	vsub.f32 v3, v57  }
0x16c: {  	v61 =	vor.u32 s31, v0;
	v60 =	vmul.f32 v7, v52;
	v2 =	vadd.f32 v2, v58  }
0x16d: {  	p0 =	sne.s32 s24, $0x2FF;
	v62 =	vmul.f32 v7, v9;
	v3 =	vadd.f32 v59, v3  }
.Ltmp0:
0x16e: {  	v63 =	vmul.f32 v54, v9;
	v2 =	vadd.f32 v60, v2;
	(pc) =	sbr.rel @p0 .LBB2_3-.Ltmp0, $4  }
0x16f: {  	v3 =	vsub.f32 v3, v62  }
0x170: {  	v2 =	vadd.f32 v2, v63  }
0x171: {  	[tilespmem:v61+s18+$0x0] =	vst.idx.msk $0xffff, v3  }
0x172: {  	s23 =	sadd.s32 $0x1, s23;
	s24 =	sadd.s32 $0x30, s24;
	[tilespmem:v61+s19+$0x0] =	vst.idx.msk $0xffff, v2  }
0x173: {  	s22 =	sshll.u32 s22, $0x4  }
0x174: {  	s23 =	sadd.s32 s8, s22  }
0x175: {  	[hbm4b:s23+s1] =	stream.linear.scatter [tilespmem:s18], [sflag:$0x2], $0x800, $0x38;
	[tilespmem:$0x19C00] =	vst v63  }
0x176: {  	s21 =	sadd.s32 $0x1, s21;
	_ =	swait.ge [sflag:s12], $0x800  }
0x177: {  	p0 =	sne.s32 s21, $0x48;
	[sflag:s12] =	ssyncset.done $0x0  }
.Ltmp1:
0x178: {  	s22 =	sadd.s32 s9, s22;
	[sflag:s12] =	ssyncadd.s32 $0xFFFFF800;
	(pc) =	sbr.rel @p0 .LBB2_2-.Ltmp1, $4  }
0x179: {  	[hbm4b:s22+s1] =	stream.linear.scatter [tilespmem:s19], [sflag:$0x2], $0x800, $0x38;
	[tilespmem:$0x19C00] =	vst v63  }
0x17a: {  	_ =	swait.ge [sflag:s12], $0x800  }
0x17b: {  	[sflag:s12] =	ssyncset.done $0x0  }
0x17c: {  	[sflag:s12] =	ssyncadd.s32 $0xFFFFF800  }
0x17d: {  	s20 =	sadd.s32 $0x1, s20  }
0x17e: {  	p0 =	sne.s32 s20, s11  }
.Ltmp2:
0x17f: {  	_ = 	snop;
	(pc) =	sbr.rel @p0 .LBB2_1-.Ltmp2, $1  }
0x180: {  	_ =	sdelay $0x3  }
0x181: {  	_ =	sfence.sel $0x180000  }
0x182: {  	[bflag:$0x0] =	sbarrier.arrive $0xFFFF  }
0x183: {  	p0 =	sne.s32 s3, $0x0;
	_ =	strace $0x90000050  }
0x184: {  	s0 =	sadd.s32 @!p0 $0x100000, s0;
	[bflag:$0x2] =	sbarrier.arrive $0xFFFF  }
0x185: {  	[sflag:s0] =	ssyncadd.tile.s32 @!p0 $0x1;
	_ =	shalt  }
.Lfunc_end2:
_tile_overlayer_lowered:
.L_overlay_start_2:
0x186: {  	(tag) =	ssettag $0x2  }
0x187: {  	s0 =	rddreg [dreg:$0x0];
	s2 =	stileid.u32  }
0x188: {  	s1 =	rddreg [dreg:$0x1];
	p0 =	sne.s32 s2, $0x0  }
0x189: {  	s3 =	rddreg [dreg:$0x2];
	[bflag:$0x3] =	sbarrier.arrive $0xFFFF;
	s2 =	simm.s32 @!p0 $0x1C02  }
0x18a: {  	[timem:s3], [sflag:s2] =	dma.local @!p0 [hbm:s0], s1  }
0x18b: {  	s0 =	simm.s32 @!p0 $0x2  }
0x18c: {  	_ =	swait.ge @!p0 [sflag:s0], s1  }
0x18d: {  	s1 =	ssub.s32 @!p0 $0x0, s1;
	[sflag:s0] =	ssyncset.done @!p0 $0x0  }
0x18e: {  	[sflag:s0] =	ssyncadd.s32 @!p0 s1  }
0x18f: {  	[bflag:$0x3] =	sbarrier.arrive $0xFFFF  }
0x190: {  	_ =	shalt  }

// kernel: sparse-core-data-format-call.1.cloned.1.call-start
scs
called_computation.1_lowered:
.L_overlay_start_0:
0x0: {  	s1 =	sld [smem:$0x3FD9]  }
0x1: {  	s2 =	sld [smem:$0x3FFE];
	_ =	sdelay $0x1  }
0x2: {  	s3 =	srdreg.scid  }
0x3: {  	s0 =	sand.u32 $0x1, s3  }
0x4: {  	s17 =	sshll.u32 s0, $0xA;
	s1 =	sadd.s32 s2, s1  }
0x5: {  	s1 =	sadd.s32 s1, s17  }
0x6: {  	[smem:$0x3FBE] =	sst s1  }
0x7: {  	_ = 	snop  }
0x8: {  	(tm) =	ssettm $0x1  }
0x9: {  	s18 =	sld [smem:$0x3FFB];
	_ =	sdelay $0x3  }
0xa: {  	_ =	strace s18  }
0xb: {  	s1 =	sld [smem:$0x3FFC];
	_ =	sdelay $0x3  }
0xc: {  	_ =	strace s1  }
0xd: {  	s1 =	sld [smem:$0x3FFD];
	_ =	sdelay $0x3  }
0xe: {  	_ =	strace s1  }
0xf: {  	_ =	strace $0x8FFFFFFF  }
0x10: {  	s19 =	sld [smem:$0x3FDB];
	_ =	sdelay $0x1  }
0x11: {  	s20 =	simm.s32 $_scs_section_size  }
0x12: {  	s4 =	simm.s32 $_size__tile_overlayer_lowered;
	s5 =	simm.s32 $_tile_overlayer_lowered  }
0x13: {  	s23 =	simm.s32 $0x1BFF;
	s22 =	sshll.u32 s5, $0x1;
	s1 =	sadd.s32 s20, s19  }
0x14: {  	s6 =	simm.s32 $0x0;
	s21 =	sshll.u32 s4, $0x1;
	s4 =	sadd.s32 s22, s1  }
0x15: {  	[timem:s6], [sflag:s23] =	dma.local [hbm:s4], s21  }
0x16: {  	_ =	swait.ge [sflag:s23], s21  }
0x17: {  	s2 =	ssub.s32 $0x0, s21;
	[sflag:s23] =	ssyncset.done $0x0  }
0x18: {  	[sflag:s23] =	ssyncadd.s32 s2;
	_ =	sdelay $0x1  }
0x19: {  	s24 =	simm.s32 $0x1B8B  }
0x1a: {  	_ =	swait.ge [sflag:s24], $0x1  }
0x1b: {  	[sflag:s24] =	ssyncset.done $0x0  }
0x1c: {  	s26 =	simm.s32 $0x1B8E;
	s25 =	sld [smem:$0x3FFE];
	[sflag:s24] =	ssyncadd.s32 $0xFFFFFFFF  }
0x1d: {  	s27 =	simm.s32 $execute0_lowered;
	[smem:$0x3FD2] =	sst s26  }
0x1e: {  	s4 =	sshll.u32 s27, $0x1;
	_ =	strace $0x80000046;
	[dreg:$0x1] =	wrdreg $0xFFFFFFFF  }
0x1f: {  	s28 =	simm.s32 $_size_execute0_lowered;
	s1 =	sadd.s32 s1, s4;
	[dreg:$0x0] =	wrdreg $0x0  }
0x20: {  	s4 =	sshll.u32 s28, $0x1;
	[dreg:$0x2] =	wrdreg s1  }
0x21: {  	[dreg:$0x3] =	wrdreg s4  }
0x22: {  	[dreg:$0x4] =	wrdreg $0xC0  }
0x23: {  	_ =	task [dreg:s6], $0x5FFFF  }
0x24: {  	[dreg:$0x1] =	wrdreg $0xFFFFFFFF  }
0x25: {  	[dreg:$0x0] =	wrdreg $0x60  }
0x26: {  	[dreg:$0x2] =	wrdreg s25  }
0x27: {  	[dreg:$0x3] =	wrdreg $0x9  }
0x28: {  	_ =	task.clear_ibuf [dreg:s6], $0x4FFFF;
	_ =	strace $0x90000046  }
0x29: {  	s29 =	simm.s32 $0x9;
	_ =	strace $0x80000048  }
0x2a: {  	_ =	swait.ge [sflag:s29], $0x1  }
0x2b: {  	[sflag:s29] =	ssyncadd.s32 $0xFFFFFFFF  }
0x2c: {  	_ =	strace $0x90000048  }
0x2d: {  	_ =	sfence  }
0x2e: {  	s30 =	sld [smem:$0x0];
	_ =	sdelay $0x2  }
0x2f: {  	s31 =	sshll.u32 s3, $0xD;
	s3 =	sshrl.u32 s3, $0x2  }
0x30: {  	s2 =	sand.u32 $0x4000, s31;
	s1 =	sadd.s32 s3, s30  }
0x31: {  	s0 =	sor.u32 s2, s0;
	s1 =	sshll.u32 s1, $0x11  }
0x32: {  	s0 =	sor.u32 s1, s0  }
0x33: {  	s0 =	sadd.s32 $0x8F2B, s0  }
0x34: {  	[sflag:s0] =	ssyncadd.remote.s32 $0x1  }
0x35: {  	_ =	sfence.sel $0xFFFF  }
0x36: {  	[dreg:$0x0] =	wrdreg $0xFFFFFFFF;
	(pc) =	sbr.abs _section_cstart, $3  }
0x37: {  	[dreg:$0x1] =	wrdreg $0xFFFFFFFF  }
0x38: {  	_ =	task.clear_ibuf [dreg:s6], $0x2FFFF;
	_ =	strace $0x9FFFFFFF  }
0x39: {  	(tm) =	ssettm $0x7FFFFFFF  }
tec
execute0_lowered:
.L_overlay_start_1:
0x0: {  	(tag) =	ssettag $0x1  }
0x1: {  	s7 =	rddreg [dreg:$0x0];
	s1 =	stileid.u32  }
0x2: {  	s0 =	rddreg [dreg:$0x1];
	s4 =	srdreg.scid;
	_ =	strace $0x80000047  }
0x3: {  	s31 =	simm.s32 $0x2;
	s17 =	simm.s32 $0x0;
	s11 =	simm.s32 $0x400  }
0x4: {  	s12 =	simm.s32 $0x0;
	s19 =	simm.s32 $0x0;
	s3 =	sshll.u32 s1, $0x6  }
0x5: {  	s2 =	sand.u32 $0x1, s1;
	s5 =	sshll.u32 s1, $0x4;
	s4 =	sshll.u32 s4, $0x8  }
0x6: {  	s3 =	sand.u32 $0x180, s3;
	s4 =	sor.u32 s5, s4;
	s27 =	ssub.s32 $0x2, s2  }
0x7: {  	s6 =	sshrl.u32 s27, $0x1;
	s5 =	sand.u32 $0x1, s27;
	s8 =	ssub.s32 $0x200, s3  }
0x8: {  	s4 =	sand.u32 $0x180, s4;
	s5 =	sadd.s32 s5, s6;
	s28 =	sand.u32 $0x180, s8  }
0x9: {  	s6 =	simm.s32 $0x1;
	s9 =	ssub.s32 $0x200, s4;
	p0 =	sne.s32 s28, $0x0  }
0xa: {  	s8 =	sshrl.u32 s8, $0x9;
	s10 =	sand.u32 $0x180, s9;
	s6 =	simm.s32 @!p0 $0x0  }
0xb: {  	p0 =	sne.s32 s10, $0x0;
	s6 =	sadd.s32 s6, s8;
	s8 =	simm.s32 $0x1  }
0xc: {  	s9 =	sshrl.u32 s9, $0x9;
	s8 =	simm.s32 @!p0 $0x0;
	s6 =	smul.u32 s6, s5  }
0xd: {  	s18 =	simm.s32 $0x0;
	s20 =	simm.s32 $0x0;
	s8 =	sadd.s32 s8, s9  }
0xe: {  	s21 =	simm.s32 $0x0;
	s13 =	simm.s32 $0x0;
	s6 =	smul.u32 s8, s6  }
.Ltmp0:
0xf: {  	s14 =	simm.s32 $0x0;
	s29 =	sshll.u32 s3, $0x6;
	(pc) =	sbr.rel .LBB1_1-.Ltmp0, $4  }
0x10: {  	s16 =	simm.s32 $0x0;
	s15 =	smov.u32 s2;
	s30 =	sadd.s32 s29, s7  }
0x11: {  	s7 =	sadd.s32 $0x3C00, s7;
	s5 =	simm.s32 $0x1;
	s6 =	smul.u32 $0x1E, s6  }
0x12: {  	s10 =	simm.s32 $0x80;
	[sflag:s5] =	ssyncpa.u1 $0x0;
	s8 =	sadd.s32 s4, s30  }
0x13: {  	[sflag:s31] =	ssyncpa.u1 $0x0;
	s8 =	sadd.s32 $0x1E3C00, s8;
	s9 =	sor.u32 $0x1, s6  }
.LBB1_4:
0x14: {  	_ =	sdelay $0x3  }
0x15: {  	[tilespmem:v0+s24+$0xFFFFFFA0 ss:$0x1] =	vst.idx.msk $0xffff, v6  }
0x16: {  	v56 =	vld.idx.msk [tilespmem:v1+s23+$0x30 ss:$0x1], $0xffff;
	[tilespmem:v0+s24+$0xFFFFFFB0 ss:$0x1] =	vst.idx.msk $0xffff, v4  }
0x17: {  	v57 =	vld.idx.msk [tilespmem:v1+s23+$0xFFFFFFC0 ss:$0x1], $0xffff;
	[tilespmem:v0+s24+$0xFFFFFFC0 ss:$0x1] =	vst.idx.msk $0xffff, v2  }
0x18: {  	v58 =	vld.idx.msk [tilespmem:v1+s23+$0xFFFFFFD0 ss:$0x1], $0xffff;
	[tilespmem:v0+s24+$0xFFFFFFD0 ss:$0x1] =	vst.idx.msk $0xffff, v3  }
0x19: {  	v59 =	vld.idx.msk [tilespmem:v1+s23+$0xFFFFFFE0 ss:$0x1], $0xffff;
	[tilespmem:v0+s24+$0xFFFFFFE0 ss:$0x1] =	vst.idx.msk $0xffff, v5  }
0x1a: {  	v60 =	vld.idx.msk [tilespmem:v1+s23+$0xFFFFFFF0 ss:$0x1], $0xffff;
	[tilespmem:v0+s24+$0xFFFFFFF0 ss:$0x1] =	vst.idx.msk $0xffff, v7  }
0x1b: {  	v61 =	vld.idx.msk [tilespmem:v1+s23+$0x0 ss:$0x1], $0xffff;
	[tilespmem:v0+s23+$0x0 ss:$0x1] =	vst.idx.msk $0xffff, v56  }
0x1c: {  	v62 =	vld.idx.msk [tilespmem:v1+s23+$0x10 ss:$0x1], $0xffff;
	s20 =	smul.u32 $0x60000, s20;
	[tilespmem:v0+s23+$0xFFFFFF90 ss:$0x1] =	vst.idx.msk $0xffff, v57  }
0x1d: {  	s21 =	sshll.u32 s21, $0x7;
	v63 =	vld.idx.msk [tilespmem:v1+s23+$0x20 ss:$0x1], $0xffff;
	s28 =	sshll.u32 s17, $0x1;
	s18 =	sshll.u32 s18, $0x10;
	[tilespmem:v0+s23+$0xFFFFFFA0 ss:$0x1] =	vst.idx.msk $0xffff, v58  }
0x1e: {  	s19 =	sshll.u32 s19, $0x7;
	s29 =	sshrl.u32 s17, $0x2;
	s20 =	sadd.s32 s7, s20;
	[tilespmem:v0+s23+$0xFFFFFFB0 ss:$0x1] =	vst.idx.msk $0xffff, v59  }
0x1f: {  	s21 =	sand.u32 $0x80, s21;
	s24 =	sand.u32 $0x100, s28;
	s18 =	sadd.s32 s18, s20;
	[tilespmem:v0+s23+$0xFFFFFFC0 ss:$0x1] =	vst.idx.msk $0xffff, v60  }
0x20: {  	s17 =	sand.u32 $0x40, s29;
	s30 =	sor.u32 s21, s24;
	s18 =	sadd.s32 s19, s18;
	[tilespmem:v0+s23+$0xFFFFFFD0 ss:$0x1] =	vst.idx.msk $0xffff, v61  }
0x21: {  	s31 =	sshrl.u32 s30, $0x3;
	[tilespmem:v0+s23+$0xFFFFFFE0 ss:$0x1] =	vst.idx.msk $0xffff, v62;
	s17 =	sadd.s32 s17, s18  }
0x22: {  	[tilespmem:v0+s23+$0xFFFFFFF0 ss:$0x1] =	vst.idx.msk $0xffff, v63;
	s17 =	sadd.s32 s31, s17  }
0x23: {  	[hbm4b:s17+s10] =	stream.strided.scatter [tilespmem:s22], [sflag:$0x2], $0x4000, s11, s10, $0x38;
	[tilespmem:$0x10000] =	vst v63  }
.LBB1_5:
0x24: {  	s22 =	sadd.s32 $0x1, s13  }
0x25: {  	s17 =	simm.s32 $0x1;
	p1 =	sgt.s32 s22, $0x5  }
0x26: {  	s17 =	simm.s32 @!p1 $0x0  }
0x27: {  	s23 =	sadd.s32 s17, s14  }
0x28: {  	s18 =	sadd.s32 $0x2, s15;
	s24 =	smov.u32 s15;
	p2 =	sgt.s32 s23, $0x4  }
0x29: {  	p0 =	slt.u32 s16, $0x2;
	s24 =	smov.u32 @p2 s18  }
0x2a: {  	s25 =	sadd.s32 $0x1, s16;
	s22 =	simm.s32 @p1 $0x0;
	p1 =	sgt.s32 s24, $0x1  }
0x2b: {  	s20 =	smov.u32 s14;
	s24 =	smov.u32 @p1 s2;
	p1 =	sne.s32 s16, s9  }
.Ltmp1:
0x2c: {  	s21 =	smov.u32 s15;
	s17 =	simm.s32 @!p0 $0x2;
	(pc) =	sbr.rel @!p1 .LBB1_6-.Ltmp1, $4  }
0x2d: {  	s12 =	sadd.s32 $0x4000, s12;
	s19 =	smov.u32 s3;
	_ =	swait.ge @!p0 [sflag:s17], $0x4000  }
0x2e: {  	[sflag:s17] =	ssyncset.done @!p0 $0x0;
	s23 =	simm.s32 @p2 $0x0;
	s18 =	smov.u32 s13  }
0x2f: {  	s13 =	smov.u32 s22;
	[sflag:s17] =	ssyncadd.s32 @!p0 $0xFFFFC000;
	s17 =	smov.u32 s4  }
0x30: {  	s14 =	smov.u32 s23;
	s16 =	smov.u32 s25;
	s15 =	smov.u32 s24  }
.LBB1_1:
0x31: {  	p0 =	sge.u32 s16, s6  }
0x32: {  	s22 =	smul.u32 @!p0 $0xF0000, s15  }
0x33: {  	s23 =	sxor.u32 @!p0 $0xFFFFFFFF, s16;
	s24 =	smul.u32 @!p0 $0x30000, s14  }
0x34: {  	s31 =	sadd.s32 $0xFFFFFFFF, s16;
	s23 =	sshll.u32 @!p0 s23, $0xE;
	s22 =	sadd.s32 @!p0 s22, s8  }
0x35: {  	s25 =	sshll.u32 @!p0 s13, $0xF;
	s23 =	sand.u32 @!p0 $0x4000, s23;
	s22 =	sadd.s32 @!p0 s24, s22  }
0x36: {  	s24 =	simm.s32 @!p0 $0x400;
	s22 =	sadd.s32 @!p0 s25, s22;
	s25 =	simm.s32 @!p0 $0x1000  }
0x37: {  	[tilespmem:s23], [sflag:$0x1] =	stream.strided.gather @!p0 [hbm4b:s22+s24], $0x4000, s25, s24, $0x38;
	[tilespmem:$0x10000] =	vst v63  }
0x38: {  	p0 =	sge.u32 s31, s6  }
.Ltmp2:
0x39: {  	_ = 	snop;
	(pc) =	sbr.rel @p0 .LBB1_5-.Ltmp2, $1  }
0x3a: {  	_ =	sdelay $0x3  }
0x3b: {  	s22 =	sand.u32 $0x4000, s12  }
0x3c: {  	s23 =	sor.u32 $0x40, s22  }
0x3d: {  	v1 =	vmov s23;
	_ =	sdelay $0x1  }
0x3e: {  	_ =	swait.ge [sflag:s5], $0x4000  }
0x3f: {  	[sflag:s5] =	ssyncset.done $0x0  }
0x40: {  	s24 =	simm.s32 $0x0;
	[sflag:s5] =	ssyncadd.s32 $0xFFFFC000  }
0x41: {  	s22 =	sor.u32 $0x8070, s22;
	v7 =	vld.idx.msk [tilespmem:v1+s24+$0x30 ss:$0x1], $0xffff  }
0x42: {  	v0 =	vmov s22;
	v8 =	vld.idx.msk [tilespmem:v1+s24+$0xFFFFFFC0 ss:$0x1], $0xffff  }
0x43: {  	v6 =	vld.idx.msk [tilespmem:v1+s24+$0xFFFFFFD0 ss:$0x1], $0xffff  }
0x44: {  	v4 =	vld.idx.msk [tilespmem:v1+s24+$0xFFFFFFE0 ss:$0x1], $0xffff  }
0x45: {  	v2 =	vld.idx.msk [tilespmem:v1+s24+$0xFFFFFFF0 ss:$0x1], $0xffff  }
0x46: {  	s31 =	sshll.u32 s16, $0xE;
	v3 =	vld.idx.msk [tilespmem:v1+s24+$0x0 ss:$0x1], $0xffff  }
0x47: {  	s22 =	sand.u32 $0x4000, s31;
	v5 =	vld.idx.msk [tilespmem:v1+s24+$0x10 ss:$0x1], $0xffff;
	[tilespmem:v0+s24+$0x0 ss:$0x1] =	vst.idx.msk $0xffff, v7  }
0x48: {  	s25 =	simm.s32 $0x400;
	s23 =	simm.s32 $0x80;
	s22 =	sor.u32 $0x8000, s22;
	[tilespmem:v0+s24+$0xFFFFFF90 ss:$0x1] =	vst.idx.msk $0xffff, v8;
	v7 =	vld.idx.msk [tilespmem:v1+s24+$0x20 ss:$0x1], $0xffff  }
.LBB1_3:
0x49: {  	p0 =	sne.s32 s25, $0xFE00;
	v8 =	vld.idx.msk [tilespmem:v1+s23+$0x30 ss:$0x1], $0xffff;
	[tilespmem:v0+s24+$0xFFFFFFA0 ss:$0x1] =	vst.idx.msk $0xffff, v6  }
0x4a: {  	v9 =	vld.idx.msk [tilespmem:v1+s23+$0xFFFFFFC0 ss:$0x1], $0xffff;
	[tilespmem:v0+s24+$0xFFFFFFB0 ss:$0x1] =	vst.idx.msk $0xffff, v4  }
0x4b: {  	v6 =	vld.idx.msk [tilespmem:v1+s23+$0xFFFFFFD0 ss:$0x1], $0xffff;
	[tilespmem:v0+s24+$0xFFFFFFC0 ss:$0x1] =	vst.idx.msk $0xffff, v2  }
.Ltmp3:
0x4c: {  	v4 =	vld.idx.msk [tilespmem:v1+s23+$0xFFFFFFE0 ss:$0x1], $0xffff;
	[tilespmem:v0+s24+$0xFFFFFFD0 ss:$0x1] =	vst.idx.msk $0xffff, v3;
	(pc) =	sbr.rel @p0 .LBB1_3-.Ltmp3, $4  }
0x4d: {  	v2 =	vld.idx.msk [tilespmem:v1+s23+$0xFFFFFFF0 ss:$0x1], $0xffff;
	[tilespmem:v0+s24+$0xFFFFFFE0 ss:$0x1] =	vst.idx.msk $0xffff, v5  }
0x4e: {  	v3 =	vld.idx.msk [tilespmem:v1+s23+$0x0 ss:$0x1], $0xffff;
	[tilespmem:v0+s24+$0xFFFFFFF0 ss:$0x1] =	vst.idx.msk $0xffff, v7;
	s24 =	smov.u32 s23  }
0x4f: {  	v5 =	vld.idx.msk [tilespmem:v1+s24+$0x10 ss:$0x1], $0xffff;
	[tilespmem:v0+s24+$0x0 ss:$0x1] =	vst.idx.msk $0xffff, v8  }
0x50: {  	s23 =	sshra.s32 s25, $0x2;
	s25 =	sadd.s32 $0x200, s25;
	[tilespmem:v0+s24+$0xFFFFFF90 ss:$0x1] =	vst.idx.msk $0xffff, v9;
	v7 =	vld.idx.msk [tilespmem:v1+s24+$0x20 ss:$0x1], $0xffff  }
.Ltmp4:
0x51: {  	_ = 	snop;
	(pc) =	sbr.rel .LBB1_4-.Ltmp4, $1  }
0x52: {  	_ =	sdelay $0x3  }
.LBB1_6:
0x53: {  	_ =	sfence.sel $0x180000  }
0x54: {  	s2 =	simm.s32 $0x1;
	[bflag:$0x0] =	sbarrier.arrive $0xFFFF  }
0x55: {  	s31 =	simm.s32 $0x2;
	[sflag:s2] =	ssyncpa.u1 $0x1  }
0x56: {  	[sflag:s31] =	ssyncpa.u1 $0x1  }
0x57: {  	p0 =	sne.s32 s1, $0x0;
	_ =	strace $0x90000047  }
0x58: {  	s0 =	sadd.s32 @!p0 $0x100000, s0;
	[bflag:$0x2] =	sbarrier.arrive $0xFFFF  }
0x59: {  	[sflag:s0] =	ssyncadd.tile.s32 @!p0 $0x1;
	_ =	shalt  }
.Lfunc_end1:
_tile_overlayer_lowered:
.L_overlay_start_2:
0x5a: {  	(tag) =	ssettag $0x2  }
0x5b: {  	s0 =	rddreg [dreg:$0x0];
	s2 =	stileid.u32  }
0x5c: {  	s1 =	rddreg [dreg:$0x1];
	p0 =	sne.s32 s2, $0x0  }
0x5d: {  	s3 =	rddreg [dreg:$0x2];
	[bflag:$0x3] =	sbarrier.arrive $0xFFFF;
	s2 =	simm.s32 @!p0 $0x1C01  }
0x5e: {  	[timem:s3], [sflag:s2] =	dma.local @!p0 [hbm:s0], s1  }
0x5f: {  	s0 =	simm.s32 @!p0 $0x1  }
0x60: {  	_ =	swait.ge @!p0 [sflag:s0], s1  }
0x61: {  	s1 =	ssub.s32 @!p0 $0x0, s1;
	[sflag:s0] =	ssyncset.done @!p0 $0x0  }
0x62: {  	[sflag:s0] =	ssyncadd.s32 @!p0 s1  }
0x63: {  	[bflag:$0x3] =	sbarrier.arrive $0xFFFF  }
0x64: {  	_ =	shalt  }

// kernel: sparse-core-data-format-call.2.cloned.1.call-start
scs
called_computation.2_lowered:
.L_overlay_start_0:
0x0: {  	s2 =	sld [smem:$0x3FD9]  }
0x1: {  	s3 =	sld [smem:$0x3FFE];
	_ =	sdelay $0x1  }
0x2: {  	s1 =	srdreg.scid  }
0x3: {  	s0 =	sand.u32 $0x1, s1  }
0x4: {  	s18 =	sshll.u32 s0, $0xA;
	s2 =	sadd.s32 s3, s2  }
0x5: {  	s2 =	sadd.s32 s2, s18  }
0x6: {  	[smem:$0x3FBE] =	sst s2  }
0x7: {  	_ = 	snop  }
0x8: {  	(tm) =	ssettm $0x1  }
0x9: {  	s19 =	sld [smem:$0x3FFB];
	_ =	sdelay $0x3  }
0xa: {  	_ =	strace s19  }
0xb: {  	s2 =	sld [smem:$0x3FFC];
	_ =	sdelay $0x3  }
0xc: {  	_ =	strace s2  }
0xd: {  	s2 =	sld [smem:$0x3FFD];
	_ =	sdelay $0x3  }
0xe: {  	_ =	strace s2  }
0xf: {  	_ =	strace $0x8FFFFFFF  }
0x10: {  	s20 =	sld [smem:$0x3FDB];
	_ =	sdelay $0x1  }
0x11: {  	s21 =	simm.s32 $_scs_section_size  }
0x12: {  	s4 =	simm.s32 $_size__tile_overlayer_lowered;
	s5 =	simm.s32 $_tile_overlayer_lowered  }
0x13: {  	s6 =	simm.s32 $0x1BFF;
	s22 =	sshll.u32 s5, $0x1;
	s3 =	sadd.s32 s21, s20  }
0x14: {  	s23 =	simm.s32 $0x0;
	s4 =	sshll.u32 s4, $0x1;
	s5 =	sadd.s32 s22, s3  }
0x15: {  	[timem:s23], [sflag:s6] =	dma.local [hbm:s5], s4  }
0x16: {  	_ =	swait.ge [sflag:s6], s4  }
0x17: {  	s4 =	ssub.s32 $0x0, s4;
	[sflag:s6] =	ssyncset.done $0x0  }
0x18: {  	[sflag:s6] =	ssyncadd.s32 s4;
	_ =	sdelay $0x1  }
0x19: {  	s24 =	simm.s32 $0x1B8B  }
0x1a: {  	_ =	swait.ge [sflag:s24], $0x1  }
0x1b: {  	[sflag:s24] =	ssyncset.done $0x0  }
0x1c: {  	[sflag:s24] =	ssyncadd.s32 $0xFFFFFFFF  }
0x1d: {  	s4 =	sld [smem:$0x0]  }
0x1e: {  	s5 =	sand.u32 $0xFFFFFFFE, s1  }
0x1f: {  	p0 =	sne.s32 s1, s5  }
0x20: {  	s5 =	sshll.u32 @p0 s5, $0xE  }
0x21: {  	s5 =	sadd.s32 @p0 $0x11B8D, s5;
	s6 =	sshll.u32 @p0 s4, $0x11  }
0x22: {  	s5 =	sor.u32 @p0 s6, s5  }
0x23: {  	[sflag:s5] =	ssyncadd.remote.s32 @p0 $0x1;
	_ =	sdelay $0x1  }
0x24: {  	s5 =	simm.s32 @p0 $0x1B8D  }
0x25: {  	_ =	swait.eq @p0 [sflag:s5], $0x1  }
0x26: {  	[sflag:s5] =	ssyncadd.s32 @p0 $0xFFFFFFFF  }
0x27: {  	s6 =	sshll.u32 @!p0 s1, $0xE  }
0x28: {  	s6 =	sor.u32 @!p0 $0x4000, s6;
	s5 =	simm.s32 @!p0 $0x1B8D  }
0x29: {  	s4 =	sshll.u32 @!p0 s4, $0x11;
	s6 =	sadd.s32 @!p0 $0x11B8D, s6;
	_ =	swait.eq @!p0 [sflag:s5], $0x1  }
0x2a: {  	s4 =	sor.u32 @!p0 s4, s6;
	[sflag:s5] =	ssyncadd.s32 @!p0 $0xFFFFFFFF  }
0x2b: {  	s26 =	simm.s32 $0x1B8E;
	s25 =	sld [smem:$0x3FFE];
	[sflag:s4] =	ssyncadd.remote.s32 @!p0 $0x1  }
0x2c: {  	s27 =	simm.s32 $execute0_lowered;
	[smem:$0x3FD2] =	sst s26  }
0x2d: {  	s5 =	sshll.u32 s27, $0x1;
	_ =	strace $0x80000049;
	[dreg:$0x1] =	wrdreg $0xFFFFFFFF  }
0x2e: {  	s28 =	simm.s32 $_size_execute0_lowered;
	s3 =	sadd.s32 s3, s5;
	[dreg:$0x0] =	wrdreg $0x0  }
0x2f: {  	s5 =	sshll.u32 s28, $0x1;
	[dreg:$0x2] =	wrdreg s3  }
0x30: {  	[dreg:$0x3] =	wrdreg s5  }
0x31: {  	[dreg:$0x4] =	wrdreg $0xC0  }
0x32: {  	_ =	task [dreg:s23], $0x5FFFF  }
0x33: {  	[dreg:$0x1] =	wrdreg $0xFFFFFFFF  }
0x34: {  	[dreg:$0x0] =	wrdreg $0x60  }
0x35: {  	[dreg:$0x2] =	wrdreg s25  }
0x36: {  	[dreg:$0x3] =	wrdreg $0xA  }
0x37: {  	_ =	task.clear_ibuf [dreg:s23], $0x4FFFF;
	_ =	strace $0x90000049  }
0x38: {  	s29 =	simm.s32 $0xA;
	_ =	strace $0x8000004B  }
0x39: {  	_ =	swait.ge [sflag:s29], $0x1  }
0x3a: {  	[sflag:s29] =	ssyncadd.s32 $0xFFFFFFFF  }
0x3b: {  	_ =	strace $0x9000004B  }
0x3c: {  	_ =	sfence  }
0x3d: {  	s30 =	sld [smem:$0x0];
	_ =	sdelay $0x2  }
0x3e: {  	s31 =	sshll.u32 s1, $0xD;
	s1 =	sshrl.u32 s1, $0x2  }
0x3f: {  	s4 =	sand.u32 $0x4000, s31;
	s1 =	sadd.s32 s1, s30  }
0x40: {  	s0 =	sor.u32 s4, s0;
	s1 =	sshll.u32 s1, $0x11  }
0x41: {  	s0 =	sor.u32 s1, s0  }
0x42: {  	s0 =	sadd.s32 $0x8F2B, s0  }
0x43: {  	[sflag:s0] =	ssyncadd.remote.s32 $0x1  }
0x44: {  	_ =	sfence.sel $0xFFFF  }
0x45: {  	[dreg:$0x0] =	wrdreg $0xFFFFFFFF;
	(pc) =	sbr.abs _section_cstart, $3  }
0x46: {  	[dreg:$0x1] =	wrdreg $0xFFFFFFFF  }
0x47: {  	_ =	task.clear_ibuf [dreg:s23], $0x2FFFF;
	_ =	strace $0x9FFFFFFF  }
0x48: {  	(tm) =	ssettm $0x7FFFFFFF  }
0x49: {  	_ =	shalt  }
tec
execute0_lowered:
.L_overlay_start_1:
0x0: {  	(tag) =	ssettag $0x1  }
0x1: {  	s7 =	rddreg [dreg:$0x0];
	s1 =	stileid.u32  }
0x2: {  	s0 =	rddreg [dreg:$0x1];
	s4 =	srdreg.scid;
	_ =	strace $0x8000004A  }
0x3: {  	s31 =	simm.s32 $0x2;
	s17 =	simm.s32 $0x0;
	s11 =	simm.s32 $0x400  }
0x4: {  	s12 =	simm.s32 $0x0;
	s19 =	simm.s32 $0x0;
	s3 =	sshll.u32 s1, $0x6  }
0x5: {  	s2 =	sand.u32 $0x1, s1;
	s5 =	sshll.u32 s1, $0x4;
	s4 =	sshll.u32 s4, $0x8  }
0x6: {  	s3 =	sand.u32 $0x180, s3;
	s4 =	sor.u32 s5, s4;
	s27 =	ssub.s32 $0x2, s2  }
0x7: {  	s6 =	sshrl.u32 s27, $0x1;
	s5 =	sand.u32 $0x1, s27;
	s8 =	ssub.s32 $0x200, s3  }
0x8: {  	s4 =	sand.u32 $0x180, s4;
	s5 =	sadd.s32 s5, s6;
	s28 =	sand.u32 $0x180, s8  }
0x9: {  	s6 =	simm.s32 $0x1;
	s9 =	ssub.s32 $0x200, s4;
	p0 =	sne.s32 s28, $0x0  }
0xa: {  	s8 =	sshrl.u32 s8, $0x9;
	s10 =	sand.u32 $0x180, s9;
	s6 =	simm.s32 @!p0 $0x0  }
0xb: {  	p0 =	sne.s32 s10, $0x0;
	s6 =	sadd.s32 s6, s8;
	s8 =	simm.s32 $0x1  }
0xc: {  	s9 =	sshrl.u32 s9, $0x9;
	s8 =	simm.s32 @!p0 $0x0;
	s6 =	smul.u32 s6, s5  }
0xd: {  	s18 =	simm.s32 $0x0;
	s20 =	simm.s32 $0x0;
	s8 =	sadd.s32 s8, s9  }
0xe: {  	s21 =	simm.s32 $0x0;
	s13 =	simm.s32 $0x0;
	s6 =	smul.u32 s8, s6  }
.Ltmp0:
0xf: {  	s14 =	simm.s32 $0x0;
	s29 =	sshll.u32 s3, $0x6;
	(pc) =	sbr.rel .LBB1_1-.Ltmp0, $4  }
0x10: {  	s16 =	simm.s32 $0x0;
	s15 =	smov.u32 s2;
	s30 =	sadd.s32 s29, s7  }
0x11: {  	s7 =	sadd.s32 $0x3C3C00, s7;
	s5 =	simm.s32 $0x1;
	s6 =	smul.u32 $0x1E, s6  }
0x12: {  	s10 =	simm.s32 $0x80;
	[sflag:s5] =	ssyncpa.u1 $0x0;
	s8 =	sadd.s32 s4, s30  }
0x13: {  	[sflag:s31] =	ssyncpa.u1 $0x0;
	s8 =	sadd.s32 $0x783A00, s8;
	s9 =	sor.u32 $0x1, s6  }
.LBB1_4:
0x14: {  	_ =	sdelay $0x3  }
0x15: {  	[tilespmem:v0+s24+$0xFFFFFFA0 ss:$0x1] =	vst.idx.msk $0xffff, v6  }
0x16: {  	v56 =	vld.idx.msk [tilespmem:v1+s23+$0x30 ss:$0x1], $0xffff;
	[tilespmem:v0+s24+$0xFFFFFFB0 ss:$0x1] =	vst.idx.msk $0xffff, v4  }
0x17: {  	v57 =	vld.idx.msk [tilespmem:v1+s23+$0xFFFFFFC0 ss:$0x1], $0xffff;
	[tilespmem:v0+s24+$0xFFFFFFC0 ss:$0x1] =	vst.idx.msk $0xffff, v2  }
0x18: {  	v58 =	vld.idx.msk [tilespmem:v1+s23+$0xFFFFFFD0 ss:$0x1], $0xffff;
	[tilespmem:v0+s24+$0xFFFFFFD0 ss:$0x1] =	vst.idx.msk $0xffff, v3  }
0x19: {  	v59 =	vld.idx.msk [tilespmem:v1+s23+$0xFFFFFFE0 ss:$0x1], $0xffff;
	[tilespmem:v0+s24+$0xFFFFFFE0 ss:$0x1] =	vst.idx.msk $0xffff, v5  }
0x1a: {  	v60 =	vld.idx.msk [tilespmem:v1+s23+$0xFFFFFFF0 ss:$0x1], $0xffff;
	[tilespmem:v0+s24+$0xFFFFFFF0 ss:$0x1] =	vst.idx.msk $0xffff, v7  }
0x1b: {  	v61 =	vld.idx.msk [tilespmem:v1+s23+$0x0 ss:$0x1], $0xffff;
	[tilespmem:v0+s23+$0x0 ss:$0x1] =	vst.idx.msk $0xffff, v56  }
0x1c: {  	v62 =	vld.idx.msk [tilespmem:v1+s23+$0x10 ss:$0x1], $0xffff;
	s20 =	smul.u32 $0x60000, s20;
	[tilespmem:v0+s23+$0xFFFFFF90 ss:$0x1] =	vst.idx.msk $0xffff, v57  }
0x1d: {  	s21 =	sshll.u32 s21, $0x7;
	v63 =	vld.idx.msk [tilespmem:v1+s23+$0x20 ss:$0x1], $0xffff;
	s28 =	sshll.u32 s17, $0x1;
	s18 =	sshll.u32 s18, $0x10;
	[tilespmem:v0+s23+$0xFFFFFFA0 ss:$0x1] =	vst.idx.msk $0xffff, v58  }
0x1e: {  	s19 =	sshll.u32 s19, $0x7;
	s29 =	sshrl.u32 s17, $0x2;
	s20 =	sadd.s32 s7, s20;
	[tilespmem:v0+s23+$0xFFFFFFB0 ss:$0x1] =	vst.idx.msk $0xffff, v59  }
0x1f: {  	s21 =	sand.u32 $0x80, s21;
	s24 =	sand.u32 $0x100, s28;
	s18 =	sadd.s32 s18, s20;
	[tilespmem:v0+s23+$0xFFFFFFC0 ss:$0x1] =	vst.idx.msk $0xffff, v60  }
0x20: {  	s17 =	sand.u32 $0x40, s29;
	s30 =	sor.u32 s21, s24;
	s18 =	sadd.s32 s19, s18;
	[tilespmem:v0+s23+$0xFFFFFFD0 ss:$0x1] =	vst.idx.msk $0xffff, v61  }
0x21: {  	s31 =	sshrl.u32 s30, $0x3;
	[tilespmem:v0+s23+$0xFFFFFFE0 ss:$0x1] =	vst.idx.msk $0xffff, v62;
	s17 =	sadd.s32 s17, s18  }
0x22: {  	[tilespmem:v0+s23+$0xFFFFFFF0 ss:$0x1] =	vst.idx.msk $0xffff, v63;
	s17 =	sadd.s32 s31, s17  }
0x23: {  	[hbm4b:s17+s10] =	stream.strided.scatter [tilespmem:s22], [sflag:$0x2], $0x4000, s11, s10, $0x38;
	[tilespmem:$0x10000] =	vst v63  }
.LBB1_5:
0x24: {  	s22 =	sadd.s32 $0x1, s13  }
0x25: {  	s17 =	simm.s32 $0x1;
	p1 =	sgt.s32 s22, $0x5  }
0x26: {  	s17 =	simm.s32 @!p1 $0x0  }
0x27: {  	s23 =	sadd.s32 s17, s14  }
0x28: {  	s18 =	sadd.s32 $0x2, s15;
	s24 =	smov.u32 s15;
	p2 =	sgt.s32 s23, $0x4  }
0x29: {  	p0 =	slt.u32 s16, $0x2;
	s24 =	smov.u32 @p2 s18  }
0x2a: {  	s25 =	sadd.s32 $0x1, s16;
	s22 =	simm.s32 @p1 $0x0;
	p1 =	sgt.s32 s24, $0x1  }
0x2b: {  	s20 =	smov.u32 s14;
	s24 =	smov.u32 @p1 s2;
	p1 =	sne.s32 s16, s9  }
.Ltmp1:
0x2c: {  	s21 =	smov.u32 s15;
	s17 =	simm.s32 @!p0 $0x2;
	(pc) =	sbr.rel @!p1 .LBB1_6-.Ltmp1, $4  }
0x2d: {  	s12 =	sadd.s32 $0x4000, s12;
	s19 =	smov.u32 s3;
	_ =	swait.ge @!p0 [sflag:s17], $0x4000  }
0x2e: {  	[sflag:s17] =	ssyncset.done @!p0 $0x0;
	s23 =	simm.s32 @p2 $0x0;
	s18 =	smov.u32 s13  }
0x2f: {  	s13 =	smov.u32 s22;
	[sflag:s17] =	ssyncadd.s32 @!p0 $0xFFFFC000;
	s17 =	smov.u32 s4  }
0x30: {  	s14 =	smov.u32 s23;
	s16 =	smov.u32 s25;
	s15 =	smov.u32 s24  }
.LBB1_1:
0x31: {  	p0 =	sge.u32 s16, s6  }
0x32: {  	s22 =	smul.u32 @!p0 $0xF0000, s15  }
0x33: {  	s23 =	sxor.u32 @!p0 $0xFFFFFFFF, s16;
	s24 =	smul.u32 @!p0 $0x30000, s14  }
0x34: {  	s31 =	sadd.s32 $0xFFFFFFFF, s16;
	s23 =	sshll.u32 @!p0 s23, $0xE;
	s22 =	sadd.s32 @!p0 s22, s8  }
0x35: {  	s25 =	sshll.u32 @!p0 s13, $0xF;
	s23 =	sand.u32 @!p0 $0x4000, s23;
	s22 =	sadd.s32 @!p0 s24, s22  }
0x36: {  	s24 =	simm.s32 @!p0 $0x400;
	s22 =	sadd.s32 @!p0 s25, s22;
	s25 =	simm.s32 @!p0 $0x1000  }
0x37: {  	[tilespmem:s23], [sflag:$0x1] =	stream.strided.gather @!p0 [hbm4b:s22+s24], $0x4000, s25, s24, $0x38;
	[tilespmem:$0x10000] =	vst v63  }
0x38: {  	p0 =	sge.u32 s31, s6  }
.Ltmp2:
0x39: {  	_ = 	snop;
	(pc) =	sbr.rel @p0 .LBB1_5-.Ltmp2, $1  }
0x3a: {  	_ =	sdelay $0x3  }
0x3b: {  	s22 =	sand.u32 $0x4000, s12  }
0x3c: {  	s23 =	sor.u32 $0x40, s22  }
0x3d: {  	v1 =	vmov s23;
	_ =	sdelay $0x1  }
0x3e: {  	_ =	swait.ge [sflag:s5], $0x4000  }
0x3f: {  	[sflag:s5] =	ssyncset.done $0x0  }
0x40: {  	s24 =	simm.s32 $0x0;
	[sflag:s5] =	ssyncadd.s32 $0xFFFFC000  }
0x41: {  	s22 =	sor.u32 $0x8070, s22;
	v7 =	vld.idx.msk [tilespmem:v1+s24+$0x30 ss:$0x1], $0xffff  }
0x42: {  	v0 =	vmov s22;
	v8 =	vld.idx.msk [tilespmem:v1+s24+$0xFFFFFFC0 ss:$0x1], $0xffff  }
0x43: {  	v6 =	vld.idx.msk [tilespmem:v1+s24+$0xFFFFFFD0 ss:$0x1], $0xffff  }
0x44: {  	v4 =	vld.idx.msk [tilespmem:v1+s24+$0xFFFFFFE0 ss:$0x1], $0xffff  }
0x45: {  	v2 =	vld.idx.msk [tilespmem:v1+s24+$0xFFFFFFF0 ss:$0x1], $0xffff  }
0x46: {  	s31 =	sshll.u32 s16, $0xE;
	v3 =	vld.idx.msk [tilespmem:v1+s24+$0x0 ss:$0x1], $0xffff  }
0x47: {  	s22 =	sand.u32 $0x4000, s31;
	v5 =	vld.idx.msk [tilespmem:v1+s24+$0x10 ss:$0x1], $0xffff;
	[tilespmem:v0+s24+$0x0 ss:$0x1] =	vst.idx.msk $0xffff, v7  }
0x48: {  	s25 =	simm.s32 $0x400;
	s23 =	simm.s32 $0x80;
	s22 =	sor.u32 $0x8000, s22;
	[tilespmem:v0+s24+$0xFFFFFF90 ss:$0x1] =	vst.idx.msk $0xffff, v8;
	v7 =	vld.idx.msk [tilespmem:v1+s24+$0x20 ss:$0x1], $0xffff  }
.LBB1_3:
0x49: {  	p0 =	sne.s32 s25, $0xFE00;
	v8 =	vld.idx.msk [tilespmem:v1+s23+$0x30 ss:$0x1], $0xffff;
	[tilespmem:v0+s24+$0xFFFFFFA0 ss:$0x1] =	vst.idx.msk $0xffff, v6  }
0x4a: {  	v9 =	vld.idx.msk [tilespmem:v1+s23+$0xFFFFFFC0 ss:$0x1], $0xffff;
	[tilespmem:v0+s24+$0xFFFFFFB0 ss:$0x1] =	vst.idx.msk $0xffff, v4  }
0x4b: {  	v6 =	vld.idx.msk [tilespmem:v1+s23+$0xFFFFFFD0 ss:$0x1], $0xffff;
	[tilespmem:v0+s24+$0xFFFFFFC0 ss:$0x1] =	vst.idx.msk $0xffff, v2  }
.Ltmp3:
0x4c: {  	v4 =	vld.idx.msk [tilespmem:v1+s23+$0xFFFFFFE0 ss:$0x1], $0xffff;
	[tilespmem:v0+s24+$0xFFFFFFD0 ss:$0x1] =	vst.idx.msk $0xffff, v3;
	(pc) =	sbr.rel @p0 .LBB1_3-.Ltmp3, $4  }
0x4d: {  	v2 =	vld.idx.msk [tilespmem:v1+s23+$0xFFFFFFF0 ss:$0x1], $0xffff;
	[tilespmem:v0+s24+$0xFFFFFFE0 ss:$0x1] =	vst.idx.msk $0xffff, v5  }
0x4e: {  	v3 =	vld.idx.msk [tilespmem:v1+s23+$0x0 ss:$0x1], $0xffff;
	[tilespmem:v0+s24+$0xFFFFFFF0 ss:$0x1] =	vst.idx.msk $0xffff, v7;
	s24 =	smov.u32 s23  }
0x4f: {  	v5 =	vld.idx.msk [tilespmem:v1+s24+$0x10 ss:$0x1], $0xffff;
	[tilespmem:v0+s24+$0x0 ss:$0x1] =	vst.idx.msk $0xffff, v8  }
0x50: {  	s23 =	sshra.s32 s25, $0x2;
	s25 =	sadd.s32 $0x200, s25;
	[tilespmem:v0+s24+$0xFFFFFF90 ss:$0x1] =	vst.idx.msk $0xffff, v9;
	v7 =	vld.idx.msk [tilespmem:v1+s24+$0x20 ss:$0x1], $0xffff  }
.Ltmp4:
0x51: {  	_ = 	snop;
	(pc) =	sbr.rel .LBB1_4-.Ltmp4, $1  }
0x52: {  	_ =	sdelay $0x3  }
.LBB1_6:
0x53: {  	_ =	sfence.sel $0x180000  }
0x54: {  	s2 =	simm.s32 $0x1;
	[bflag:$0x0] =	sbarrier.arrive $0xFFFF  }
0x55: {  	s31 =	simm.s32 $0x2;
	[sflag:s2] =	ssyncpa.u1 $0x1  }
0x56: {  	[sflag:s31] =	ssyncpa.u1 $0x1  }
0x57: {  	p0 =	sne.s32 s1, $0x0;
	_ =	strace $0x9000004A  }
0x58: {  	s0 =	sadd.s32 @!p0 $0x100000, s0;
	[bflag:$0x2] =	sbarrier.arrive $0xFFFF  }
0x59: {  	[sflag:s0] =	ssyncadd.tile.s32 @!p0 $0x1;
	_ =	shalt  }
.Lfunc_end1:
_tile_overlayer_lowered:
.L_overlay_start_2:
0x5a: {  	(tag) =	ssettag $0x2  }
0x5b: {  	s0 =	rddreg [dreg:$0x0];
	s2 =	stileid.u32  }
0x5c: {  	s1 =	rddreg [dreg:$0x1];
	p0 =	sne.s32 s2, $0x0  }
0x5d: {  	s3 =	rddreg [dreg:$0x2];
	[bflag:$0x3] =	sbarrier.arrive $0xFFFF;
	s2 =	simm.s32 @!p0 $0x1C01  }
0x5e: {  	[timem:s3], [sflag:s2] =	dma.local @!p0 [hbm:s0], s1  }
0x5f: {  	s0 =	simm.s32 @!p0 $0x1  }
0x60: {  	_ =	swait.ge @!p0 [sflag:s0], s1  }
0x61: {  	s1 =	ssub.s32 @!p0 $0x0, s1;
	[sflag:s0] =	ssyncset.done @!p0 $0x0  }
0x62: {  	[sflag:s0] =	ssyncadd.s32 @!p0 s1  }
0x63: {  	[bflag:$0x3] =	sbarrier.arrive $0xFFFF  }
0x64: {  	_ =	shalt  }

// kernel: sparse-core-data-format-call.cloned.1.call-start
scs
called_computation_lowered:
.L_overlay_start_0:
0x0: {  	s1 =	sld [smem:$0x3FD9]  }
0x1: {  	s2 =	sld [smem:$0x3FFE];
	_ =	sdelay $0x1  }
0x2: {  	s3 =	srdreg.scid  }
0x3: {  	s0 =	sand.u32 $0x1, s3  }
0x4: {  	s17 =	sshll.u32 s0, $0xA;
	s1 =	sadd.s32 s2, s1  }
0x5: {  	s1 =	sadd.s32 s1, s17  }
0x6: {  	[smem:$0x3FBE] =	sst s1  }
0x7: {  	_ = 	snop  }
0x8: {  	(tm) =	ssettm $0x1  }
0x9: {  	s18 =	sld [smem:$0x3FFB];
	_ =	sdelay $0x3  }
0xa: {  	_ =	strace s18  }
0xb: {  	s1 =	sld [smem:$0x3FFC];
	_ =	sdelay $0x3  }
0xc: {  	_ =	strace s1  }
0xd: {  	s1 =	sld [smem:$0x3FFD];
	_ =	sdelay $0x3  }
0xe: {  	_ =	strace s1  }
0xf: {  	_ =	strace $0x8FFFFFFF  }
0x10: {  	s19 =	sld [smem:$0x3FDB];
	_ =	sdelay $0x1  }
0x11: {  	s20 =	simm.s32 $_scs_section_size  }
0x12: {  	s4 =	simm.s32 $_size__tile_overlayer_lowered;
	s5 =	simm.s32 $_tile_overlayer_lowered  }
0x13: {  	s23 =	simm.s32 $0x1BFF;
	s22 =	sshll.u32 s5, $0x1;
	s1 =	sadd.s32 s20, s19  }
0x14: {  	s6 =	simm.s32 $0x0;
	s21 =	sshll.u32 s4, $0x1;
	s4 =	sadd.s32 s22, s1  }
0x15: {  	[timem:s6], [sflag:s23] =	dma.local [hbm:s4], s21  }
0x16: {  	_ =	swait.ge [sflag:s23], s21  }
0x17: {  	s2 =	ssub.s32 $0x0, s21;
	[sflag:s23] =	ssyncset.done $0x0  }
0x18: {  	[sflag:s23] =	ssyncadd.s32 s2;
	_ =	sdelay $0x1  }
0x19: {  	s24 =	simm.s32 $0x1B8B  }
0x1a: {  	_ =	swait.ge [sflag:s24], $0x1  }
0x1b: {  	[sflag:s24] =	ssyncset.done $0x0  }
0x1c: {  	s26 =	simm.s32 $0x1B8E;
	s25 =	sld [smem:$0x3FFE];
	[sflag:s24] =	ssyncadd.s32 $0xFFFFFFFF  }
0x1d: {  	s27 =	simm.s32 $execute0_lowered;
	[smem:$0x3FD2] =	sst s26  }
0x1e: {  	s4 =	sshll.u32 s27, $0x1;
	_ =	strace $0x8000004C;
	[dreg:$0x1] =	wrdreg $0xFFFFFFFF  }
0x1f: {  	s28 =	simm.s32 $_size_execute0_lowered;
	s1 =	sadd.s32 s1, s4;
	[dreg:$0x0] =	wrdreg $0x0  }
0x20: {  	s4 =	sshll.u32 s28, $0x1;
	[dreg:$0x2] =	wrdreg s1  }
0x21: {  	[dreg:$0x3] =	wrdreg s4  }
0x22: {  	[dreg:$0x4] =	wrdreg $0xC0  }
0x23: {  	_ =	task [dreg:s6], $0x5FFFF  }
0x24: {  	[dreg:$0x1] =	wrdreg $0xFFFFFFFF  }
0x25: {  	[dreg:$0x0] =	wrdreg $0x60  }
0x26: {  	[dreg:$0x2] =	wrdreg s25  }
0x27: {  	[dreg:$0x3] =	wrdreg $0x9  }
0x28: {  	_ =	task.clear_ibuf [dreg:s6], $0x4FFFF;
	_ =	strace $0x9000004C  }
0x29: {  	s29 =	simm.s32 $0x9;
	_ =	strace $0x8000004E  }
0x2a: {  	_ =	swait.ge [sflag:s29], $0x1  }
0x2b: {  	[sflag:s29] =	ssyncadd.s32 $0xFFFFFFFF  }
0x2c: {  	_ =	strace $0x9000004E  }
0x2d: {  	_ =	sfence  }
0x2e: {  	s30 =	sld [smem:$0x0];
	_ =	sdelay $0x2  }
0x2f: {  	s31 =	sshll.u32 s3, $0xD;
	s3 =	sshrl.u32 s3, $0x2  }
0x30: {  	s2 =	sand.u32 $0x4000, s31;
	s1 =	sadd.s32 s3, s30  }
0x31: {  	s0 =	sor.u32 s2, s0;
	s1 =	sshll.u32 s1, $0x11  }
0x32: {  	s0 =	sor.u32 s1, s0  }
0x33: {  	s0 =	sadd.s32 $0x8F2B, s0  }
0x34: {  	[sflag:s0] =	ssyncadd.remote.s32 $0x1  }
0x35: {  	_ =	sfence.sel $0xFFFF  }
0x36: {  	[dreg:$0x0] =	wrdreg $0xFFFFFFFF;
	(pc) =	sbr.abs _section_cstart, $3  }
0x37: {  	[dreg:$0x1] =	wrdreg $0xFFFFFFFF  }
0x38: {  	_ =	task.clear_ibuf [dreg:s6], $0x2FFFF;
	_ =	strace $0x9FFFFFFF  }
0x39: {  	(tm) =	ssettm $0x7FFFFFFF  }
tec
execute0_lowered:
.L_overlay_start_1:
0x0: {  	(tag) =	ssettag $0x1  }
0x1: {  	s0 =	srdreg.scid  }
0x2: {  	s6 =	rddreg [dreg:$0x0];
	s7 =	simm.s32 $0x1;
	s1 =	sshll.u32 s0, $0x4  }
0x3: {  	s8 =	simm.s32 $0x2;
	s0 =	stileid.u32;
	s1 =	sand.u32 $0x10, s1  }
0x4: {  	s13 =	simm.s32 $0x0;
	s12 =	simm.s32 $0x0;
	s1 =	sor.u32 s0, s1  }
0x5: {  	s10 =	simm.s32 $0x0;
	s3 =	sadd.s32 $0x183A00, s6;
	s2 =	sshll.u32 s1, $0x9  }
0x6: {  	s11 =	simm.s32 $0x0;
	s6 =	sadd.s32 $0x783A00, s6;
	s5 =	ssub.s32 $0x180000, s2  }
.Ltmp0:
0x7: {  	s1 =	rddreg [dreg:$0x1];
	s4 =	sand.u32 $0x3E00, s5;
	(pc) =	sbr.rel .LBB1_1-.Ltmp0, $4  }
0x8: {  	_ =	strace $0x8000004D;
	s9 =	smov.u32 s2;
	p0 =	sne.s32 s4, $0x0  }
0x9: {  	s5 =	sshrl.u32 s5, $0xE;
	s4 =	simm.s32 $0x1;
	s7 =	simm.s32 @!p0 $0x0  }
0xa: {  	[sflag:s4] =	ssyncpa.u1 $0x0;
	p0 =	por $0x0, $0x0;
	s5 =	sadd.s32 s7, s5  }
0xb: {  	[sflag:s8] =	ssyncpa.u1 $0x0;
	s8 =	simm.s32 $0x80;
	s7 =	sadd.s32 $0x1, s5  }
.LBB1_4:
0xc: {  	_ = 	snop  }
0xd: {  	[tilespmem:s18+$0x2D60 ss:$0x21] =	vst.msk $0xffff, v7  }
0xe: {  	[tilespmem:s18+$0x2F70 ss:$0x21] =	vst.msk $0xffff, v6  }
0xf: {  	[tilespmem:s18+$0x3390 ss:$0x21] =	vst.msk $0xffff, v3  }
0x10: {  	s21 =	sor.u32 s24, s23;
	v31 =	vld.idx.msk [tilespmem:v0+s16+$0xC70 ss:$0x1], $0xffff;
	[tilespmem:s18+$0x35A0 ss:$0x21] =	vst.msk $0xffff, v1  }
0x11: {  	[tilespmem:s18+$0x37B0 ss:$0x21] =	vst.msk $0xffff, v2;
	v43 =	vld.idx.msk [tilespmem:v0+s21+$0x410 ss:$0x1], $0xffff  }
0x12: {  	[tilespmem:s18+$0x39C0 ss:$0x21] =	vst.msk $0xffff, v4;
	v44 =	vld.idx.msk [tilespmem:v0+s21+$0x420 ss:$0x1], $0xffff  }
0x13: {  	[tilespmem:s18+$0x3BD0 ss:$0x21] =	vst.msk $0xffff, v5;
	s22 =	sand.u32 $0x3200, s21;
	v45 =	vld.idx.msk [tilespmem:v0+s21+$0x430 ss:$0x1], $0xffff  }
0x14: {  	s20 =	sand.u32 $0x180, s20;
	s25 =	sshra.s32 s19, $0x2;
	[tilespmem:s18+$0x3DE0 ss:$0x21] =	vst.msk $0xffff, v8;
	v46 =	vld.idx.msk [tilespmem:v0+s21+$0x440 ss:$0x1], $0xffff;
	s15 =	sadd.s32 s22, s15  }
0x15: {  	v47 =	vld.idx.msk [tilespmem:v0+s21+$0x450 ss:$0x1], $0xffff;
	s24 =	sadd.s32 s20, s15;
	s15 =	sadd.s32 s25, s17;
	[tilespmem:s18+$0x3FF0 ss:$0x21] =	vst.msk $0xffff, v31  }
0x16: {  	v48 =	vld.idx.msk [tilespmem:v0+s21+$0x460 ss:$0x1], $0xffff;
	[tilespmem:s15+$0x1290 ss:$0x21] =	vst.msk $0xffff, v43  }
0x17: {  	v49 =	vld.idx.msk [tilespmem:v0+s21+$0x470 ss:$0x1], $0xffff;
	[tilespmem:s15+$0x14A0 ss:$0x21] =	vst.msk $0xffff, v44  }
0x18: {  	v50 =	vld.idx.msk [tilespmem:v0+s21+$0x810 ss:$0x1], $0xffff;
	[tilespmem:s15+$0x16B0 ss:$0x21] =	vst.msk $0xffff, v45  }
0x19: {  	v51 =	vld.idx.msk [tilespmem:v0+s21+$0x820 ss:$0x1], $0xffff;
	[tilespmem:s15+$0x18C0 ss:$0x21] =	vst.msk $0xffff, v46  }
0x1a: {  	v52 =	vld.idx.msk [tilespmem:v0+s21+$0x830 ss:$0x1], $0xffff;
	[tilespmem:s15+$0x1AD0 ss:$0x21] =	vst.msk $0xffff, v47  }
0x1b: {  	v53 =	vld.idx.msk [tilespmem:v0+s21+$0x840 ss:$0x1], $0xffff;
	[tilespmem:s15+$0x1CE0 ss:$0x21] =	vst.msk $0xffff, v48  }
0x1c: {  	v54 =	vld.idx.msk [tilespmem:v0+s21+$0x850 ss:$0x1], $0xffff;
	[tilespmem:s15+$0x1EF0 ss:$0x21] =	vst.msk $0xffff, v49  }
0x1d: {  	v55 =	vld.idx.msk [tilespmem:v0+s21+$0x860 ss:$0x1], $0xffff;
	[tilespmem:s15+$0x2310 ss:$0x21] =	vst.msk $0xffff, v50  }
0x1e: {  	v56 =	vld.idx.msk [tilespmem:v0+s21+$0x870 ss:$0x1], $0xffff;
	[tilespmem:s15+$0x2520 ss:$0x21] =	vst.msk $0xffff, v51  }
0x1f: {  	v57 =	vld.idx.msk [tilespmem:v0+s21+$0xC10 ss:$0x1], $0xffff;
	[tilespmem:s15+$0x2730 ss:$0x21] =	vst.msk $0xffff, v52  }
0x20: {  	v58 =	vld.idx.msk [tilespmem:v0+s21+$0xC20 ss:$0x1], $0xffff;
	[tilespmem:s15+$0x2940 ss:$0x21] =	vst.msk $0xffff, v53  }
0x21: {  	v59 =	vld.idx.msk [tilespmem:v0+s21+$0xC30 ss:$0x1], $0xffff;
	[tilespmem:s15+$0x2B50 ss:$0x21] =	vst.msk $0xffff, v54  }
0x22: {  	v60 =	vld.idx.msk [tilespmem:v0+s21+$0xC40 ss:$0x1], $0xffff;
	[tilespmem:s15+$0x2D60 ss:$0x21] =	vst.msk $0xffff, v55  }
0x23: {  	v61 =	vld.idx.msk [tilespmem:v0+s21+$0xC50 ss:$0x1], $0xffff;
	[tilespmem:s15+$0x2F70 ss:$0x21] =	vst.msk $0xffff, v56  }
0x24: {  	v62 =	vld.idx.msk [tilespmem:v0+s21+$0xC60 ss:$0x1], $0xffff;
	[tilespmem:s15+$0x3390 ss:$0x21] =	vst.msk $0xffff, v57  }
0x25: {  	v63 =	vld.idx.msk [tilespmem:v0+s21+$0xC70 ss:$0x1], $0xffff;
	[tilespmem:s15+$0x35A0 ss:$0x21] =	vst.msk $0xffff, v58  }
0x26: {  	v32 =	vld [tilespmem:s24+$0xC00];
	[tilespmem:s15+$0x37B0 ss:$0x21] =	vst.msk $0xffff, v59  }
0x27: {  	v33 =	vld [tilespmem:s24+$0x0];
	[tilespmem:s15+$0x39C0 ss:$0x21] =	vst.msk $0xffff, v60  }
0x28: {  	v34 =	vld [tilespmem:s24+$0x10];
	[tilespmem:s15+$0x3BD0 ss:$0x21] =	vst.msk $0xffff, v61  }
0x29: {  	s13 =	sshll.u32 s13, $0x7;
	s26 =	sshll.u32 s12, $0x3;
	v35 =	vld [tilespmem:s24+$0x20];
	[tilespmem:s15+$0x3DE0 ss:$0x21] =	vst.msk $0xffff, v62  }
0x2a: {  	s27 =	sand.u32 $0xFFFFFC00, s13;
	s16 =	sand.u32 $0xFFFFFC00, s26;
	v36 =	vld [tilespmem:s24+$0x30];
	[tilespmem:s15+$0x3FF0 ss:$0x21] =	vst.msk $0xffff, v63  }
0x2b: {  	s13 =	sand.u32 $0x380, s13;
	s16 =	sadd.s32 s16, s27;
	v37 =	vld [tilespmem:s24+$0x40];
	[tilespmem:s15+$0x3180 ss:$0x21] =	vst.msk $0xffff, v32  }
0x2c: {  	s13 =	sor.u32 s13, s16;
	v38 =	vld [tilespmem:s24+$0x50];
	[tilespmem:s15+$0x0 ss:$0x21] =	vst.msk $0xffff, v33  }
0x2d: {  	v39 =	vld [tilespmem:s24+$0x60];
	s13 =	sshrl.u32 s13, $0x7;
	[tilespmem:s15+$0x210 ss:$0x21] =	vst.msk $0xffff, v34  }
0x2e: {  	v40 =	vld [tilespmem:s24+$0x70];
	s28 =	smulhi.u32 $0xAAAAAB, s13;
	[tilespmem:s15+$0x420 ss:$0x21] =	vst.msk $0xffff, v35  }
0x2f: {  	v41 =	vld [tilespmem:s24+$0x400];
	[tilespmem:s15+$0x630 ss:$0x21] =	vst.msk $0xffff, v36  }
0x30: {  	v42 =	vld [tilespmem:s24+$0x800];
	s16 =	sshrl.u32 s28, $0xC;
	[tilespmem:s15+$0x840 ss:$0x21] =	vst.msk $0xffff, v37  }
0x31: {  	s16 =	smul.u32 $0x180000, s16;
	[tilespmem:s15+$0xA50 ss:$0x21] =	vst.msk $0xffff, v38  }
0x32: {  	s29 =	sshrl.u32 s12, $0x3;
	[tilespmem:s15+$0xC60 ss:$0x21] =	vst.msk $0xffff, v39  }
0x33: {  	s31 =	sand.u32 $0x7, s12;
	s30 =	sand.u32 $0xF, s29;
	[tilespmem:s15+$0xE70 ss:$0x21] =	vst.msk $0xffff, v40;
	s13 =	ssub.s32 s13, s16  }
0x34: {  	s12 =	sshll.u32 s31, $0x12;
	[tilespmem:s15+$0x1080 ss:$0x21] =	vst.msk $0xffff, v41;
	s16 =	sadd.s32 s6, s30;
	s13 =	sshll.u32 s13, $0x4  }
0x35: {  	s12 =	sor.u32 $0x20, s12;
	[tilespmem:s15+$0x2100 ss:$0x21] =	vst.msk $0xffff, v42;
	s13 =	sadd.s32 s13, s16  }
0x36: {  	[hbm4b:s13+s12] =	stream.strided.scatter [tilespmem:s14], [sflag:$0x2], $0x4000, s8, s12, $0x10;
	[tilespmem:$0x10400] =	vst v63  }
.LBB1_5:
0x37: {  	s14 =	sadd.s32 $0x4000, s9  }
0x38: {  	s12 =	sadd.s32 $0x20, s10;
	s16 =	smov.u32 s10;
	p2 =	sgt.s32 s14, $0x17FFFF  }
0x39: {  	s16 =	smov.u32 @p2 s12  }
0x3a: {  	s14 =	smov.u32 @p2 s2;
	p2 =	sgt.s32 s16, $0x1F  }
0x3b: {  	s16 =	simm.s32 @p2 $0x0;
	p2 =	sne.s32 s11, s7  }
.Ltmp1:
0x3c: {  	p1 =	slt.u32 s11, $0x2;
	(pc) =	sbr.rel @!p2 .LBB1_6-.Ltmp1, $4  }
0x3d: {  	s15 =	simm.s32 @!p1 $0x2  }
0x3e: {  	s13 =	smov.u32 s9;
	p0 =	por !p0, !p0;
	_ =	swait.ge @!p1 [sflag:s15], $0x4000  }
0x3f: {  	s12 =	smov.u32 s10;
	[sflag:s15] =	ssyncset.done @!p1 $0x0;
	s9 =	smov.u32 s14  }
0x40: {  	s11 =	sadd.s32 $0x1, s11;
	[sflag:s15] =	ssyncadd.s32 @!p1 $0xFFFFC000;
	s10 =	smov.u32 s16  }
.LBB1_1:
0x41: {  	p1 =	sge.u32 s11, s5  }
0x42: {  	s14 =	sshrl.u32 @!p1 s10, $0x3  }
0x43: {  	s15 =	sshll.u32 @!p1 s9, $0x3;
	s16 =	sshll.u32 @!p1 s10, $0x7;
	s14 =	smul.u32 @!p1 $0xC00000, s14  }
0x44: {  	s17 =	sand.u32 @!p1 $0x7F, s9;
	s15 =	sand.u32 @!p1 $0xFFFFFC00, s15;
	s16 =	sand.u32 @!p1 $0x380, s16  }
0x45: {  	s14 =	sadd.s32 @!p1 s14, s15;
	s15 =	sor.u32 @!p1 s17, s16  }
0x46: {  	s15 =	sor.u32 @!p1 s14, s15  }
0x47: {  	s16 =	smulhi.u32 @!p1 $0xAAAAAAAB, s15;
	_ =	sdelay $0x1  }
0x48: {  	s14 =	smulhi.u32 @!p1 $0xAAAAAAAB, s14;
	s16 =	sshrl.u32 @!p1 s16, $0x14  }
0x49: {  	s16 =	smul.u32 @!p1 $0x180000, s16  }
0x4a: {  	s31 =	sadd.s32 $0xFFFFFFFF, s11;
	s17 =	sxor.u32 @!p1 $0xFFFFFFFF, s11;
	s14 =	sshrl.u32 @!p1 s14, $0x14  }
0x4b: {  	s17 =	sshll.u32 @!p1 s17, $0xE;
	s14 =	sand.u32 @!p1 $0x1F, s14;
	s15 =	ssub.s32 @!p1 s15, s16  }
0x4c: {  	s14 =	smul.u32 @!p1 $0x30000, s14;
	s16 =	sshrl.u32 @!p1 s15, $0x3;
	s15 =	sand.u32 @!p1 $0x7, s15  }
0x4d: {  	s17 =	sand.u32 @!p1 $0x4000, s17;
	s16 =	sadd.s32 @!p1 s3, s16;
	s15 =	sshll.u32 @!p1 s15, $0x12  }
0x4e: {  	s14 =	sadd.s32 @!p1 s14, s16;
	s15 =	sor.u32 @!p1 $0x1000, s15;
	s16 =	simm.s32 @!p1 $0xC00000  }
0x4f: {  	[tilespmem:s17], [sflag:$0x1] =	stream.strided.gather @!p1 [hbm4b:s14+s15], $0x4000, s16, s15, $0x38;
	[tilespmem:$0x10400] =	vst v63  }
0x50: {  	p1 =	sge.u32 s31, s5  }
.Ltmp2:
0x51: {  	_ = 	snop;
	(pc) =	sbr.rel @p1 .LBB1_5-.Ltmp2, $1  }
0x52: {  	_ =	sdelay $0x3  }
0x53: {  	s17 =	simm.s32 $0x0  }
0x54: {  	s16 =	sand.u32 $0x3000, s17;
	s18 =	sand.u32 $0x380, s17  }
0x55: {  	s14 =	sand.u32 $0x1, s11;
	s16 =	sor.u32 s18, s16  }
0x56: {  	_ =	swait.ge [sflag:s4], $0x4000;
	s15 =	sshll.u32 s14, $0xE;
	s18 =	sand.u32 $0x3200, s16  }
0x57: {  	[sflag:s4] =	ssyncset.done $0x0;
	s17 =	sand.u32 $0x180, s17;
	s18 =	sadd.s32 s18, s15  }
0x58: {  	[sflag:s4] =	ssyncadd.s32 $0xFFFFC000;
	s20 =	sadd.s32 s17, s18  }
0x59: {  	v4 =	vld [tilespmem:s20+$0xC00]  }
0x5a: {  	s19 =	simm.s32 $0x1;
	v0 =	vmov s15;
	v5 =	vld [tilespmem:s20+$0x0]  }
0x5b: {  	s19 =	simm.s32 @!p0 $0x0;
	v6 =	vld [tilespmem:s20+$0x10]  }
0x5c: {  	s31 =	smul.u32 $0x10800, s19;
	v7 =	vld [tilespmem:s20+$0x20]  }
0x5d: {  	v8 =	vld [tilespmem:s20+$0x30]  }
0x5e: {  	s17 =	sshrl.u32 s31, $0x2;
	v9 =	vld [tilespmem:s20+$0x40]  }
0x5f: {  	s17 =	sor.u32 $0x8000, s17;
	v1 =	vld.idx.msk [tilespmem:v0+s16+$0x410 ss:$0x1], $0xffff  }
0x60: {  	v2 =	vld.idx.msk [tilespmem:v0+s16+$0x420 ss:$0x1], $0xffff;
	s18 =	sadd.s32 $0x0, s17  }
0x61: {  	v3 =	vld.idx.msk [tilespmem:v0+s16+$0x430 ss:$0x1], $0xffff;
	[tilespmem:s18+$0x3180 ss:$0x21] =	vst.msk $0xffff, v4  }
0x62: {  	v10 =	vld.idx.msk [tilespmem:v0+s16+$0x820 ss:$0x1], $0xffff;
	[tilespmem:s18+$0x0 ss:$0x21] =	vst.msk $0xffff, v5  }
0x63: {  	v11 =	vld.idx.msk [tilespmem:v0+s16+$0x830 ss:$0x1], $0xffff;
	[tilespmem:s18+$0x210 ss:$0x21] =	vst.msk $0xffff, v6  }
0x64: {  	v12 =	vld.idx.msk [tilespmem:v0+s16+$0x840 ss:$0x1], $0xffff;
	[tilespmem:s18+$0x420 ss:$0x21] =	vst.msk $0xffff, v7  }
0x65: {  	v13 =	vld.idx.msk [tilespmem:v0+s16+$0x850 ss:$0x1], $0xffff;
	[tilespmem:s18+$0x630 ss:$0x21] =	vst.msk $0xffff, v8  }
0x66: {  	v4 =	vld [tilespmem:s20+$0x50];
	[tilespmem:s18+$0x840 ss:$0x21] =	vst.msk $0xffff, v9  }
0x67: {  	v5 =	vld [tilespmem:s20+$0x60];
	[tilespmem:s18+$0x1290 ss:$0x21] =	vst.msk $0xffff, v1  }
0x68: {  	v6 =	vld [tilespmem:s20+$0x70];
	[tilespmem:s18+$0x14A0 ss:$0x21] =	vst.msk $0xffff, v2  }
0x69: {  	v7 =	vld [tilespmem:s20+$0x400];
	[tilespmem:s18+$0x16B0 ss:$0x21] =	vst.msk $0xffff, v3  }
0x6a: {  	v8 =	vld [tilespmem:s20+$0x800];
	[tilespmem:s18+$0x2520 ss:$0x21] =	vst.msk $0xffff, v10  }
0x6b: {  	v9 =	vld.idx.msk [tilespmem:v0+s16+$0x470 ss:$0x1], $0xffff;
	[tilespmem:s18+$0x2730 ss:$0x21] =	vst.msk $0xffff, v11  }
0x6c: {  	v3 =	vld.idx.msk [tilespmem:v0+s16+$0xC10 ss:$0x1], $0xffff;
	[tilespmem:s18+$0x2940 ss:$0x21] =	vst.msk $0xffff, v12  }
0x6d: {  	v1 =	vld.idx.msk [tilespmem:v0+s16+$0xC20 ss:$0x1], $0xffff;
	[tilespmem:s18+$0x2B50 ss:$0x21] =	vst.msk $0xffff, v13  }
0x6e: {  	v2 =	vld.idx.msk [tilespmem:v0+s16+$0xC30 ss:$0x1], $0xffff;
	[tilespmem:s18+$0xA50 ss:$0x21] =	vst.msk $0xffff, v4  }
0x6f: {  	[tilespmem:s18+$0xE70 ss:$0x21] =	vst.msk $0xffff, v6;
	v6 =	vld.idx.msk [tilespmem:v0+s16+$0x460 ss:$0x1], $0xffff  }
0x70: {  	v4 =	vld.idx.msk [tilespmem:v0+s16+$0x440 ss:$0x1], $0xffff;
	[tilespmem:s18+$0xC60 ss:$0x21] =	vst.msk $0xffff, v5  }
0x71: {  	v5 =	vld.idx.msk [tilespmem:v0+s16+$0x450 ss:$0x1], $0xffff;
	[tilespmem:s18+$0x1080 ss:$0x21] =	vst.msk $0xffff, v7  }
0x72: {  	[tilespmem:s18+$0x2100 ss:$0x21] =	vst.msk $0xffff, v8;
	v8 =	vld.idx.msk [tilespmem:v0+s16+$0x810 ss:$0x1], $0xffff  }
0x73: {  	v7 =	vld.idx.msk [tilespmem:v0+s16+$0x860 ss:$0x1], $0xffff;
	[tilespmem:s18+$0x1EF0 ss:$0x21] =	vst.msk $0xffff, v9  }
0x74: {  	s14 =	smul.u32 $0x10800, s14;
	[tilespmem:s18+$0x1CE0 ss:$0x21] =	vst.msk $0xffff, v6;
	v6 =	vld.idx.msk [tilespmem:v0+s16+$0x870 ss:$0x1], $0xffff  }
0x75: {  	s21 =	simm.s32 $0x200;
	s22 =	simm.s32 $0x8;
	[tilespmem:s18+$0x18C0 ss:$0x21] =	vst.msk $0xffff, v4;
	v4 =	vld.idx.msk [tilespmem:v0+s16+$0xC40 ss:$0x1], $0xffff  }
0x76: {  	s23 =	sand.u32 $0x3000, s21;
	s14 =	sshrl.u32 s14, $0x2;
	s20 =	simm.s32 $0x80;
	[tilespmem:s18+$0x1AD0 ss:$0x21] =	vst.msk $0xffff, v5;
	v5 =	vld.idx.msk [tilespmem:v0+s16+$0xC50 ss:$0x1], $0xffff  }
0x77: {  	s19 =	simm.s32 $0x4;
	s14 =	sor.u32 $0x8000, s14;
	s24 =	sand.u32 $0x380, s20;
	[tilespmem:s18+$0x2310 ss:$0x21] =	vst.msk $0xffff, v8;
	v8 =	vld.idx.msk [tilespmem:v0+s16+$0xC60 ss:$0x1], $0xffff  }
.LBB1_3:
0x78: {  	p1 =	sne.s32 s22, $0x7C;
	[tilespmem:s18+$0x2D60 ss:$0x21] =	vst.msk $0xffff, v7;
	v7 =	vld.idx.msk [tilespmem:v0+s16+$0xC70 ss:$0x1], $0xffff;
	s16 =	sor.u32 s24, s23  }
0x79: {  	s23 =	sand.u32 $0x3200, s16;
	v9 =	vld.idx.msk [tilespmem:v0+s16+$0x410 ss:$0x1], $0xffff;
	[tilespmem:s18+$0x2F70 ss:$0x21] =	vst.msk $0xffff, v6  }
0x7a: {  	s24 =	sand.u32 $0x180, s20;
	s23 =	sadd.s32 s23, s15;
	v6 =	vld.idx.msk [tilespmem:v0+s16+$0x420 ss:$0x1], $0xffff;
	[tilespmem:s18+$0x3390 ss:$0x21] =	vst.msk $0xffff, v3  }
0x7b: {  	s23 =	sadd.s32 s24, s23;
	v3 =	vld.idx.msk [tilespmem:v0+s16+$0x430 ss:$0x1], $0xffff;
	[tilespmem:s18+$0x35A0 ss:$0x21] =	vst.msk $0xffff, v1  }
0x7c: {  	v1 =	vld [tilespmem:s23+$0xC00];
	[tilespmem:s18+$0x37B0 ss:$0x21] =	vst.msk $0xffff, v2  }
0x7d: {  	v2 =	vld [tilespmem:s23+$0x0];
	[tilespmem:s18+$0x39C0 ss:$0x21] =	vst.msk $0xffff, v4  }
0x7e: {  	v4 =	vld [tilespmem:s23+$0x10];
	[tilespmem:s18+$0x3BD0 ss:$0x21] =	vst.msk $0xffff, v5  }
0x7f: {  	s24 =	sshra.s32 s19, $0x2;
	s19 =	smov.u32 s22;
	v5 =	vld [tilespmem:s23+$0x20];
	[tilespmem:s18+$0x3DE0 ss:$0x21] =	vst.msk $0xffff, v8  }
0x80: {  	v8 =	vld [tilespmem:s23+$0x30];
	[tilespmem:s18+$0x3FF0 ss:$0x21] =	vst.msk $0xffff, v7;
	s18 =	sadd.s32 s24, s17  }
0x81: {  	v7 =	vld [tilespmem:s23+$0x40];
	[tilespmem:s18+$0x3180 ss:$0x21] =	vst.msk $0xffff, v1  }
0x82: {  	[tilespmem:s18+$0x0 ss:$0x21] =	vst.msk $0xffff, v2;
	v1 =	vld [tilespmem:s23+$0x50]  }
0x83: {  	[tilespmem:s18+$0x210 ss:$0x21] =	vst.msk $0xffff, v4;
	v2 =	vld [tilespmem:s23+$0x60]  }
0x84: {  	[tilespmem:s18+$0x420 ss:$0x21] =	vst.msk $0xffff, v5;
	v4 =	vld [tilespmem:s23+$0x70]  }
0x85: {  	[tilespmem:s18+$0x630 ss:$0x21] =	vst.msk $0xffff, v8;
	v5 =	vld [tilespmem:s23+$0x400]  }
0x86: {  	[tilespmem:s18+$0x840 ss:$0x21] =	vst.msk $0xffff, v7;
	v7 =	vld [tilespmem:s23+$0x800]  }
0x87: {  	[tilespmem:s18+$0xA50 ss:$0x21] =	vst.msk $0xffff, v1;
	v1 =	vld.idx.msk [tilespmem:v0+s16+$0x440 ss:$0x1], $0xffff  }
0x88: {  	[tilespmem:s18+$0xC60 ss:$0x21] =	vst.msk $0xffff, v2;
	v2 =	vld.idx.msk [tilespmem:v0+s16+$0x450 ss:$0x1], $0xffff  }
0x89: {  	[tilespmem:s18+$0xE70 ss:$0x21] =	vst.msk $0xffff, v4;
	v4 =	vld.idx.msk [tilespmem:v0+s16+$0x460 ss:$0x1], $0xffff  }
0x8a: {  	[tilespmem:s18+$0x1080 ss:$0x21] =	vst.msk $0xffff, v5;
	v5 =	vld.idx.msk [tilespmem:v0+s16+$0x470 ss:$0x1], $0xffff  }
0x8b: {  	[tilespmem:s18+$0x2100 ss:$0x21] =	vst.msk $0xffff, v7;
	v8 =	vld.idx.msk [tilespmem:v0+s16+$0x810 ss:$0x1], $0xffff  }
0x8c: {  	[tilespmem:s18+$0x1290 ss:$0x21] =	vst.msk $0xffff, v9;
	v9 =	vld.idx.msk [tilespmem:v0+s16+$0x820 ss:$0x1], $0xffff  }
0x8d: {  	[tilespmem:s18+$0x14A0 ss:$0x21] =	vst.msk $0xffff, v6;
	v10 =	vld.idx.msk [tilespmem:v0+s16+$0x830 ss:$0x1], $0xffff  }
0x8e: {  	[tilespmem:s18+$0x16B0 ss:$0x21] =	vst.msk $0xffff, v3;
	v11 =	vld.idx.msk [tilespmem:v0+s16+$0x840 ss:$0x1], $0xffff  }
0x8f: {  	[tilespmem:s18+$0x18C0 ss:$0x21] =	vst.msk $0xffff, v1;
	v12 =	vld.idx.msk [tilespmem:v0+s16+$0x850 ss:$0x1], $0xffff  }
0x90: {  	[tilespmem:s18+$0x1AD0 ss:$0x21] =	vst.msk $0xffff, v2;
	v7 =	vld.idx.msk [tilespmem:v0+s16+$0x860 ss:$0x1], $0xffff  }
0x91: {  	[tilespmem:s18+$0x1CE0 ss:$0x21] =	vst.msk $0xffff, v4;
	v6 =	vld.idx.msk [tilespmem:v0+s16+$0x870 ss:$0x1], $0xffff  }
0x92: {  	[tilespmem:s18+$0x1EF0 ss:$0x21] =	vst.msk $0xffff, v5;
	v3 =	vld.idx.msk [tilespmem:v0+s16+$0xC10 ss:$0x1], $0xffff  }
.Ltmp3:
0x93: {  	[tilespmem:s18+$0x2310 ss:$0x21] =	vst.msk $0xffff, v8;
	v1 =	vld.idx.msk [tilespmem:v0+s16+$0xC20 ss:$0x1], $0xffff;
	(pc) =	sbr.rel @p1 .LBB1_3-.Ltmp3, $4  }
0x94: {  	[tilespmem:s18+$0x2520 ss:$0x21] =	vst.msk $0xffff, v9;
	v2 =	vld.idx.msk [tilespmem:v0+s16+$0xC30 ss:$0x1], $0xffff  }
0x95: {  	[tilespmem:s18+$0x2730 ss:$0x21] =	vst.msk $0xffff, v10;
	v4 =	vld.idx.msk [tilespmem:v0+s16+$0xC40 ss:$0x1], $0xffff  }
0x96: {  	s20 =	sadd.s32 $0x80, s20;
	s21 =	sadd.s32 $0x200, s21;
	[tilespmem:s18+$0x2940 ss:$0x21] =	vst.msk $0xffff, v11;
	v5 =	vld.idx.msk [tilespmem:v0+s16+$0xC50 ss:$0x1], $0xffff  }
0x97: {  	s22 =	sadd.s32 $0x4, s22;
	s24 =	sand.u32 $0x380, s20;
	s23 =	sand.u32 $0x3000, s21;
	[tilespmem:s18+$0x2B50 ss:$0x21] =	vst.msk $0xffff, v12;
	v8 =	vld.idx.msk [tilespmem:v0+s16+$0xC60 ss:$0x1], $0xffff  }
.Ltmp4:
0x98: {  	_ = 	snop;
	(pc) =	sbr.rel .LBB1_4-.Ltmp4, $1  }
0x99: {  	_ =	sdelay $0x3  }
.LBB1_6:
0x9a: {  	_ =	sfence.sel $0x180000  }
0x9b: {  	s2 =	simm.s32 $0x1;
	[bflag:$0x0] =	sbarrier.arrive $0xFFFF  }
0x9c: {  	s31 =	simm.s32 $0x2;
	[sflag:s2] =	ssyncpa.u1 $0x1  }
0x9d: {  	[sflag:s31] =	ssyncpa.u1 $0x1  }
0x9e: {  	p0 =	sne.s32 s0, $0x0;
	_ =	strace $0x9000004D  }
0x9f: {  	s0 =	sadd.s32 @!p0 $0x100000, s1;
	[bflag:$0x2] =	sbarrier.arrive $0xFFFF  }
0xa0: {  	[sflag:s0] =	ssyncadd.tile.s32 @!p0 $0x1;
	_ =	shalt  }
.Lfunc_end1:
_tile_overlayer_lowered:
.L_overlay_start_2:
0xa1: {  	(tag) =	ssettag $0x2  }
0xa2: {  	s0 =	rddreg [dreg:$0x0];
	s2 =	stileid.u32  }
0xa3: {  	s1 =	rddreg [dreg:$0x1];
	p0 =	sne.s32 s2, $0x0  }
0xa4: {  	s3 =	rddreg [dreg:$0x2];
	[bflag:$0x3] =	sbarrier.arrive $0xFFFF;
	s2 =	simm.s32 @!p0 $0x1C01  }
0xa5: {  	[timem:s3], [sflag:s2] =	dma.local @!p0 [hbm:s0], s1  }
0xa6: {  	s0 =	simm.s32 @!p0 $0x1  }
0xa7: {  	_ =	swait.ge @!p0 [sflag:s0], s1  }
0xa8: {  	s1 =	ssub.s32 @!p0 $0x0, s1;
	[sflag:s0] =	ssyncset.done @!p0 $0x0  }
0xa9: {  	[sflag:s0] =	ssyncadd.s32 @!p0 s1  }
0xaa: {  	[bflag:$0x3] =	sbarrier.arrive $0xFFFF  }
0xab: {  	_ =	shalt  }

</sc_bundles>
